<compile_context>
chip_gen: v7x
topology: tpu7x:2x2x1
jax: 0.10.2.dev20260603
libtpu: 0.0.44.dev20260713+nightly
codegen_flags: <defaults>
</compile_context>

<pallas_src>
import jax
import jax.numpy as jnp
from jax import lax
from jax.experimental import pallas as pl
from jax.experimental.pallas import tpu as pltpu
from jax.experimental.pallas import tpu_sc as plsc

DIM = 384
NPAIR = 100 * 50
NC, NS, L = 2, 16, 16
NW = NC * NS
K = 160
NCHUNK = 2
CK = K // NCHUNK
NACC = DIM // L
GR = 8
NG = K // GR


def _bcast(w16, idx):
    return lax.gather(
        w16, jnp.full((L,), idx, jnp.int32)[:, None],
        lax.GatherDimensionNumbers(offset_dims=(),
                                   collapsed_slice_dims=(0,),
                                   start_index_map=(0,)),
        slice_sizes=(1,),
        mode=lax.GatherScatterMode.PROMISE_IN_BOUNDS)


def _sc_body(table_hbm, idx_hbm, w_hbm, out_hbm,
             idx_v, w_v, rows_v, acc_v, sem0, sem1, sem2):
    wid = lax.axis_index("s") * NC + lax.axis_index("c")
    vstart = wid * K
    base = jnp.minimum(vstart, NPAIR - K)

    ci0 = pltpu.async_copy(idx_hbm.at[pl.ds(base, CK)], idx_v.at[0], sem0)
    ci1 = pltpu.async_copy(idx_hbm.at[pl.ds(base + CK, CK)], idx_v.at[1],
                           sem1)
    cw = pltpu.async_copy(w_hbm.at[pl.ds(base, K)], w_v, sem2)
    ci0.wait()
    cp0 = pltpu.async_copy(table_hbm.at[idx_v.at[0]], rows_v.at[pl.ds(0, CK)],
                           sem0)
    ci1.wait()
    cp1 = pltpu.async_copy(table_hbm.at[idx_v.at[1]],
                           rows_v.at[pl.ds(CK, CK)], sem1)

    zero = jnp.zeros((L,), jnp.float32)
    for c in range(NACC):
        acc_v[pl.ds(c * L, L)] = zero

    lane = lax.iota(jnp.int32, L)
    cw.wait()
    cp0.wait()
    cp1.wait()

    def body(g, carry):
        off16 = (g // 2) * L
        rbase = (g % 2) * GR
        rowb = g * GR
        pair = (base + off16) + lane
        w16 = jnp.where(pair >= vstart, w_v[pl.ds(off16, L)], 0.0)
        third = NACC // 3
        for h in range(3):
            acc = [None] * third
            for r in range(GR):
                wv = _bcast(w16, rbase + r)
                for ci in range(third):
                    c = h * third + ci
                    t = wv * rows_v[rowb + r, pl.ds(c * L, L)]
                    acc[ci] = t if acc[ci] is None else acc[ci] + t
            for ci in range(third):
                c = h * third + ci
                plsc.addupdate(acc_v.at[pl.ds(c * L, L)], acc[ci])
        return carry

    lax.fori_loop(0, NG, body, 0)
    pltpu.sync_copy(acc_v, out_hbm.at[wid])


_sc_partials = pl.kernel(
    _sc_body,
    out_type=jax.ShapeDtypeStruct((NW, DIM), jnp.float32),
    mesh=plsc.VectorSubcoreMesh(core_axis_name="c", subcore_axis_name="s",
                                num_cores=NC, num_subcores=NS),
    scratch_types=[
        pltpu.VMEM((NCHUNK, CK), jnp.int32),
        pltpu.VMEM((K,), jnp.float32),
        pltpu.VMEM((K, DIM), jnp.float32),
        pltpu.VMEM((DIM,), jnp.float32),
        pltpu.SemaphoreType.DMA,
        pltpu.SemaphoreType.DMA,
        pltpu.SemaphoreType.DMA,
    ],
)


def _finish_body(parts_ref, out_ref):
    s = jnp.sum(parts_ref[...], axis=0, keepdims=True)
    ss = jnp.sum(s * s)
    out_ref[...] = s * lax.rsqrt(ss)


_finish = pl.pallas_call(
    _finish_body,
    out_shape=jax.ShapeDtypeStruct((1, DIM), jnp.float32),
)


def kernel(subject_table, subject_idx, subtopic_weights, topic_weights):
    idx_flat = subject_idx.reshape(-1).astype(jnp.int32)
    w_flat = (topic_weights[:, None] * subtopic_weights).reshape(-1)
    parts = _sc_partials(subject_table, idx_flat, w_flat)
    return _finish(parts).reshape(DIM)

# --- scband reference (transcript-rebuilt; emitter-appended) ---
"""Pipeline reference for scband-user-interest-model-29437705847049 (READ-ONLY COPY).

The authoritative reference and input builder live on the scoring server;
editing this copy changes nothing except your own understanding.
"""

import jax, jax.numpy as jnp
import numpy as np

N_TOPICS = 100
N_SUB = 50
VOCAB = 100000
DIM = 384


def setup_inputs(seed: int = 0) -> dict:
    key = jax.random.key(seed)
    k1, k2, k3, k4 = jax.random.split(key, 4)
    subject_table = jax.random.normal(k1, (VOCAB, DIM), dtype=jnp.float32)
    subject_idx = jax.random.randint(k2, (N_TOPICS, N_SUB), 0, VOCAB, dtype=jnp.int32)
    subtopic_weights = jax.random.normal(k3, (N_TOPICS, N_SUB), dtype=jnp.float32)
    topic_weights = jax.random.normal(k4, (N_TOPICS,), dtype=jnp.float32)
    return {
        "subject_table": subject_table,
        "subject_idx": subject_idx,
        "subtopic_weights": subtopic_weights,
        "topic_weights": topic_weights,
    }


def reference(subject_table, subject_idx, subtopic_weights, topic_weights):
    # Faithful translation of UserInterestModel.forward:
    # for each topic i: temp_vec = sum_j subject_vec[idx[i,j]] * subtopic_weights[i,j]
    # user_vector = sum_i temp_vec * topic_weights[i]; then L2-normalize.
    # The original pads ragged subtopic lists with zero weights, so a dense
    # [N_TOPICS, N_SUB] index/weight layout with zero-padded weights is exact.
    gathered = jnp.take(subject_table, subject_idx, axis=0)  # [T, S, D] gather (embedding lookup)
    temp_vecs = jnp.sum(subtopic_weights[:, :, None] * gathered, axis=1)  # [T, D]
    user_vector = jnp.sum(topic_weights[:, None] * temp_vecs, axis=0)  # [D]
    user_vector = user_vector / jnp.linalg.norm(user_vector)
    return user_vector

if __name__ == "__main__":
    import jax
    _d = setup_inputs()
    print(jax.jit(kernel)(*tuple(_d.values())))

</pallas_src>

<mosaic_0001>
#map = affine_map<(d0, d1) -> (0, 0)>
#map1 = affine_map<(d0, d1) -> (0)>
module attributes {stable_mosaic.version = 14 : i64} {
  func.func @_sc_body(%arg0: i32, %arg1: i32, %arg2: memref<100000x384xf32, #tpu.memory_space<hbm>>, %arg3: memref<5000xi32, #tpu.memory_space<hbm>>, %arg4: memref<5000xf32, #tpu.memory_space<hbm>>, %arg5: memref<32x384xf32, #tpu.memory_space<hbm>>, %arg6: memref<2x80xi32, #tpu.memory_space<vmem>>, %arg7: memref<160xf32, #tpu.memory_space<vmem>>, %arg8: memref<160x384xf32, #tpu.memory_space<vmem>>, %arg9: memref<384xf32, #tpu.memory_space<vmem>>, %arg10: memref<!tpu.dma_semaphore, #tpu.memory_space<semaphore_mem>>, %arg11: memref<!tpu.dma_semaphore, #tpu.memory_space<semaphore_mem>>, %arg12: memref<!tpu.dma_semaphore, #tpu.memory_space<semaphore_mem>>) attributes {dimension_semantics = [#tpu.dimension_semantics<core_parallel>, #tpu.dimension_semantics<subcore_parallel>], iteration_bounds = array<i64: 2, 16>, scalar_prefetch = 0 : i64, scratch_operands = 7 : i64, tpu.core_type = #tpu.core_type<sc_vector_subcore>, window_params = [{transform_indices = #map}, {transform_indices = #map1}, {transform_indices = #map1}, {transform_indices = #map}]} {
    %mul3A = arith.constant 2 : i32
    %mul3A_0 = arith.muli %arg1, %mul3A : i32
    %add3A = arith.addi %mul3A_0, %arg0 : i32
    %mul3A_1 = arith.constant 160 : i32
    %mul3A_2 = arith.muli %add3A, %mul3A_1 : i32
    %min3A = arith.constant 4840 : i32
    %min3A_3 = arith.minsi %mul3A_2, %min3A : i32
    %dma_start3A = arith.constant 0 : i32
    %dma_start3A_4 = arith.constant 0 : i32
    %dma_start3A_5 = tpu.memref_slice %arg6[%dma_start3A, %dma_start3A_4] : memref<2x80xi32, #tpu.memory_space<vmem>> -> memref<1x80xi32, #tpu.memory_space<vmem>>
    %dma_start3A_6 = tpu.memref_squeeze %dma_start3A_5 : memref<1x80xi32, #tpu.memory_space<vmem>> -> memref<80xi32, #tpu.memory_space<vmem>>
    %dma_start3A_7 = tpu.memref_slice %arg3[%min3A_3] : memref<5000xi32, #tpu.memory_space<hbm>> -> memref<80xi32, #tpu.memory_space<hbm>>
    %dma_start3A_8 = arith.constant 0 : i32
    %dma_start3A_9 = tpu.memref_slice %arg6[%dma_start3A, %dma_start3A_8] : memref<2x80xi32, #tpu.memory_space<vmem>> -> memref<1x80xi32, #tpu.memory_space<vmem>>
    %dma_start3A_10 = tpu.memref_squeeze %dma_start3A_9 : memref<1x80xi32, #tpu.memory_space<vmem>> -> memref<80xi32, #tpu.memory_space<vmem>>
    %dma_start3A_11 = tpu.memref_slice %arg3[%min3A_3] : memref<5000xi32, #tpu.memory_space<hbm>> -> memref<80xi32, #tpu.memory_space<hbm>>
    tpu.enqueue_dma source(%dma_start3A_11 : memref<80xi32, #tpu.memory_space<hbm>>) target(%dma_start3A_10 : memref<80xi32, #tpu.memory_space<vmem>>) target_semaphore(%arg10 : memref<!tpu.dma_semaphore, #tpu.memory_space<semaphore_mem>>)
    %add3A_12 = arith.constant 80 : i32
    %add3A_13 = arith.addi %min3A_3, %add3A_12 : i32
    %dma_start3A_14 = arith.constant 1 : i32
    %dma_start3A_15 = arith.constant 0 : i32
    %dma_start3A_16 = tpu.memref_slice %arg6[%dma_start3A_14, %dma_start3A_15] : memref<2x80xi32, #tpu.memory_space<vmem>> -> memref<1x80xi32, #tpu.memory_space<vmem>>
    %dma_start3A_17 = tpu.memref_squeeze %dma_start3A_16 : memref<1x80xi32, #tpu.memory_space<vmem>> -> memref<80xi32, #tpu.memory_space<vmem>>
    %dma_start3A_18 = tpu.memref_slice %arg3[%add3A_13] : memref<5000xi32, #tpu.memory_space<hbm>> -> memref<80xi32, #tpu.memory_space<hbm>>
    %dma_start3A_19 = arith.constant 0 : i32
    %dma_start3A_20 = tpu.memref_slice %arg6[%dma_start3A_14, %dma_start3A_19] : memref<2x80xi32, #tpu.memory_space<vmem>> -> memref<1x80xi32, #tpu.memory_space<vmem>>
    %dma_start3A_21 = tpu.memref_squeeze %dma_start3A_20 : memref<1x80xi32, #tpu.memory_space<vmem>> -> memref<80xi32, #tpu.memory_space<vmem>>
    %dma_start3A_22 = tpu.memref_slice %arg3[%add3A_13] : memref<5000xi32, #tpu.memory_space<hbm>> -> memref<80xi32, #tpu.memory_space<hbm>>
    tpu.enqueue_dma source(%dma_start3A_22 : memref<80xi32, #tpu.memory_space<hbm>>) target(%dma_start3A_21 : memref<80xi32, #tpu.memory_space<vmem>>) target_semaphore(%arg11 : memref<!tpu.dma_semaphore, #tpu.memory_space<semaphore_mem>>)
    %dma_start3A_23 = tpu.memref_slice %arg4[%min3A_3] : memref<5000xf32, #tpu.memory_space<hbm>> -> memref<160xf32, #tpu.memory_space<hbm>>
    %dma_start3A_24 = tpu.memref_slice %arg4[%min3A_3] : memref<5000xf32, #tpu.memory_space<hbm>> -> memref<160xf32, #tpu.memory_space<hbm>>
    tpu.enqueue_dma source(%dma_start3A_24 : memref<160xf32, #tpu.memory_space<hbm>>) target(%arg7 : memref<160xf32, #tpu.memory_space<vmem>>) target_semaphore(%arg12 : memref<!tpu.dma_semaphore, #tpu.memory_space<semaphore_mem>>)
    %dma_wait3A = arith.constant 0 : i32
    %dma_wait3A_25 = arith.constant 0 : i32
    %dma_wait3A_26 = tpu.memref_slice %arg6[%dma_wait3A, %dma_wait3A_25] : memref<2x80xi32, #tpu.memory_space<vmem>> -> memref<1x80xi32, #tpu.memory_space<vmem>>
    %dma_wait3A_27 = tpu.memref_squeeze %dma_wait3A_26 : memref<1x80xi32, #tpu.memory_space<vmem>> -> memref<80xi32, #tpu.memory_space<vmem>>
    %dma_wait3A_28 = tpu.memref_slice %arg3[%min3A_3] : memref<5000xi32, #tpu.memory_space<hbm>> -> memref<80xi32, #tpu.memory_space<hbm>>
    %dma_wait3A_29 = arith.constant 0 : i32
    %dma_wait3A_30 = tpu.memref_slice %arg6[%dma_wait3A, %dma_wait3A_29] : memref<2x80xi32, #tpu.memory_space<vmem>> -> memref<1x80xi32, #tpu.memory_space<vmem>>
    %dma_wait3A_31 = tpu.memref_squeeze %dma_wait3A_30 : memref<1x80xi32, #tpu.memory_space<vmem>> -> memref<80xi32, #tpu.memory_space<vmem>>
    %dma_wait3A_32 = tpu.memref_slice %arg3[%min3A_3] : memref<5000xi32, #tpu.memory_space<hbm>> -> memref<80xi32, #tpu.memory_space<hbm>>
    tpu.wait_dma2 semaphore(%arg10 : memref<!tpu.dma_semaphore, #tpu.memory_space<semaphore_mem>>) src(%dma_wait3A_32 : memref<80xi32, #tpu.memory_space<hbm>>) dst(%dma_wait3A_31 : memref<80xi32, #tpu.memory_space<vmem>>)
    %dma_start3A_33 = arith.constant 0 : i32
    %dma_start3A_34 = arith.constant 0 : i32
    %dma_start3A_35 = arith.constant 0 : i32
    %dma_start3A_36 = tpu.memref_slice %arg8[%dma_start3A_34, %dma_start3A_35] : memref<160x384xf32, #tpu.memory_space<vmem>> -> memref<80x384xf32, #tpu.memory_space<vmem>>
    %dma_start3A_37 = arith.constant 0 : i32
    %dma_start3A_38 = tpu.memref_slice %arg6[%dma_start3A_33, %dma_start3A_37] : memref<2x80xi32, #tpu.memory_space<vmem>> -> memref<1x80xi32, #tpu.memory_space<vmem>>
    %dma_start3A_39 = tpu.memref_squeeze %dma_start3A_38 : memref<1x80xi32, #tpu.memory_space<vmem>> -> memref<80xi32, #tpu.memory_space<vmem>>
    %dma_start3A_40 = arith.constant 0 : i32
    %dma_start3A_41 = arith.constant 0 : i32
    %dma_start3A_42 = tpu.memref_slice %arg2[%dma_start3A_40, %dma_start3A_41] : memref<100000x384xf32, #tpu.memory_space<hbm>> -> memref<100000x384xf32, #tpu.memory_space<hbm>>
    tpu.enqueue_indirect_dma source(%dma_start3A_42 : memref<100000x384xf32, #tpu.memory_space<hbm>>) target(%dma_start3A_36 : memref<80x384xf32, #tpu.memory_space<vmem>>) offsets(%dma_start3A_39 : memref<80xi32, #tpu.memory_space<vmem>>) semaphore(%arg10 : memref<!tpu.dma_semaphore, #tpu.memory_space<semaphore_mem>>)
    %dma_wait3A_43 = arith.constant 1 : i32
    %dma_wait3A_44 = arith.constant 0 : i32
    %dma_wait3A_45 = tpu.memref_slice %arg6[%dma_wait3A_43, %dma_wait3A_44] : memref<2x80xi32, #tpu.memory_space<vmem>> -> memref<1x80xi32, #tpu.memory_space<vmem>>
    %dma_wait3A_46 = tpu.memref_squeeze %dma_wait3A_45 : memref<1x80xi32, #tpu.memory_space<vmem>> -> memref<80xi32, #tpu.memory_space<vmem>>
    %dma_wait3A_47 = tpu.memref_slice %arg3[%add3A_13] : memref<5000xi32, #tpu.memory_space<hbm>> -> memref<80xi32, #tpu.memory_space<hbm>>
    %dma_wait3A_48 = arith.constant 0 : i32
    %dma_wait3A_49 = tpu.memref_slice %arg6[%dma_wait3A_43, %dma_wait3A_48] : memref<2x80xi32, #tpu.memory_space<vmem>> -> memref<1x80xi32, #tpu.memory_space<vmem>>
    %dma_wait3A_50 = tpu.memref_squeeze %dma_wait3A_49 : memref<1x80xi32, #tpu.memory_space<vmem>> -> memref<80xi32, #tpu.memory_space<vmem>>
    %dma_wait3A_51 = tpu.memref_slice %arg3[%add3A_13] : memref<5000xi32, #tpu.memory_space<hbm>> -> memref<80xi32, #tpu.memory_space<hbm>>
    tpu.wait_dma2 semaphore(%arg11 : memref<!tpu.dma_semaphore, #tpu.memory_space<semaphore_mem>>) src(%dma_wait3A_51 : memref<80xi32, #tpu.memory_space<hbm>>) dst(%dma_wait3A_50 : memref<80xi32, #tpu.memory_space<vmem>>)
    %dma_start3A_52 = arith.constant 1 : i32
    %dma_start3A_53 = arith.constant 80 : i32
    %dma_start3A_54 = arith.constant 0 : i32
    %dma_start3A_55 = tpu.memref_slice %arg8[%dma_start3A_53, %dma_start3A_54] : memref<160x384xf32, #tpu.memory_space<vmem>> -> memref<80x384xf32, #tpu.memory_space<vmem>>
    %dma_start3A_56 = arith.constant 0 : i32
    %dma_start3A_57 = tpu.memref_slice %arg6[%dma_start3A_52, %dma_start3A_56] : memref<2x80xi32, #tpu.memory_space<vmem>> -> memref<1x80xi32, #tpu.memory_space<vmem>>
    %dma_start3A_58 = tpu.memref_squeeze %dma_start3A_57 : memref<1x80xi32, #tpu.memory_space<vmem>> -> memref<80xi32, #tpu.memory_space<vmem>>
    %dma_start3A_59 = arith.constant 0 : i32
    %dma_start3A_60 = arith.constant 0 : i32
    %dma_start3A_61 = tpu.memref_slice %arg2[%dma_start3A_59, %dma_start3A_60] : memref<100000x384xf32, #tpu.memory_space<hbm>> -> memref<100000x384xf32, #tpu.memory_space<hbm>>
    tpu.enqueue_indirect_dma source(%dma_start3A_61 : memref<100000x384xf32, #tpu.memory_space<hbm>>) target(%dma_start3A_55 : memref<80x384xf32, #tpu.memory_space<vmem>>) offsets(%dma_start3A_58 : memref<80xi32, #tpu.memory_space<vmem>>) semaphore(%arg11 : memref<!tpu.dma_semaphore, #tpu.memory_space<semaphore_mem>>)
    %broadcast_in_dim3A = arith.constant 0.000000e+00 : f32
    %broadcast_in_dim3A_62 = vector.broadcast %broadcast_in_dim3A : f32 to vector<16xf32>
    %swap3A = arith.constant 0 : index
    %swap3A_63 = tpu.vector_load %arg9[%swap3A] {strides = array<i32>} : memref<384xf32, #tpu.memory_space<vmem>>, vector<16xf32>,
    %swap3A_64 = vector.shape_cast %swap3A_63 : vector<16xf32> to vector<16xf32>
    %swap3A_65 = vector.shape_cast %broadcast_in_dim3A_62 : vector<16xf32> to vector<16xf32>
    tpu.vector_store %arg9[%swap3A], %swap3A_65 {strides = array<i32>} : memref<384xf32, #tpu.memory_space<vmem>>, vector<16xf32>,
    %swap3A_66 = arith.constant 16 : index
    %swap3A_67 = tpu.vector_load %arg9[%swap3A_66] {strides = array<i32>} : memref<384xf32, #tpu.memory_space<vmem>>, vector<16xf32>,
    %swap3A_68 = vector.shape_cast %swap3A_67 : vector<16xf32> to vector<16xf32>
    %swap3A_69 = vector.shape_cast %broadcast_in_dim3A_62 : vector<16xf32> to vector<16xf32>
    tpu.vector_store %arg9[%swap3A_66], %swap3A_69 {strides = array<i32>} : memref<384xf32, #tpu.memory_space<vmem>>, vector<16xf32>,
    %swap3A_70 = arith.constant 32 : index
    %swap3A_71 = tpu.vector_load %arg9[%swap3A_70] {strides = array<i32>} : memref<384xf32, #tpu.memory_space<vmem>>, vector<16xf32>,
    %swap3A_72 = vector.shape_cast %swap3A_71 : vector<16xf32> to vector<16xf32>
    %swap3A_73 = vector.shape_cast %broadcast_in_dim3A_62 : vector<16xf32> to vector<16xf32>
    tpu.vector_store %arg9[%swap3A_70], %swap3A_73 {strides = array<i32>} : memref<384xf32, #tpu.memory_space<vmem>>, vector<16xf32>,
    %swap3A_74 = arith.constant 48 : index
    %swap3A_75 = tpu.vector_load %arg9[%swap3A_74] {strides = array<i32>} : memref<384xf32, #tpu.memory_space<vmem>>, vector<16xf32>,
    %swap3A_76 = vector.shape_cast %swap3A_75 : vector<16xf32> to vector<16xf32>
    %swap3A_77 = vector.shape_cast %broadcast_in_dim3A_62 : vector<16xf32> to vector<16xf32>
    tpu.vector_store %arg9[%swap3A_74], %swap3A_77 {strides = array<i32>} : memref<384xf32, #tpu.memory_space<vmem>>, vector<16xf32>,
    %swap3A_78 = arith.constant 64 : index
    %swap3A_79 = tpu.vector_load %arg9[%swap3A_78] {strides = array<i32>} : memref<384xf32, #tpu.memory_space<vmem>>, vector<16xf32>,
    %swap3A_80 = vector.shape_cast %swap3A_79 : vector<16xf32> to vector<16xf32>
    %swap3A_81 = vector.shape_cast %broadcast_in_dim3A_62 : vector<16xf32> to vector<16xf32>
    tpu.vector_store %arg9[%swap3A_78], %swap3A_81 {strides = array<i32>} : memref<384xf32, #tpu.memory_space<vmem>>, vector<16xf32>,
    %swap3A_82 = arith.constant 80 : index
    %swap3A_83 = tpu.vector_load %arg9[%swap3A_82] {strides = array<i32>} : memref<384xf32, #tpu.memory_space<vmem>>, vector<16xf32>,
    %swap3A_84 = vector.shape_cast %swap3A_83 : vector<16xf32> to vector<16xf32>
    %swap3A_85 = vector.shape_cast %broadcast_in_dim3A_62 : vector<16xf32> to vector<16xf32>
    tpu.vector_store %arg9[%swap3A_82], %swap3A_85 {strides = array<i32>} : memref<384xf32, #tpu.memory_space<vmem>>, vector<16xf32>,
    %swap3A_86 = arith.constant 96 : index
    %swap3A_87 = tpu.vector_load %arg9[%swap3A_86] {strides = array<i32>} : memref<384xf32, #tpu.memory_space<vmem>>, vector<16xf32>,
    %swap3A_88 = vector.shape_cast %swap3A_87 : vector<16xf32> to vector<16xf32>
    %swap3A_89 = vector.shape_cast %broadcast_in_dim3A_62 : vector<16xf32> to vector<16xf32>
    tpu.vector_store %arg9[%swap3A_86], %swap3A_89 {strides = array<i32>} : memref<384xf32, #tpu.memory_space<vmem>>, vector<16xf32>,
    %swap3A_90 = arith.constant 112 : index
    %swap3A_91 = tpu.vector_load %arg9[%swap3A_90] {strides = array<i32>} : memref<384xf32, #tpu.memory_space<vmem>>, vector<16xf32>,
    %swap3A_92 = vector.shape_cast %swap3A_91 : vector<16xf32> to vector<16xf32>
    %swap3A_93 = vector.shape_cast %broadcast_in_dim3A_62 : vector<16xf32> to vector<16xf32>
    tpu.vector_store %arg9[%swap3A_90], %swap3A_93 {strides = array<i32>} : memref<384xf32, #tpu.memory_space<vmem>>, vector<16xf32>,
    %swap3A_94 = arith.constant 128 : index
    %swap3A_95 = tpu.vector_load %arg9[%swap3A_94] {strides = array<i32>} : memref<384xf32, #tpu.memory_space<vmem>>, vector<16xf32>,
    %swap3A_96 = vector.shape_cast %swap3A_95 : vector<16xf32> to vector<16xf32>
    %swap3A_97 = vector.shape_cast %broadcast_in_dim3A_62 : vector<16xf32> to vector<16xf32>
    tpu.vector_store %arg9[%swap3A_94], %swap3A_97 {strides = array<i32>} : memref<384xf32, #tpu.memory_space<vmem>>, vector<16xf32>,
    %swap3A_98 = arith.constant 144 : index
    %swap3A_99 = tpu.vector_load %arg9[%swap3A_98] {strides = array<i32>} : memref<384xf32, #tpu.memory_space<vmem>>, vector<16xf32>,
    %swap3A_100 = vector.shape_cast %swap3A_99 : vector<16xf32> to vector<16xf32>
    %swap3A_101 = vector.shape_cast %broadcast_in_dim3A_62 : vector<16xf32> to vector<16xf32>
    tpu.vector_store %arg9[%swap3A_98], %swap3A_101 {strides = array<i32>} : memref<384xf32, #tpu.memory_space<vmem>>, vector<16xf32>,
    %swap3A_102 = arith.constant 160 : index
    %swap3A_103 = tpu.vector_load %arg9[%swap3A_102] {strides = array<i32>} : memref<384xf32, #tpu.memory_space<vmem>>, vector<16xf32>,
    %swap3A_104 = vector.shape_cast %swap3A_103 : vector<16xf32> to vector<16xf32>
    %swap3A_105 = vector.shape_cast %broadcast_in_dim3A_62 : vector<16xf32> to vector<16xf32>
    tpu.vector_store %arg9[%swap3A_102], %swap3A_105 {strides = array<i32>} : memref<384xf32, #tpu.memory_space<vmem>>, vector<16xf32>,
    %swap3A_106 = arith.constant 176 : index
    %swap3A_107 = tpu.vector_load %arg9[%swap3A_106] {strides = array<i32>} : memref<384xf32, #tpu.memory_space<vmem>>, vector<16xf32>,
    %swap3A_108 = vector.shape_cast %swap3A_107 : vector<16xf32> to vector<16xf32>
    %swap3A_109 = vector.shape_cast %broadcast_in_dim3A_62 : vector<16xf32> to vector<16xf32>
    tpu.vector_store %arg9[%swap3A_106], %swap3A_109 {strides = array<i32>} : memref<384xf32, #tpu.memory_space<vmem>>, vector<16xf32>,
    %swap3A_110 = arith.constant 192 : index
    %swap3A_111 = tpu.vector_load %arg9[%swap3A_110] {strides = array<i32>} : memref<384xf32, #tpu.memory_space<vmem>>, vector<16xf32>,
    %swap3A_112 = vector.shape_cast %swap3A_111 : vector<16xf32> to vector<16xf32>
    %swap3A_113 = vector.shape_cast %broadcast_in_dim3A_62 : vector<16xf32> to vector<16xf32>
    tpu.vector_store %arg9[%swap3A_110], %swap3A_113 {strides = array<i32>} : memref<384xf32, #tpu.memory_space<vmem>>, vector<16xf32>,
    %swap3A_114 = arith.constant 208 : index
    %swap3A_115 = tpu.vector_load %arg9[%swap3A_114] {strides = array<i32>} : memref<384xf32, #tpu.memory_space<vmem>>, vector<16xf32>,
    %swap3A_116 = vector.shape_cast %swap3A_115 : vector<16xf32> to vector<16xf32>
    %swap3A_117 = vector.shape_cast %broadcast_in_dim3A_62 : vector<16xf32> to vector<16xf32>
    tpu.vector_store %arg9[%swap3A_114], %swap3A_117 {strides = array<i32>} : memref<384xf32, #tpu.memory_space<vmem>>, vector<16xf32>,
    %swap3A_118 = arith.constant 224 : index
    %swap3A_119 = tpu.vector_load %arg9[%swap3A_118] {strides = array<i32>} : memref<384xf32, #tpu.memory_space<vmem>>, vector<16xf32>,
    %swap3A_120 = vector.shape_cast %swap3A_119 : vector<16xf32> to vector<16xf32>
    %swap3A_121 = vector.shape_cast %broadcast_in_dim3A_62 : vector<16xf32> to vector<16xf32>
    tpu.vector_store %arg9[%swap3A_118], %swap3A_121 {strides = array<i32>} : memref<384xf32, #tpu.memory_space<vmem>>, vector<16xf32>,
    %swap3A_122 = arith.constant 240 : index
    %swap3A_123 = tpu.vector_load %arg9[%swap3A_122] {strides = array<i32>} : memref<384xf32, #tpu.memory_space<vmem>>, vector<16xf32>,
    %swap3A_124 = vector.shape_cast %swap3A_123 : vector<16xf32> to vector<16xf32>
    %swap3A_125 = vector.shape_cast %broadcast_in_dim3A_62 : vector<16xf32> to vector<16xf32>
    tpu.vector_store %arg9[%swap3A_122], %swap3A_125 {strides = array<i32>} : memref<384xf32, #tpu.memory_space<vmem>>, vector<16xf32>,
    %swap3A_126 = arith.constant 256 : index
    %swap3A_127 = tpu.vector_load %arg9[%swap3A_126] {strides = array<i32>} : memref<384xf32, #tpu.memory_space<vmem>>, vector<16xf32>,
    %swap3A_128 = vector.shape_cast %swap3A_127 : vector<16xf32> to vector<16xf32>
    %swap3A_129 = vector.shape_cast %broadcast_in_dim3A_62 : vector<16xf32> to vector<16xf32>
    tpu.vector_store %arg9[%swap3A_126], %swap3A_129 {strides = array<i32>} : memref<384xf32, #tpu.memory_space<vmem>>, vector<16xf32>,
    %swap3A_130 = arith.constant 272 : index
    %swap3A_131 = tpu.vector_load %arg9[%swap3A_130] {strides = array<i32>} : memref<384xf32, #tpu.memory_space<vmem>>, vector<16xf32>,
    %swap3A_132 = vector.shape_cast %swap3A_131 : vector<16xf32> to vector<16xf32>
    %swap3A_133 = vector.shape_cast %broadcast_in_dim3A_62 : vector<16xf32> to vector<16xf32>
    tpu.vector_store %arg9[%swap3A_130], %swap3A_133 {strides = array<i32>} : memref<384xf32, #tpu.memory_space<vmem>>, vector<16xf32>,
    %swap3A_134 = arith.constant 288 : index
    %swap3A_135 = tpu.vector_load %arg9[%swap3A_134] {strides = array<i32>} : memref<384xf32, #tpu.memory_space<vmem>>, vector<16xf32>,
    %swap3A_136 = vector.shape_cast %swap3A_135 : vector<16xf32> to vector<16xf32>
    %swap3A_137 = vector.shape_cast %broadcast_in_dim3A_62 : vector<16xf32> to vector<16xf32>
    tpu.vector_store %arg9[%swap3A_134], %swap3A_137 {strides = array<i32>} : memref<384xf32, #tpu.memory_space<vmem>>, vector<16xf32>,
    %swap3A_138 = arith.constant 304 : index
    %swap3A_139 = tpu.vector_load %arg9[%swap3A_138] {strides = array<i32>} : memref<384xf32, #tpu.memory_space<vmem>>, vector<16xf32>,
    %swap3A_140 = vector.shape_cast %swap3A_139 : vector<16xf32> to vector<16xf32>
    %swap3A_141 = vector.shape_cast %broadcast_in_dim3A_62 : vector<16xf32> to vector<16xf32>
    tpu.vector_store %arg9[%swap3A_138], %swap3A_141 {strides = array<i32>} : memref<384xf32, #tpu.memory_space<vmem>>, vector<16xf32>,
    %swap3A_142 = arith.constant 320 : index
    %swap3A_143 = tpu.vector_load %arg9[%swap3A_142] {strides = array<i32>} : memref<384xf32, #tpu.memory_space<vmem>>, vector<16xf32>,
    %swap3A_144 = vector.shape_cast %swap3A_143 : vector<16xf32> to vector<16xf32>
    %swap3A_145 = vector.shape_cast %broadcast_in_dim3A_62 : vector<16xf32> to vector<16xf32>
    tpu.vector_store %arg9[%swap3A_142], %swap3A_145 {strides = array<i32>} : memref<384xf32, #tpu.memory_space<vmem>>, vector<16xf32>,
    %swap3A_146 = arith.constant 336 : index
    %swap3A_147 = tpu.vector_load %arg9[%swap3A_146] {strides = array<i32>} : memref<384xf32, #tpu.memory_space<vmem>>, vector<16xf32>,
    %swap3A_148 = vector.shape_cast %swap3A_147 : vector<16xf32> to vector<16xf32>
    %swap3A_149 = vector.shape_cast %broadcast_in_dim3A_62 : vector<16xf32> to vector<16xf32>
    tpu.vector_store %arg9[%swap3A_146], %swap3A_149 {strides = array<i32>} : memref<384xf32, #tpu.memory_space<vmem>>, vector<16xf32>,
    %swap3A_150 = arith.constant 352 : index
    %swap3A_151 = tpu.vector_load %arg9[%swap3A_150] {strides = array<i32>} : memref<384xf32, #tpu.memory_space<vmem>>, vector<16xf32>,
    %swap3A_152 = vector.shape_cast %swap3A_151 : vector<16xf32> to vector<16xf32>
    %swap3A_153 = vector.shape_cast %broadcast_in_dim3A_62 : vector<16xf32> to vector<16xf32>
    tpu.vector_store %arg9[%swap3A_150], %swap3A_153 {strides = array<i32>} : memref<384xf32, #tpu.memory_space<vmem>>, vector<16xf32>,
    %swap3A_154 = arith.constant 368 : index
    %swap3A_155 = tpu.vector_load %arg9[%swap3A_154] {strides = array<i32>} : memref<384xf32, #tpu.memory_space<vmem>>, vector<16xf32>,
    %swap3A_156 = vector.shape_cast %swap3A_155 : vector<16xf32> to vector<16xf32>
    %swap3A_157 = vector.shape_cast %broadcast_in_dim3A_62 : vector<16xf32> to vector<16xf32>
    tpu.vector_store %arg9[%swap3A_154], %swap3A_157 {strides = array<i32>} : memref<384xf32, #tpu.memory_space<vmem>>, vector<16xf32>,
    %iota3A = tpu.iota {dimensions = array<i32: 0>} : vector<16xi32>
    %dma_wait3A_158 = tpu.memref_slice %arg4[%min3A_3] : memref<5000xf32, #tpu.memory_space<hbm>> -> memref<160xf32, #tpu.memory_space<hbm>>
    %dma_wait3A_159 = tpu.memref_slice %arg4[%min3A_3] : memref<5000xf32, #tpu.memory_space<hbm>> -> memref<160xf32, #tpu.memory_space<hbm>>
    tpu.wait_dma2 semaphore(%arg12 : memref<!tpu.dma_semaphore, #tpu.memory_space<semaphore_mem>>) src(%dma_wait3A_159 : memref<160xf32, #tpu.memory_space<hbm>>) dst(%arg7 : memref<160xf32, #tpu.memory_space<vmem>>)
    %dma_wait3A_160 = arith.constant 0 : i32
    %dma_wait3A_161 = arith.constant 0 : i32
    %dma_wait3A_162 = arith.constant 0 : i32
    %dma_wait3A_163 = tpu.memref_slice %arg8[%dma_wait3A_161, %dma_wait3A_162] : memref<160x384xf32, #tpu.memory_space<vmem>> -> memref<80x384xf32, #tpu.memory_space<vmem>>
    %dma_wait3A_164 = arith.constant 0 : i32
    %dma_wait3A_165 = tpu.memref_slice %arg6[%dma_wait3A_160, %dma_wait3A_164] : memref<2x80xi32, #tpu.memory_space<vmem>> -> memref<1x80xi32, #tpu.memory_space<vmem>>
    %dma_wait3A_166 = tpu.memref_squeeze %dma_wait3A_165 : memref<1x80xi32, #tpu.memory_space<vmem>> -> memref<80xi32, #tpu.memory_space<vmem>>
    %dma_wait3A_167 = arith.constant 0 : i32
    %dma_wait3A_168 = arith.constant 0 : i32
    %dma_wait3A_169 = tpu.memref_slice %arg2[%dma_wait3A_167, %dma_wait3A_168] : memref<100000x384xf32, #tpu.memory_space<hbm>> -> memref<100000x384xf32, #tpu.memory_space<hbm>>
    tpu.wait_indirect_dma semaphore(%arg10 : memref<!tpu.dma_semaphore, #tpu.memory_space<semaphore_mem>>) src(%dma_wait3A_169 : memref<100000x384xf32, #tpu.memory_space<hbm>>) dst(%dma_wait3A_163 : memref<80x384xf32, #tpu.memory_space<vmem>>)
    %dma_wait3A_170 = arith.constant 1 : i32
    %dma_wait3A_171 = arith.constant 80 : i32
    %dma_wait3A_172 = arith.constant 0 : i32
    %dma_wait3A_173 = tpu.memref_slice %arg8[%dma_wait3A_171, %dma_wait3A_172] : memref<160x384xf32, #tpu.memory_space<vmem>> -> memref<80x384xf32, #tpu.memory_space<vmem>>
    %dma_wait3A_174 = arith.constant 0 : i32
    %dma_wait3A_175 = tpu.memref_slice %arg6[%dma_wait3A_170, %dma_wait3A_174] : memref<2x80xi32, #tpu.memory_space<vmem>> -> memref<1x80xi32, #tpu.memory_space<vmem>>
    %dma_wait3A_176 = tpu.memref_squeeze %dma_wait3A_175 : memref<1x80xi32, #tpu.memory_space<vmem>> -> memref<80xi32, #tpu.memory_space<vmem>>
    %dma_wait3A_177 = arith.constant 0 : i32
    %dma_wait3A_178 = arith.constant 0 : i32
    %dma_wait3A_179 = tpu.memref_slice %arg2[%dma_wait3A_177, %dma_wait3A_178] : memref<100000x384xf32, #tpu.memory_space<hbm>> -> memref<100000x384xf32, #tpu.memory_space<hbm>>
    tpu.wait_indirect_dma semaphore(%arg11 : memref<!tpu.dma_semaphore, #tpu.memory_space<semaphore_mem>>) src(%dma_wait3A_179 : memref<100000x384xf32, #tpu.memory_space<hbm>>) dst(%dma_wait3A_173 : memref<80x384xf32, #tpu.memory_space<vmem>>)
    %scan3A = arith.constant 0 : i32
    %scan3A_180 = arith.constant 0 : i32
    %scan3A_181 = arith.constant 20 : i32
    %scan3A_182 = arith.addi %scan3A_180, %scan3A_181 : i32
    %scan3A_183 = arith.constant 1 : i32
    scf.for %scan3A_185 = %scan3A_180 to %scan3A_182 step %scan3A_183  : i32 {
      %jit3A = arith.constant 2 : i32
      %div3A = arith.divsi %scan3A_185, %jit3A : i32
      %sign3A = arith.constant 0 : i32
      %sign3A_186 = arith.cmpi sgt, %scan3A_185, %sign3A : i32
      %sign3A_187 = arith.extui %sign3A_186 : i1 to i32
      %sign3A_188 = arith.constant 0 : i32
      %sign3A_189 = arith.cmpi slt, %scan3A_185, %sign3A_188 : i32
      %sign3A_190 = arith.extui %sign3A_189 : i1 to i32
      %sign3A_191 = arith.subi %sign3A_187, %sign3A_190 : i32
      %sign3A_192 = arith.constant 0 : i32
      %sign3A_193 = arith.cmpi sgt, %jit3A, %sign3A_192 : i32
      %sign3A_194 = arith.extui %sign3A_193 : i1 to i32
      %sign3A_195 = arith.constant 0 : i32
      %sign3A_196 = arith.cmpi slt, %jit3A, %sign3A_195 : i32
      %sign3A_197 = arith.extui %sign3A_196 : i1 to i32
      %sign3A_198 = arith.subi %sign3A_194, %sign3A_197 : i32
      %ne3A = arith.cmpi ne, %sign3A_191, %sign3A_198 : i32
      %rem3A = arith.remsi %scan3A_185, %jit3A : i32
      %ne3A_199 = arith.constant 0 : i32
      %ne3A_200 = arith.cmpi ne, %rem3A, %ne3A_199 : i32
      %and3A = arith.andi %ne3A, %ne3A_200 : i1
      %sub3A = arith.constant 1 : i32
      %sub3A_201 = arith.subi %div3A, %sub3A : i32
      %select_n3A = arith.select %and3A, %sub3A_201, %div3A : i32
      %mul3A_202 = arith.constant 16 : i32
      %mul3A_203 = arith.muli %select_n3A, %mul3A_202 : i32
      %jit3A_204 = arith.constant 2 : i32
      %eq3A = arith.constant 0 : i32
      %eq3A_205 = arith.cmpi eq, %jit3A_204, %eq3A : i32
      %jit3A_206 = arith.constant 1 : i32
      %select_n3A_207 = arith.select %eq3A_205, %jit3A_206, %jit3A_204 : i32
      %rem3A_208 = arith.remsi %scan3A_185, %select_n3A_207 : i32
      %ne3A_209 = arith.constant 0 : i32
      %ne3A_210 = arith.cmpi ne, %rem3A_208, %ne3A_209 : i32
      %lt3A = arith.constant 0 : i32
      %lt3A_211 = arith.cmpi slt, %rem3A_208, %lt3A : i32
      %lt3A_212 = arith.constant 0 : i32
      %lt3A_213 = arith.cmpi slt, %select_n3A_207, %lt3A_212 : i32
      %ne3A_214 = arith.xori %lt3A_211, %lt3A_213 : i1
      %and3A_215 = arith.andi %ne3A_214, %ne3A_210 : i1
      %add3A_216 = arith.addi %rem3A_208, %select_n3A_207 : i32
      %select_n3A_217 = arith.select %and3A_215, %add3A_216, %rem3A_208 : i32
      %mul3A_218 = arith.constant 8 : i32
      %mul3A_219 = arith.muli %select_n3A_217, %mul3A_218 : i32
      %mul3A_220 = arith.constant 8 : i32
      %mul3A_221 = arith.muli %scan3A_185, %mul3A_220 : i32
      %add3A_222 = arith.addi %min3A_3, %mul3A_203 : i32
      %add3A_223 = vector.broadcast %add3A_222 : i32 to vector<16xi32>
      %add3A_224 = arith.addi %add3A_223, %iota3A : vector<16xi32>
      %ge3A = vector.broadcast %mul3A_2 : i32 to vector<16xi32>
      %ge3A_225 = arith.cmpi sge, %add3A_224, %ge3A : vector<16xi32>
      %get3A = arith.index_cast %mul3A_203 : i32 to index
      %get3A_226 = tpu.vector_load %arg7[%get3A] {strides = array<i32>} : memref<160xf32, #tpu.memory_space<vmem>>, vector<16xf32>,
      %get3A_227 = vector.shape_cast %get3A_226 : vector<16xf32> to vector<16xf32>
      %jit3A_228 = arith.constant 0.000000e+00 : f32
      %broadcast_in_dim3A_229 = vector.broadcast %jit3A_228 : f32 to vector<16xf32>
      %select_n3A_230 = arith.select %ge3A_225, %get3A_227, %broadcast_in_dim3A_229 : vector<16xi1>, vector<16xf32>
      %add3A_231 = arith.constant 0 : i32
      %add3A_232 = arith.addi %mul3A_219, %add3A_231 : i32
      %broadcast_in_dim3A_233 = vector.broadcast %add3A_232 : i32 to vector<16xi32>
      %broadcast_in_dim3A_234 = vector.shape_cast %broadcast_in_dim3A_233 : vector<16xi32> to vector<16x1xi32>
      %gather3A = vector.shape_cast %broadcast_in_dim3A_234 : vector<16x1xi32> to vector<16xi32>
      %gather3A_235 = tpu.dynamic_gather %select_n3A_230[%gather3A] in [0] : vector<16xf32>, vector<16xi32> -> vector<16xf32>
      %add3A_236 = arith.constant 0 : i32
      %add3A_237 = arith.addi %mul3A_221, %add3A_236 : i32
      %get3A_238 = arith.index_cast %add3A_237 : i32 to index
      %get3A_239 = arith.constant 0 : index
      %get3A_240 = tpu.vector_load %arg8[%get3A_238, %get3A_239] {strides = array<i32>} : memref<160x384xf32, #tpu.memory_space<vmem>>, vector<1x16xf32>,
      %get3A_241 = vector.shape_cast %get3A_240 : vector<1x16xf32> to vector<16xf32>
      %mul3A_242 = arith.mulf %gather3A_235, %get3A_241 : vector<16xf32>
      %add3A_243 = arith.constant 0 : i32
      %add3A_244 = arith.addi %mul3A_221, %add3A_243 : i32
      %get3A_245 = arith.index_cast %add3A_244 : i32 to index
      %get3A_246 = arith.constant 16 : index
      %get3A_247 = tpu.vector_load %arg8[%get3A_245, %get3A_246] {strides = array<i32>} : memref<160x384xf32, #tpu.memory_space<vmem>>, vector<1x16xf32>,
      %get3A_248 = vector.shape_cast %get3A_247 : vector<1x16xf32> to vector<16xf32>
      %mul3A_249 = arith.mulf %gather3A_235, %get3A_248 : vector<16xf32>
      %add3A_250 = arith.constant 0 : i32
      %add3A_251 = arith.addi %mul3A_221, %add3A_250 : i32
      %get3A_252 = arith.index_cast %add3A_251 : i32 to index
      %get3A_253 = arith.constant 32 : index
      %get3A_254 = tpu.vector_load %arg8[%get3A_252, %get3A_253] {strides = array<i32>} : memref<160x384xf32, #tpu.memory_space<vmem>>, vector<1x16xf32>,
      %get3A_255 = vector.shape_cast %get3A_254 : vector<1x16xf32> to vector<16xf32>
      %mul3A_256 = arith.mulf %gather3A_235, %get3A_255 : vector<16xf32>
      %add3A_257 = arith.constant 0 : i32
      %add3A_258 = arith.addi %mul3A_221, %add3A_257 : i32
      %get3A_259 = arith.index_cast %add3A_258 : i32 to index
      %get3A_260 = arith.constant 48 : index
      %get3A_261 = tpu.vector_load %arg8[%get3A_259, %get3A_260] {strides = array<i32>} : memref<160x384xf32, #tpu.memory_space<vmem>>, vector<1x16xf32>,
      %get3A_262 = vector.shape_cast %get3A_261 : vector<1x16xf32> to vector<16xf32>
      %mul3A_263 = arith.mulf %gather3A_235, %get3A_262 : vector<16xf32>
      %add3A_264 = arith.constant 0 : i32
      %add3A_265 = arith.addi %mul3A_221, %add3A_264 : i32
      %get3A_266 = arith.index_cast %add3A_265 : i32 to index
      %get3A_267 = arith.constant 64 : index
      %get3A_268 = tpu.vector_load %arg8[%get3A_266, %get3A_267] {strides = array<i32>} : memref<160x384xf32, #tpu.memory_space<vmem>>, vector<1x16xf32>,
      %get3A_269 = vector.shape_cast %get3A_268 : vector<1x16xf32> to vector<16xf32>
      %mul3A_270 = arith.mulf %gather3A_235, %get3A_269 : vector<16xf32>
      %add3A_271 = arith.constant 0 : i32
      %add3A_272 = arith.addi %mul3A_221, %add3A_271 : i32
      %get3A_273 = arith.index_cast %add3A_272 : i32 to index
      %get3A_274 = arith.constant 80 : index
      %get3A_275 = tpu.vector_load %arg8[%get3A_273, %get3A_274] {strides = array<i32>} : memref<160x384xf32, #tpu.memory_space<vmem>>, vector<1x16xf32>,
      %get3A_276 = vector.shape_cast %get3A_275 : vector<1x16xf32> to vector<16xf32>
      %mul3A_277 = arith.mulf %gather3A_235, %get3A_276 : vector<16xf32>
      %add3A_278 = arith.constant 0 : i32
      %add3A_279 = arith.addi %mul3A_221, %add3A_278 : i32
      %get3A_280 = arith.index_cast %add3A_279 : i32 to index
      %get3A_281 = arith.constant 96 : index
      %get3A_282 = tpu.vector_load %arg8[%get3A_280, %get3A_281] {strides = array<i32>} : memref<160x384xf32, #tpu.memory_space<vmem>>, vector<1x16xf32>,
      %get3A_283 = vector.shape_cast %get3A_282 : vector<1x16xf32> to vector<16xf32>
      %mul3A_284 = arith.mulf %gather3A_235, %get3A_283 : vector<16xf32>
      %add3A_285 = arith.constant 0 : i32
      %add3A_286 = arith.addi %mul3A_221, %add3A_285 : i32
      %get3A_287 = arith.index_cast %add3A_286 : i32 to index
      %get3A_288 = arith.constant 112 : index
      %get3A_289 = tpu.vector_load %arg8[%get3A_287, %get3A_288] {strides = array<i32>} : memref<160x384xf32, #tpu.memory_space<vmem>>, vector<1x16xf32>,
      %get3A_290 = vector.shape_cast %get3A_289 : vector<1x16xf32> to vector<16xf32>
      %mul3A_291 = arith.mulf %gather3A_235, %get3A_290 : vector<16xf32>
      %add3A_292 = arith.constant 1 : i32
      %add3A_293 = arith.addi %mul3A_219, %add3A_292 : i32
      %broadcast_in_dim3A_294 = vector.broadcast %add3A_293 : i32 to vector<16xi32>
      %broadcast_in_dim3A_295 = vector.shape_cast %broadcast_in_dim3A_294 : vector<16xi32> to vector<16x1xi32>
      %gather3A_296 = vector.shape_cast %broadcast_in_dim3A_295 : vector<16x1xi32> to vector<16xi32>
      %gather3A_297 = tpu.dynamic_gather %select_n3A_230[%gather3A_296] in [0] : vector<16xf32>, vector<16xi32> -> vector<16xf32>
      %add3A_298 = arith.constant 1 : i32
      %add3A_299 = arith.addi %mul3A_221, %add3A_298 : i32
      %get3A_300 = arith.index_cast %add3A_299 : i32 to index
      %get3A_301 = arith.constant 0 : index
      %get3A_302 = tpu.vector_load %arg8[%get3A_300, %get3A_301] {strides = array<i32>} : memref<160x384xf32, #tpu.memory_space<vmem>>, vector<1x16xf32>,
      %get3A_303 = vector.shape_cast %get3A_302 : vector<1x16xf32> to vector<16xf32>
      %mul3A_304 = arith.mulf %gather3A_297, %get3A_303 : vector<16xf32>
      %add3A_305 = arith.addf %mul3A_242, %mul3A_304 : vector<16xf32>
      %add3A_306 = arith.constant 1 : i32
      %add3A_307 = arith.addi %mul3A_221, %add3A_306 : i32
      %get3A_308 = arith.index_cast %add3A_307 : i32 to index
      %get3A_309 = arith.constant 16 : index
      %get3A_310 = tpu.vector_load %arg8[%get3A_308, %get3A_309] {strides = array<i32>} : memref<160x384xf32, #tpu.memory_space<vmem>>, vector<1x16xf32>,
      %get3A_311 = vector.shape_cast %get3A_310 : vector<1x16xf32> to vector<16xf32>
      %mul3A_312 = arith.mulf %gather3A_297, %get3A_311 : vector<16xf32>
      %add3A_313 = arith.addf %mul3A_249, %mul3A_312 : vector<16xf32>
      %add3A_314 = arith.constant 1 : i32
      %add3A_315 = arith.addi %mul3A_221, %add3A_314 : i32
      %get3A_316 = arith.index_cast %add3A_315 : i32 to index
      %get3A_317 = arith.constant 32 : index
      %get3A_318 = tpu.vector_load %arg8[%get3A_316, %get3A_317] {strides = array<i32>} : memref<160x384xf32, #tpu.memory_space<vmem>>, vector<1x16xf32>,
      %get3A_319 = vector.shape_cast %get3A_318 : vector<1x16xf32> to vector<16xf32>
      %mul3A_320 = arith.mulf %gather3A_297, %get3A_319 : vector<16xf32>
      %add3A_321 = arith.addf %mul3A_256, %mul3A_320 : vector<16xf32>
      %add3A_322 = arith.constant 1 : i32
      %add3A_323 = arith.addi %mul3A_221, %add3A_322 : i32
      %get3A_324 = arith.index_cast %add3A_323 : i32 to index
      %get3A_325 = arith.constant 48 : index
      %get3A_326 = tpu.vector_load %arg8[%get3A_324, %get3A_325] {strides = array<i32>} : memref<160x384xf32, #tpu.memory_space<vmem>>, vector<1x16xf32>,
      %get3A_327 = vector.shape_cast %get3A_326 : vector<1x16xf32> to vector<16xf32>
      %mul3A_328 = arith.mulf %gather3A_297, %get3A_327 : vector<16xf32>
      %add3A_329 = arith.addf %mul3A_263, %mul3A_328 : vector<16xf32>
      %add3A_330 = arith.constant 1 : i32
      %add3A_331 = arith.addi %mul3A_221, %add3A_330 : i32
      %get3A_332 = arith.index_cast %add3A_331 : i32 to index
      %get3A_333 = arith.constant 64 : index
      %get3A_334 = tpu.vector_load %arg8[%get3A_332, %get3A_333] {strides = array<i32>} : memref<160x384xf32, #tpu.memory_space<vmem>>, vector<1x16xf32>,
      %get3A_335 = vector.shape_cast %get3A_334 : vector<1x16xf32> to vector<16xf32>
      %mul3A_336 = arith.mulf %gather3A_297, %get3A_335 : vector<16xf32>
      %add3A_337 = arith.addf %mul3A_270, %mul3A_336 : vector<16xf32>
      %add3A_338 = arith.constant 1 : i32
      %add3A_339 = arith.addi %mul3A_221, %add3A_338 : i32
      %get3A_340 = arith.index_cast %add3A_339 : i32 to index
      %get3A_341 = arith.constant 80 : index
      %get3A_342 = tpu.vector_load %arg8[%get3A_340, %get3A_341] {strides = array<i32>} : memref<160x384xf32, #tpu.memory_space<vmem>>, vector<1x16xf32>,
      %get3A_343 = vector.shape_cast %get3A_342 : vector<1x16xf32> to vector<16xf32>
      %mul3A_344 = arith.mulf %gather3A_297, %get3A_343 : vector<16xf32>
      %add3A_345 = arith.addf %mul3A_277, %mul3A_344 : vector<16xf32>
      %add3A_346 = arith.constant 1 : i32
      %add3A_347 = arith.addi %mul3A_221, %add3A_346 : i32
      %get3A_348 = arith.index_cast %add3A_347 : i32 to index
      %get3A_349 = arith.constant 96 : index
      %get3A_350 = tpu.vector_load %arg8[%get3A_348, %get3A_349] {strides = array<i32>} : memref<160x384xf32, #tpu.memory_space<vmem>>, vector<1x16xf32>,
      %get3A_351 = vector.shape_cast %get3A_350 : vector<1x16xf32> to vector<16xf32>
      %mul3A_352 = arith.mulf %gather3A_297, %get3A_351 : vector<16xf32>
      %add3A_353 = arith.addf %mul3A_284, %mul3A_352 : vector<16xf32>
      %add3A_354 = arith.constant 1 : i32
      %add3A_355 = arith.addi %mul3A_221, %add3A_354 : i32
      %get3A_356 = arith.index_cast %add3A_355 : i32 to index
      %get3A_357 = arith.constant 112 : index
      %get3A_358 = tpu.vector_load %arg8[%get3A_356, %get3A_357] {strides = array<i32>} : memref<160x384xf32, #tpu.memory_space<vmem>>, vector<1x16xf32>,
      %get3A_359 = vector.shape_cast %get3A_358 : vector<1x16xf32> to vector<16xf32>
      %mul3A_360 = arith.mulf %gather3A_297, %get3A_359 : vector<16xf32>
      %add3A_361 = arith.addf %mul3A_291, %mul3A_360 : vector<16xf32>
      %add3A_362 = arith.constant 2 : i32
      %add3A_363 = arith.addi %mul3A_219, %add3A_362 : i32
      %broadcast_in_dim3A_364 = vector.broadcast %add3A_363 : i32 to vector<16xi32>
      %broadcast_in_dim3A_365 = vector.shape_cast %broadcast_in_dim3A_364 : vector<16xi32> to vector<16x1xi32>
      %gather3A_366 = vector.shape_cast %broadcast_in_dim3A_365 : vector<16x1xi32> to vector<16xi32>
      %gather3A_367 = tpu.dynamic_gather %select_n3A_230[%gather3A_366] in [0] : vector<16xf32>, vector<16xi32> -> vector<16xf32>
      %add3A_368 = arith.constant 2 : i32
      %add3A_369 = arith.addi %mul3A_221, %add3A_368 : i32
      %get3A_370 = arith.index_cast %add3A_369 : i32 to index
      %get3A_371 = arith.constant 0 : index
      %get3A_372 = tpu.vector_load %arg8[%get3A_370, %get3A_371] {strides = array<i32>} : memref<160x384xf32, #tpu.memory_space<vmem>>, vector<1x16xf32>,
      %get3A_373 = vector.shape_cast %get3A_372 : vector<1x16xf32> to vector<16xf32>
      %mul3A_374 = arith.mulf %gather3A_367, %get3A_373 : vector<16xf32>
      %add3A_375 = arith.addf %add3A_305, %mul3A_374 : vector<16xf32>
      %add3A_376 = arith.constant 2 : i32
      %add3A_377 = arith.addi %mul3A_221, %add3A_376 : i32
      %get3A_378 = arith.index_cast %add3A_377 : i32 to index
      %get3A_379 = arith.constant 16 : index
      %get3A_380 = tpu.vector_load %arg8[%get3A_378, %get3A_379] {strides = array<i32>} : memref<160x384xf32, #tpu.memory_space<vmem>>, vector<1x16xf32>,
      %get3A_381 = vector.shape_cast %get3A_380 : vector<1x16xf32> to vector<16xf32>
      %mul3A_382 = arith.mulf %gather3A_367, %get3A_381 : vector<16xf32>
      %add3A_383 = arith.addf %add3A_313, %mul3A_382 : vector<16xf32>
      %add3A_384 = arith.constant 2 : i32
      %add3A_385 = arith.addi %mul3A_221, %add3A_384 : i32
      %get3A_386 = arith.index_cast %add3A_385 : i32 to index
      %get3A_387 = arith.constant 32 : index
      %get3A_388 = tpu.vector_load %arg8[%get3A_386, %get3A_387] {strides = array<i32>} : memref<160x384xf32, #tpu.memory_space<vmem>>, vector<1x16xf32>,
      %get3A_389 = vector.shape_cast %get3A_388 : vector<1x16xf32> to vector<16xf32>
      %mul3A_390 = arith.mulf %gather3A_367, %get3A_389 : vector<16xf32>
      %add3A_391 = arith.addf %add3A_321, %mul3A_390 : vector<16xf32>
      %add3A_392 = arith.constant 2 : i32
      %add3A_393 = arith.addi %mul3A_221, %add3A_392 : i32
      %get3A_394 = arith.index_cast %add3A_393 : i32 to index
      %get3A_395 = arith.constant 48 : index
      %get3A_396 = tpu.vector_load %arg8[%get3A_394, %get3A_395] {strides = array<i32>} : memref<160x384xf32, #tpu.memory_space<vmem>>, vector<1x16xf32>,
      %get3A_397 = vector.shape_cast %get3A_396 : vector<1x16xf32> to vector<16xf32>
      %mul3A_398 = arith.mulf %gather3A_367, %get3A_397 : vector<16xf32>
      %add3A_399 = arith.addf %add3A_329, %mul3A_398 : vector<16xf32>
      %add3A_400 = arith.constant 2 : i32
      %add3A_401 = arith.addi %mul3A_221, %add3A_400 : i32
      %get3A_402 = arith.index_cast %add3A_401 : i32 to index
      %get3A_403 = arith.constant 64 : index
      %get3A_404 = tpu.vector_load %arg8[%get3A_402, %get3A_403] {strides = array<i32>} : memref<160x384xf32, #tpu.memory_space<vmem>>, vector<1x16xf32>,
      %get3A_405 = vector.shape_cast %get3A_404 : vector<1x16xf32> to vector<16xf32>
      %mul3A_406 = arith.mulf %gather3A_367, %get3A_405 : vector<16xf32>
      %add3A_407 = arith.addf %add3A_337, %mul3A_406 : vector<16xf32>
      %add3A_408 = arith.constant 2 : i32
      %add3A_409 = arith.addi %mul3A_221, %add3A_408 : i32
      %get3A_410 = arith.index_cast %add3A_409 : i32 to index
      %get3A_411 = arith.constant 80 : index
      %get3A_412 = tpu.vector_load %arg8[%get3A_410, %get3A_411] {strides = array<i32>} : memref<160x384xf32, #tpu.memory_space<vmem>>, vector<1x16xf32>,
      %get3A_413 = vector.shape_cast %get3A_412 : vector<1x16xf32> to vector<16xf32>
      %mul3A_414 = arith.mulf %gather3A_367, %get3A_413 : vector<16xf32>
      %add3A_415 = arith.addf %add3A_345, %mul3A_414 : vector<16xf32>
      %add3A_416 = arith.constant 2 : i32
      %add3A_417 = arith.addi %mul3A_221, %add3A_416 : i32
      %get3A_418 = arith.index_cast %add3A_417 : i32 to index
      %get3A_419 = arith.constant 96 : index
      %get3A_420 = tpu.vector_load %arg8[%get3A_418, %get3A_419] {strides = array<i32>} : memref<160x384xf32, #tpu.memory_space<vmem>>, vector<1x16xf32>,
      %get3A_421 = vector.shape_cast %get3A_420 : vector<1x16xf32> to vector<16xf32>
      %mul3A_422 = arith.mulf %gather3A_367, %get3A_421 : vector<16xf32>
      %add3A_423 = arith.addf %add3A_353, %mul3A_422 : vector<16xf32>
      %add3A_424 = arith.constant 2 : i32
      %add3A_425 = arith.addi %mul3A_221, %add3A_424 : i32
      %get3A_426 = arith.index_cast %add3A_425 : i32 to index
      %get3A_427 = arith.constant 112 : index
      %get3A_428 = tpu.vector_load %arg8[%get3A_426, %get3A_427] {strides = array<i32>} : memref<160x384xf32, #tpu.memory_space<vmem>>, vector<1x16xf32>,
      %get3A_429 = vector.shape_cast %get3A_428 : vector<1x16xf32> to vector<16xf32>
      %mul3A_430 = arith.mulf %gather3A_367, %get3A_429 : vector<16xf32>
      %add3A_431 = arith.addf %add3A_361, %mul3A_430 : vector<16xf32>
      %add3A_432 = arith.constant 3 : i32
      %add3A_433 = arith.addi %mul3A_219, %add3A_432 : i32
      %broadcast_in_dim3A_434 = vector.broadcast %add3A_433 : i32 to vector<16xi32>
      %broadcast_in_dim3A_435 = vector.shape_cast %broadcast_in_dim3A_434 : vector<16xi32> to vector<16x1xi32>
      %gather3A_436 = vector.shape_cast %broadcast_in_dim3A_435 : vector<16x1xi32> to vector<16xi32>
      %gather3A_437 = tpu.dynamic_gather %select_n3A_230[%gather3A_436] in [0] : vector<16xf32>, vector<16xi32> -> vector<16xf32>
      %add3A_438 = arith.constant 3 : i32
      %add3A_439 = arith.addi %mul3A_221, %add3A_438 : i32
      %get3A_440 = arith.index_cast %add3A_439 : i32 to index
      %get3A_441 = arith.constant 0 : index
      %get3A_442 = tpu.vector_load %arg8[%get3A_440, %get3A_441] {strides = array<i32>} : memref<160x384xf32, #tpu.memory_space<vmem>>, vector<1x16xf32>,
      %get3A_443 = vector.shape_cast %get3A_442 : vector<1x16xf32> to vector<16xf32>
      %mul3A_444 = arith.mulf %gather3A_437, %get3A_443 : vector<16xf32>
      %add3A_445 = arith.addf %add3A_375, %mul3A_444 : vector<16xf32>
      %add3A_446 = arith.constant 3 : i32
      %add3A_447 = arith.addi %mul3A_221, %add3A_446 : i32
      %get3A_448 = arith.index_cast %add3A_447 : i32 to index
      %get3A_449 = arith.constant 16 : index
      %get3A_450 = tpu.vector_load %arg8[%get3A_448, %get3A_449] {strides = array<i32>} : memref<160x384xf32, #tpu.memory_space<vmem>>, vector<1x16xf32>,
      %get3A_451 = vector.shape_cast %get3A_450 : vector<1x16xf32> to vector<16xf32>
      %mul3A_452 = arith.mulf %gather3A_437, %get3A_451 : vector<16xf32>
      %add3A_453 = arith.addf %add3A_383, %mul3A_452 : vector<16xf32>
      %add3A_454 = arith.constant 3 : i32
      %add3A_455 = arith.addi %mul3A_221, %add3A_454 : i32
      %get3A_456 = arith.index_cast %add3A_455 : i32 to index
      %get3A_457 = arith.constant 32 : index
      %get3A_458 = tpu.vector_load %arg8[%get3A_456, %get3A_457] {strides = array<i32>} : memref<160x384xf32, #tpu.memory_space<vmem>>, vector<1x16xf32>,
      %get3A_459 = vector.shape_cast %get3A_458 : vector<1x16xf32> to vector<16xf32>
      %mul3A_460 = arith.mulf %gather3A_437, %get3A_459 : vector<16xf32>
      %add3A_461 = arith.addf %add3A_391, %mul3A_460 : vector<16xf32>
      %add3A_462 = arith.constant 3 : i32
      %add3A_463 = arith.addi %mul3A_221, %add3A_462 : i32
      %get3A_464 = arith.index_cast %add3A_463 : i32 to index
      %get3A_465 = arith.constant 48 : index
      %get3A_466 = tpu.vector_load %arg8[%get3A_464, %get3A_465] {strides = array<i32>} : memref<160x384xf32, #tpu.memory_space<vmem>>, vector<1x16xf32>,
      %get3A_467 = vector.shape_cast %get3A_466 : vector<1x16xf32> to vector<16xf32>
      %mul3A_468 = arith.mulf %gather3A_437, %get3A_467 : vector<16xf32>
      %add3A_469 = arith.addf %add3A_399, %mul3A_468 : vector<16xf32>
      %add3A_470 = arith.constant 3 : i32
      %add3A_471 = arith.addi %mul3A_221, %add3A_470 : i32
      %get3A_472 = arith.index_cast %add3A_471 : i32 to index
      %get3A_473 = arith.constant 64 : index
      %get3A_474 = tpu.vector_load %arg8[%get3A_472, %get3A_473] {strides = array<i32>} : memref<160x384xf32, #tpu.memory_space<vmem>>, vector<1x16xf32>,
      %get3A_475 = vector.shape_cast %get3A_474 : vector<1x16xf32> to vector<16xf32>
      %mul3A_476 = arith.mulf %gather3A_437, %get3A_475 : vector<16xf32>
      %add3A_477 = arith.addf %add3A_407, %mul3A_476 : vector<16xf32>
      %add3A_478 = arith.constant 3 : i32
      %add3A_479 = arith.addi %mul3A_221, %add3A_478 : i32
      %get3A_480 = arith.index_cast %add3A_479 : i32 to index
      %get3A_481 = arith.constant 80 : index
      %get3A_482 = tpu.vector_load %arg8[%get3A_480, %get3A_481] {strides = array<i32>} : memref<160x384xf32, #tpu.memory_space<vmem>>, vector<1x16xf32>,
      %get3A_483 = vector.shape_cast %get3A_482 : vector<1x16xf32> to vector<16xf32>
      %mul3A_484 = arith.mulf %gather3A_437, %get3A_483 : vector<16xf32>
      %add3A_485 = arith.addf %add3A_415, %mul3A_484 : vector<16xf32>
      %add3A_486 = arith.constant 3 : i32
      %add3A_487 = arith.addi %mul3A_221, %add3A_486 : i32
      %get3A_488 = arith.index_cast %add3A_487 : i32 to index
      %get3A_489 = arith.constant 96 : index
      %get3A_490 = tpu.vector_load %arg8[%get3A_488, %get3A_489] {strides = array<i32>} : memref<160x384xf32, #tpu.memory_space<vmem>>, vector<1x16xf32>,
      %get3A_491 = vector.shape_cast %get3A_490 : vector<1x16xf32> to vector<16xf32>
      %mul3A_492 = arith.mulf %gather3A_437, %get3A_491 : vector<16xf32>
      %add3A_493 = arith.addf %add3A_423, %mul3A_492 : vector<16xf32>
      %add3A_494 = arith.constant 3 : i32
      %add3A_495 = arith.addi %mul3A_221, %add3A_494 : i32
      %get3A_496 = arith.index_cast %add3A_495 : i32 to index
      %get3A_497 = arith.constant 112 : index
      %get3A_498 = tpu.vector_load %arg8[%get3A_496, %get3A_497] {strides = array<i32>} : memref<160x384xf32, #tpu.memory_space<vmem>>, vector<1x16xf32>,
      %get3A_499 = vector.shape_cast %get3A_498 : vector<1x16xf32> to vector<16xf32>
      %mul3A_500 = arith.mulf %gather3A_437, %get3A_499 : vector<16xf32>
      %add3A_501 = arith.addf %add3A_431, %mul3A_500 : vector<16xf32>
      %add3A_502 = arith.constant 4 : i32
      %add3A_503 = arith.addi %mul3A_219, %add3A_502 : i32
      %broadcast_in_dim3A_504 = vector.broadcast %add3A_503 : i32 to vector<16xi32>
      %broadcast_in_dim3A_505 = vector.shape_cast %broadcast_in_dim3A_504 : vector<16xi32> to vector<16x1xi32>
      %gather3A_506 = vector.shape_cast %broadcast_in_dim3A_505 : vector<16x1xi32> to vector<16xi32>
      %gather3A_507 = tpu.dynamic_gather %select_n3A_230[%gather3A_506] in [0] : vector<16xf32>, vector<16xi32> -> vector<16xf32>
      %add3A_508 = arith.constant 4 : i32
      %add3A_509 = arith.addi %mul3A_221, %add3A_508 : i32
      %get3A_510 = arith.index_cast %add3A_509 : i32 to index
      %get3A_511 = arith.constant 0 : index
      %get3A_512 = tpu.vector_load %arg8[%get3A_510, %get3A_511] {strides = array<i32>} : memref<160x384xf32, #tpu.memory_space<vmem>>, vector<1x16xf32>,
      %get3A_513 = vector.shape_cast %get3A_512 : vector<1x16xf32> to vector<16xf32>
      %mul3A_514 = arith.mulf %gather3A_507, %get3A_513 : vector<16xf32>
      %add3A_515 = arith.addf %add3A_445, %mul3A_514 : vector<16xf32>
      %add3A_516 = arith.constant 4 : i32
      %add3A_517 = arith.addi %mul3A_221, %add3A_516 : i32
      %get3A_518 = arith.index_cast %add3A_517 : i32 to index
      %get3A_519 = arith.constant 16 : index
      %get3A_520 = tpu.vector_load %arg8[%get3A_518, %get3A_519] {strides = array<i32>} : memref<160x384xf32, #tpu.memory_space<vmem>>, vector<1x16xf32>,
      %get3A_521 = vector.shape_cast %get3A_520 : vector<1x16xf32> to vector<16xf32>
      %mul3A_522 = arith.mulf %gather3A_507, %get3A_521 : vector<16xf32>
      %add3A_523 = arith.addf %add3A_453, %mul3A_522 : vector<16xf32>
      %add3A_524 = arith.constant 4 : i32
      %add3A_525 = arith.addi %mul3A_221, %add3A_524 : i32
      %get3A_526 = arith.index_cast %add3A_525 : i32 to index
      %get3A_527 = arith.constant 32 : index
      %get3A_528 = tpu.vector_load %arg8[%get3A_526, %get3A_527] {strides = array<i32>} : memref<160x384xf32, #tpu.memory_space<vmem>>, vector<1x16xf32>,
      %get3A_529 = vector.shape_cast %get3A_528 : vector<1x16xf32> to vector<16xf32>
      %mul3A_530 = arith.mulf %gather3A_507, %get3A_529 : vector<16xf32>
      %add3A_531 = arith.addf %add3A_461, %mul3A_530 : vector<16xf32>
      %add3A_532 = arith.constant 4 : i32
      %add3A_533 = arith.addi %mul3A_221, %add3A_532 : i32
      %get3A_534 = arith.index_cast %add3A_533 : i32 to index
      %get3A_535 = arith.constant 48 : index
      %get3A_536 = tpu.vector_load %arg8[%get3A_534, %get3A_535] {strides = array<i32>} : memref<160x384xf32, #tpu.memory_space<vmem>>, vector<1x16xf32>,
      %get3A_537 = vector.shape_cast %get3A_536 : vector<1x16xf32> to vector<16xf32>
      %mul3A_538 = arith.mulf %gather3A_507, %get3A_537 : vector<16xf32>
      %add3A_539 = arith.addf %add3A_469, %mul3A_538 : vector<16xf32>
      %add3A_540 = arith.constant 4 : i32
      %add3A_541 = arith.addi %mul3A_221, %add3A_540 : i32
      %get3A_542 = arith.index_cast %add3A_541 : i32 to index
      %get3A_543 = arith.constant 64 : index
      %get3A_544 = tpu.vector_load %arg8[%get3A_542, %get3A_543] {strides = array<i32>} : memref<160x384xf32, #tpu.memory_space<vmem>>, vector<1x16xf32>,
      %get3A_545 = vector.shape_cast %get3A_544 : vector<1x16xf32> to vector<16xf32>
      %mul3A_546 = arith.mulf %gather3A_507, %get3A_545 : vector<16xf32>
      %add3A_547 = arith.addf %add3A_477, %mul3A_546 : vector<16xf32>
      %add3A_548 = arith.constant 4 : i32
      %add3A_549 = arith.addi %mul3A_221, %add3A_548 : i32
      %get3A_550 = arith.index_cast %add3A_549 : i32 to index
      %get3A_551 = arith.constant 80 : index
      %get3A_552 = tpu.vector_load %arg8[%get3A_550, %get3A_551] {strides = array<i32>} : memref<160x384xf32, #tpu.memory_space<vmem>>, vector<1x16xf32>,
      %get3A_553 = vector.shape_cast %get3A_552 : vector<1x16xf32> to vector<16xf32>
      %mul3A_554 = arith.mulf %gather3A_507, %get3A_553 : vector<16xf32>
      %add3A_555 = arith.addf %add3A_485, %mul3A_554 : vector<16xf32>
      %add3A_556 = arith.constant 4 : i32
      %add3A_557 = arith.addi %mul3A_221, %add3A_556 : i32
      %get3A_558 = arith.index_cast %add3A_557 : i32 to index
      %get3A_559 = arith.constant 96 : index
      %get3A_560 = tpu.vector_load %arg8[%get3A_558, %get3A_559] {strides = array<i32>} : memref<160x384xf32, #tpu.memory_space<vmem>>, vector<1x16xf32>,
      %get3A_561 = vector.shape_cast %get3A_560 : vector<1x16xf32> to vector<16xf32>
      %mul3A_562 = arith.mulf %gather3A_507, %get3A_561 : vector<16xf32>
      %add3A_563 = arith.addf %add3A_493, %mul3A_562 : vector<16xf32>
      %add3A_564 = arith.constant 4 : i32
      %add3A_565 = arith.addi %mul3A_221, %add3A_564 : i32
      %get3A_566 = arith.index_cast %add3A_565 : i32 to index
      %get3A_567 = arith.constant 112 : index
      %get3A_568 = tpu.vector_load %arg8[%get3A_566, %get3A_567] {strides = array<i32>} : memref<160x384xf32, #tpu.memory_space<vmem>>, vector<1x16xf32>,
      %get3A_569 = vector.shape_cast %get3A_568 : vector<1x16xf32> to vector<16xf32>
      %mul3A_570 = arith.mulf %gather3A_507, %get3A_569 : vector<16xf32>
      %add3A_571 = arith.addf %add3A_501, %mul3A_570 : vector<16xf32>
      %add3A_572 = arith.constant 5 : i32
      %add3A_573 = arith.addi %mul3A_219, %add3A_572 : i32
      %broadcast_in_dim3A_574 = vector.broadcast %add3A_573 : i32 to vector<16xi32>
      %broadcast_in_dim3A_575 = vector.shape_cast %broadcast_in_dim3A_574 : vector<16xi32> to vector<16x1xi32>
      %gather3A_576 = vector.shape_cast %broadcast_in_dim3A_575 : vector<16x1xi32> to vector<16xi32>
      %gather3A_577 = tpu.dynamic_gather %select_n3A_230[%gather3A_576] in [0] : vector<16xf32>, vector<16xi32> -> vector<16xf32>
      %add3A_578 = arith.constant 5 : i32
      %add3A_579 = arith.addi %mul3A_221, %add3A_578 : i32
      %get3A_580 = arith.index_cast %add3A_579 : i32 to index
      %get3A_581 = arith.constant 0 : index
      %get3A_582 = tpu.vector_load %arg8[%get3A_580, %get3A_581] {strides = array<i32>} : memref<160x384xf32, #tpu.memory_space<vmem>>, vector<1x16xf32>,
      %get3A_583 = vector.shape_cast %get3A_582 : vector<1x16xf32> to vector<16xf32>
      %mul3A_584 = arith.mulf %gather3A_577, %get3A_583 : vector<16xf32>
      %add3A_585 = arith.addf %add3A_515, %mul3A_584 : vector<16xf32>
      %add3A_586 = arith.constant 5 : i32
      %add3A_587 = arith.addi %mul3A_221, %add3A_586 : i32
      %get3A_588 = arith.index_cast %add3A_587 : i32 to index
      %get3A_589 = arith.constant 16 : index
      %get3A_590 = tpu.vector_load %arg8[%get3A_588, %get3A_589] {strides = array<i32>} : memref<160x384xf32, #tpu.memory_space<vmem>>, vector<1x16xf32>,
      %get3A_591 = vector.shape_cast %get3A_590 : vector<1x16xf32> to vector<16xf32>
      %mul3A_592 = arith.mulf %gather3A_577, %get3A_591 : vector<16xf32>
      %add3A_593 = arith.addf %add3A_523, %mul3A_592 : vector<16xf32>
      %add3A_594 = arith.constant 5 : i32
      %add3A_595 = arith.addi %mul3A_221, %add3A_594 : i32
      %get3A_596 = arith.index_cast %add3A_595 : i32 to index
      %get3A_597 = arith.constant 32 : index
      %get3A_598 = tpu.vector_load %arg8[%get3A_596, %get3A_597] {strides = array<i32>} : memref<160x384xf32, #tpu.memory_space<vmem>>, vector<1x16xf32>,
      %get3A_599 = vector.shape_cast %get3A_598 : vector<1x16xf32> to vector<16xf32>
      %mul3A_600 = arith.mulf %gather3A_577, %get3A_599 : vector<16xf32>
      %add3A_601 = arith.addf %add3A_531, %mul3A_600 : vector<16xf32>
      %add3A_602 = arith.constant 5 : i32
      %add3A_603 = arith.addi %mul3A_221, %add3A_602 : i32
      %get3A_604 = arith.index_cast %add3A_603 : i32 to index
      %get3A_605 = arith.constant 48 : index
      %get3A_606 = tpu.vector_load %arg8[%get3A_604, %get3A_605] {strides = array<i32>} : memref<160x384xf32, #tpu.memory_space<vmem>>, vector<1x16xf32>,
      %get3A_607 = vector.shape_cast %get3A_606 : vector<1x16xf32> to vector<16xf32>
      %mul3A_608 = arith.mulf %gather3A_577, %get3A_607 : vector<16xf32>
      %add3A_609 = arith.addf %add3A_539, %mul3A_608 : vector<16xf32>
      %add3A_610 = arith.constant 5 : i32
      %add3A_611 = arith.addi %mul3A_221, %add3A_610 : i32
      %get3A_612 = arith.index_cast %add3A_611 : i32 to index
      %get3A_613 = arith.constant 64 : index
      %get3A_614 = tpu.vector_load %arg8[%get3A_612, %get3A_613] {strides = array<i32>} : memref<160x384xf32, #tpu.memory_space<vmem>>, vector<1x16xf32>,
      %get3A_615 = vector.shape_cast %get3A_614 : vector<1x16xf32> to vector<16xf32>
      %mul3A_616 = arith.mulf %gather3A_577, %get3A_615 : vector<16xf32>
      %add3A_617 = arith.addf %add3A_547, %mul3A_616 : vector<16xf32>
      %add3A_618 = arith.constant 5 : i32
      %add3A_619 = arith.addi %mul3A_221, %add3A_618 : i32
      %get3A_620 = arith.index_cast %add3A_619 : i32 to index
      %get3A_621 = arith.constant 80 : index
      %get3A_622 = tpu.vector_load %arg8[%get3A_620, %get3A_621] {strides = array<i32>} : memref<160x384xf32, #tpu.memory_space<vmem>>, vector<1x16xf32>,
      %get3A_623 = vector.shape_cast %get3A_622 : vector<1x16xf32> to vector<16xf32>
      %mul3A_624 = arith.mulf %gather3A_577, %get3A_623 : vector<16xf32>
      %add3A_625 = arith.addf %add3A_555, %mul3A_624 : vector<16xf32>
      %add3A_626 = arith.constant 5 : i32
      %add3A_627 = arith.addi %mul3A_221, %add3A_626 : i32
      %get3A_628 = arith.index_cast %add3A_627 : i32 to index
      %get3A_629 = arith.constant 96 : index
      %get3A_630 = tpu.vector_load %arg8[%get3A_628, %get3A_629] {strides = array<i32>} : memref<160x384xf32, #tpu.memory_space<vmem>>, vector<1x16xf32>,
      %get3A_631 = vector.shape_cast %get3A_630 : vector<1x16xf32> to vector<16xf32>
      %mul3A_632 = arith.mulf %gather3A_577, %get3A_631 : vector<16xf32>
      %add3A_633 = arith.addf %add3A_563, %mul3A_632 : vector<16xf32>
      %add3A_634 = arith.constant 5 : i32
      %add3A_635 = arith.addi %mul3A_221, %add3A_634 : i32
      %get3A_636 = arith.index_cast %add3A_635 : i32 to index
      %get3A_637 = arith.constant 112 : index
      %get3A_638 = tpu.vector_load %arg8[%get3A_636, %get3A_637] {strides = array<i32>} : memref<160x384xf32, #tpu.memory_space<vmem>>, vector<1x16xf32>,
      %get3A_639 = vector.shape_cast %get3A_638 : vector<1x16xf32> to vector<16xf32>
      %mul3A_640 = arith.mulf %gather3A_577, %get3A_639 : vector<16xf32>
      %add3A_641 = arith.addf %add3A_571, %mul3A_640 : vector<16xf32>
      %add3A_642 = arith.constant 6 : i32
      %add3A_643 = arith.addi %mul3A_219, %add3A_642 : i32
      %broadcast_in_dim3A_644 = vector.broadcast %add3A_643 : i32 to vector<16xi32>
      %broadcast_in_dim3A_645 = vector.shape_cast %broadcast_in_dim3A_644 : vector<16xi32> to vector<16x1xi32>
      %gather3A_646 = vector.shape_cast %broadcast_in_dim3A_645 : vector<16x1xi32> to vector<16xi32>
      %gather3A_647 = tpu.dynamic_gather %select_n3A_230[%gather3A_646] in [0] : vector<16xf32>, vector<16xi32> -> vector<16xf32>
      %add3A_648 = arith.constant 6 : i32
      %add3A_649 = arith.addi %mul3A_221, %add3A_648 : i32
      %get3A_650 = arith.index_cast %add3A_649 : i32 to index
      %get3A_651 = arith.constant 0 : index
      %get3A_652 = tpu.vector_load %arg8[%get3A_650, %get3A_651] {strides = array<i32>} : memref<160x384xf32, #tpu.memory_space<vmem>>, vector<1x16xf32>,
      %get3A_653 = vector.shape_cast %get3A_652 : vector<1x16xf32> to vector<16xf32>
      %mul3A_654 = arith.mulf %gather3A_647, %get3A_653 : vector<16xf32>
      %add3A_655 = arith.addf %add3A_585, %mul3A_654 : vector<16xf32>
      %add3A_656 = arith.constant 6 : i32
      %add3A_657 = arith.addi %mul3A_221, %add3A_656 : i32
      %get3A_658 = arith.index_cast %add3A_657 : i32 to index
      %get3A_659 = arith.constant 16 : index
      %get3A_660 = tpu.vector_load %arg8[%get3A_658, %get3A_659] {strides = array<i32>} : memref<160x384xf32, #tpu.memory_space<vmem>>, vector<1x16xf32>,
      %get3A_661 = vector.shape_cast %get3A_660 : vector<1x16xf32> to vector<16xf32>
      %mul3A_662 = arith.mulf %gather3A_647, %get3A_661 : vector<16xf32>
      %add3A_663 = arith.addf %add3A_593, %mul3A_662 : vector<16xf32>
      %add3A_664 = arith.constant 6 : i32
      %add3A_665 = arith.addi %mul3A_221, %add3A_664 : i32
      %get3A_666 = arith.index_cast %add3A_665 : i32 to index
      %get3A_667 = arith.constant 32 : index
      %get3A_668 = tpu.vector_load %arg8[%get3A_666, %get3A_667] {strides = array<i32>} : memref<160x384xf32, #tpu.memory_space<vmem>>, vector<1x16xf32>,
      %get3A_669 = vector.shape_cast %get3A_668 : vector<1x16xf32> to vector<16xf32>
      %mul3A_670 = arith.mulf %gather3A_647, %get3A_669 : vector<16xf32>
      %add3A_671 = arith.addf %add3A_601, %mul3A_670 : vector<16xf32>
      %add3A_672 = arith.constant 6 : i32
      %add3A_673 = arith.addi %mul3A_221, %add3A_672 : i32
      %get3A_674 = arith.index_cast %add3A_673 : i32 to index
      %get3A_675 = arith.constant 48 : index
      %get3A_676 = tpu.vector_load %arg8[%get3A_674, %get3A_675] {strides = array<i32>} : memref<160x384xf32, #tpu.memory_space<vmem>>, vector<1x16xf32>,
      %get3A_677 = vector.shape_cast %get3A_676 : vector<1x16xf32> to vector<16xf32>
      %mul3A_678 = arith.mulf %gather3A_647, %get3A_677 : vector<16xf32>
      %add3A_679 = arith.addf %add3A_609, %mul3A_678 : vector<16xf32>
      %add3A_680 = arith.constant 6 : i32
      %add3A_681 = arith.addi %mul3A_221, %add3A_680 : i32
      %get3A_682 = arith.index_cast %add3A_681 : i32 to index
      %get3A_683 = arith.constant 64 : index
      %get3A_684 = tpu.vector_load %arg8[%get3A_682, %get3A_683] {strides = array<i32>} : memref<160x384xf32, #tpu.memory_space<vmem>>, vector<1x16xf32>,
      %get3A_685 = vector.shape_cast %get3A_684 : vector<1x16xf32> to vector<16xf32>
      %mul3A_686 = arith.mulf %gather3A_647, %get3A_685 : vector<16xf32>
      %add3A_687 = arith.addf %add3A_617, %mul3A_686 : vector<16xf32>
      %add3A_688 = arith.constant 6 : i32
      %add3A_689 = arith.addi %mul3A_221, %add3A_688 : i32
      %get3A_690 = arith.index_cast %add3A_689 : i32 to index
      %get3A_691 = arith.constant 80 : index
      %get3A_692 = tpu.vector_load %arg8[%get3A_690, %get3A_691] {strides = array<i32>} : memref<160x384xf32, #tpu.memory_space<vmem>>, vector<1x16xf32>,
      %get3A_693 = vector.shape_cast %get3A_692 : vector<1x16xf32> to vector<16xf32>
      %mul3A_694 = arith.mulf %gather3A_647, %get3A_693 : vector<16xf32>
      %add3A_695 = arith.addf %add3A_625, %mul3A_694 : vector<16xf32>
      %add3A_696 = arith.constant 6 : i32
      %add3A_697 = arith.addi %mul3A_221, %add3A_696 : i32
      %get3A_698 = arith.index_cast %add3A_697 : i32 to index
      %get3A_699 = arith.constant 96 : index
      %get3A_700 = tpu.vector_load %arg8[%get3A_698, %get3A_699] {strides = array<i32>} : memref<160x384xf32, #tpu.memory_space<vmem>>, vector<1x16xf32>,
      %get3A_701 = vector.shape_cast %get3A_700 : vector<1x16xf32> to vector<16xf32>
      %mul3A_702 = arith.mulf %gather3A_647, %get3A_701 : vector<16xf32>
      %add3A_703 = arith.addf %add3A_633, %mul3A_702 : vector<16xf32>
      %add3A_704 = arith.constant 6 : i32
      %add3A_705 = arith.addi %mul3A_221, %add3A_704 : i32
      %get3A_706 = arith.index_cast %add3A_705 : i32 to index
      %get3A_707 = arith.constant 112 : index
      %get3A_708 = tpu.vector_load %arg8[%get3A_706, %get3A_707] {strides = array<i32>} : memref<160x384xf32, #tpu.memory_space<vmem>>, vector<1x16xf32>,
      %get3A_709 = vector.shape_cast %get3A_708 : vector<1x16xf32> to vector<16xf32>
      %mul3A_710 = arith.mulf %gather3A_647, %get3A_709 : vector<16xf32>
      %add3A_711 = arith.addf %add3A_641, %mul3A_710 : vector<16xf32>
      %add3A_712 = arith.constant 7 : i32
      %add3A_713 = arith.addi %mul3A_219, %add3A_712 : i32
      %broadcast_in_dim3A_714 = vector.broadcast %add3A_713 : i32 to vector<16xi32>
      %broadcast_in_dim3A_715 = vector.shape_cast %broadcast_in_dim3A_714 : vector<16xi32> to vector<16x1xi32>
      %gather3A_716 = vector.shape_cast %broadcast_in_dim3A_715 : vector<16x1xi32> to vector<16xi32>
      %gather3A_717 = tpu.dynamic_gather %select_n3A_230[%gather3A_716] in [0] : vector<16xf32>, vector<16xi32> -> vector<16xf32>
      %add3A_718 = arith.constant 7 : i32
      %add3A_719 = arith.addi %mul3A_221, %add3A_718 : i32
      %get3A_720 = arith.index_cast %add3A_719 : i32 to index
      %get3A_721 = arith.constant 0 : index
      %get3A_722 = tpu.vector_load %arg8[%get3A_720, %get3A_721] {strides = array<i32>} : memref<160x384xf32, #tpu.memory_space<vmem>>, vector<1x16xf32>,
      %get3A_723 = vector.shape_cast %get3A_722 : vector<1x16xf32> to vector<16xf32>
      %mul3A_724 = arith.mulf %gather3A_717, %get3A_723 : vector<16xf32>
      %add3A_725 = arith.addf %add3A_655, %mul3A_724 : vector<16xf32>
      %add3A_726 = arith.constant 7 : i32
      %add3A_727 = arith.addi %mul3A_221, %add3A_726 : i32
      %get3A_728 = arith.index_cast %add3A_727 : i32 to index
      %get3A_729 = arith.constant 16 : index
      %get3A_730 = tpu.vector_load %arg8[%get3A_728, %get3A_729] {strides = array<i32>} : memref<160x384xf32, #tpu.memory_space<vmem>>, vector<1x16xf32>,
      %get3A_731 = vector.shape_cast %get3A_730 : vector<1x16xf32> to vector<16xf32>
      %mul3A_732 = arith.mulf %gather3A_717, %get3A_731 : vector<16xf32>
      %add3A_733 = arith.addf %add3A_663, %mul3A_732 : vector<16xf32>
      %add3A_734 = arith.constant 7 : i32
      %add3A_735 = arith.addi %mul3A_221, %add3A_734 : i32
      %get3A_736 = arith.index_cast %add3A_735 : i32 to index
      %get3A_737 = arith.constant 32 : index
      %get3A_738 = tpu.vector_load %arg8[%get3A_736, %get3A_737] {strides = array<i32>} : memref<160x384xf32, #tpu.memory_space<vmem>>, vector<1x16xf32>,
      %get3A_739 = vector.shape_cast %get3A_738 : vector<1x16xf32> to vector<16xf32>
      %mul3A_740 = arith.mulf %gather3A_717, %get3A_739 : vector<16xf32>
      %add3A_741 = arith.addf %add3A_671, %mul3A_740 : vector<16xf32>
      %add3A_742 = arith.constant 7 : i32
      %add3A_743 = arith.addi %mul3A_221, %add3A_742 : i32
      %get3A_744 = arith.index_cast %add3A_743 : i32 to index
      %get3A_745 = arith.constant 48 : index
      %get3A_746 = tpu.vector_load %arg8[%get3A_744, %get3A_745] {strides = array<i32>} : memref<160x384xf32, #tpu.memory_space<vmem>>, vector<1x16xf32>,
      %get3A_747 = vector.shape_cast %get3A_746 : vector<1x16xf32> to vector<16xf32>
      %mul3A_748 = arith.mulf %gather3A_717, %get3A_747 : vector<16xf32>
      %add3A_749 = arith.addf %add3A_679, %mul3A_748 : vector<16xf32>
      %add3A_750 = arith.constant 7 : i32
      %add3A_751 = arith.addi %mul3A_221, %add3A_750 : i32
      %get3A_752 = arith.index_cast %add3A_751 : i32 to index
      %get3A_753 = arith.constant 64 : index
      %get3A_754 = tpu.vector_load %arg8[%get3A_752, %get3A_753] {strides = array<i32>} : memref<160x384xf32, #tpu.memory_space<vmem>>, vector<1x16xf32>,
      %get3A_755 = vector.shape_cast %get3A_754 : vector<1x16xf32> to vector<16xf32>
      %mul3A_756 = arith.mulf %gather3A_717, %get3A_755 : vector<16xf32>
      %add3A_757 = arith.addf %add3A_687, %mul3A_756 : vector<16xf32>
      %add3A_758 = arith.constant 7 : i32
      %add3A_759 = arith.addi %mul3A_221, %add3A_758 : i32
      %get3A_760 = arith.index_cast %add3A_759 : i32 to index
      %get3A_761 = arith.constant 80 : index
      %get3A_762 = tpu.vector_load %arg8[%get3A_760, %get3A_761] {strides = array<i32>} : memref<160x384xf32, #tpu.memory_space<vmem>>, vector<1x16xf32>,
      %get3A_763 = vector.shape_cast %get3A_762 : vector<1x16xf32> to vector<16xf32>
      %mul3A_764 = arith.mulf %gather3A_717, %get3A_763 : vector<16xf32>
      %add3A_765 = arith.addf %add3A_695, %mul3A_764 : vector<16xf32>
      %add3A_766 = arith.constant 7 : i32
      %add3A_767 = arith.addi %mul3A_221, %add3A_766 : i32
      %get3A_768 = arith.index_cast %add3A_767 : i32 to index
      %get3A_769 = arith.constant 96 : index
      %get3A_770 = tpu.vector_load %arg8[%get3A_768, %get3A_769] {strides = array<i32>} : memref<160x384xf32, #tpu.memory_space<vmem>>, vector<1x16xf32>,
      %get3A_771 = vector.shape_cast %get3A_770 : vector<1x16xf32> to vector<16xf32>
      %mul3A_772 = arith.mulf %gather3A_717, %get3A_771 : vector<16xf32>
      %add3A_773 = arith.addf %add3A_703, %mul3A_772 : vector<16xf32>
      %add3A_774 = arith.constant 7 : i32
      %add3A_775 = arith.addi %mul3A_221, %add3A_774 : i32
      %get3A_776 = arith.index_cast %add3A_775 : i32 to index
      %get3A_777 = arith.constant 112 : index
      %get3A_778 = tpu.vector_load %arg8[%get3A_776, %get3A_777] {strides = array<i32>} : memref<160x384xf32, #tpu.memory_space<vmem>>, vector<1x16xf32>,
      %get3A_779 = vector.shape_cast %get3A_778 : vector<1x16xf32> to vector<16xf32>
      %mul3A_780 = arith.mulf %gather3A_717, %get3A_779 : vector<16xf32>
      %add3A_781 = arith.addf %add3A_711, %mul3A_780 : vector<16xf32>
      %swap3A_782 = arith.constant 0 : index
      %swap3A_783 = tpu.vector_load %arg9[%swap3A_782] {strides = array<i32>} : memref<384xf32, #tpu.memory_space<vmem>>, vector<16xf32>,
      %swap3A_784 = vector.shape_cast %swap3A_783 : vector<16xf32> to vector<16xf32>
      %swap3A_785 = vector.shape_cast %add3A_725 : vector<16xf32> to vector<16xf32>
      tpu.vector_store %arg9[%swap3A_782], %swap3A_785 {add = true, strides = array<i32>} : memref<384xf32, #tpu.memory_space<vmem>>, vector<16xf32>,
      %swap3A_786 = arith.constant 16 : index
      %swap3A_787 = tpu.vector_load %arg9[%swap3A_786] {strides = array<i32>} : memref<384xf32, #tpu.memory_space<vmem>>, vector<16xf32>,
      %swap3A_788 = vector.shape_cast %swap3A_787 : vector<16xf32> to vector<16xf32>
      %swap3A_789 = vector.shape_cast %add3A_733 : vector<16xf32> to vector<16xf32>
      tpu.vector_store %arg9[%swap3A_786], %swap3A_789 {add = true, strides = array<i32>} : memref<384xf32, #tpu.memory_space<vmem>>, vector<16xf32>,
      %swap3A_790 = arith.constant 32 : index
      %swap3A_791 = tpu.vector_load %arg9[%swap3A_790] {strides = array<i32>} : memref<384xf32, #tpu.memory_space<vmem>>, vector<16xf32>,
      %swap3A_792 = vector.shape_cast %swap3A_791 : vector<16xf32> to vector<16xf32>
      %swap3A_793 = vector.shape_cast %add3A_741 : vector<16xf32> to vector<16xf32>
      tpu.vector_store %arg9[%swap3A_790], %swap3A_793 {add = true, strides = array<i32>} : memref<384xf32, #tpu.memory_space<vmem>>, vector<16xf32>,
      %swap3A_794 = arith.constant 48 : index
      %swap3A_795 = tpu.vector_load %arg9[%swap3A_794] {strides = array<i32>} : memref<384xf32, #tpu.memory_space<vmem>>, vector<16xf32>,
      %swap3A_796 = vector.shape_cast %swap3A_795 : vector<16xf32> to vector<16xf32>
      %swap3A_797 = vector.shape_cast %add3A_749 : vector<16xf32> to vector<16xf32>
      tpu.vector_store %arg9[%swap3A_794], %swap3A_797 {add = true, strides = array<i32>} : memref<384xf32, #tpu.memory_space<vmem>>, vector<16xf32>,
      %swap3A_798 = arith.constant 64 : index
      %swap3A_799 = tpu.vector_load %arg9[%swap3A_798] {strides = array<i32>} : memref<384xf32, #tpu.memory_space<vmem>>, vector<16xf32>,
      %swap3A_800 = vector.shape_cast %swap3A_799 : vector<16xf32> to vector<16xf32>
      %swap3A_801 = vector.shape_cast %add3A_757 : vector<16xf32> to vector<16xf32>
      tpu.vector_store %arg9[%swap3A_798], %swap3A_801 {add = true, strides = array<i32>} : memref<384xf32, #tpu.memory_space<vmem>>, vector<16xf32>,
      %swap3A_802 = arith.constant 80 : index
      %swap3A_803 = tpu.vector_load %arg9[%swap3A_802] {strides = array<i32>} : memref<384xf32, #tpu.memory_space<vmem>>, vector<16xf32>,
      %swap3A_804 = vector.shape_cast %swap3A_803 : vector<16xf32> to vector<16xf32>
      %swap3A_805 = vector.shape_cast %add3A_765 : vector<16xf32> to vector<16xf32>
      tpu.vector_store %arg9[%swap3A_802], %swap3A_805 {add = true, strides = array<i32>} : memref<384xf32, #tpu.memory_space<vmem>>, vector<16xf32>,
      %swap3A_806 = arith.constant 96 : index
      %swap3A_807 = tpu.vector_load %arg9[%swap3A_806] {strides = array<i32>} : memref<384xf32, #tpu.memory_space<vmem>>, vector<16xf32>,
      %swap3A_808 = vector.shape_cast %swap3A_807 : vector<16xf32> to vector<16xf32>
      %swap3A_809 = vector.shape_cast %add3A_773 : vector<16xf32> to vector<16xf32>
      tpu.vector_store %arg9[%swap3A_806], %swap3A_809 {add = true, strides = array<i32>} : memref<384xf32, #tpu.memory_space<vmem>>, vector<16xf32>,
      %swap3A_810 = arith.constant 112 : index
      %swap3A_811 = tpu.vector_load %arg9[%swap3A_810] {strides = array<i32>} : memref<384xf32, #tpu.memory_space<vmem>>, vector<16xf32>,
      %swap3A_812 = vector.shape_cast %swap3A_811 : vector<16xf32> to vector<16xf32>
      %swap3A_813 = vector.shape_cast %add3A_781 : vector<16xf32> to vector<16xf32>
      tpu.vector_store %arg9[%swap3A_810], %swap3A_813 {add = true, strides = array<i32>} : memref<384xf32, #tpu.memory_space<vmem>>, vector<16xf32>,
      %add3A_814 = arith.constant 0 : i32
      %add3A_815 = arith.addi %mul3A_219, %add3A_814 : i32
      %broadcast_in_dim3A_816 = vector.broadcast %add3A_815 : i32 to vector<16xi32>
      %broadcast_in_dim3A_817 = vector.shape_cast %broadcast_in_dim3A_816 : vector<16xi32> to vector<16x1xi32>
      %gather3A_818 = vector.shape_cast %broadcast_in_dim3A_817 : vector<16x1xi32> to vector<16xi32>
      %gather3A_819 = tpu.dynamic_gather %select_n3A_230[%gather3A_818] in [0] : vector<16xf32>, vector<16xi32> -> vector<16xf32>
      %add3A_820 = arith.constant 0 : i32
      %add3A_821 = arith.addi %mul3A_221, %add3A_820 : i32
      %get3A_822 = arith.index_cast %add3A_821 : i32 to index
      %get3A_823 = arith.constant 128 : index
      %get3A_824 = tpu.vector_load %arg8[%get3A_822, %get3A_823] {strides = array<i32>} : memref<160x384xf32, #tpu.memory_space<vmem>>, vector<1x16xf32>,
      %get3A_825 = vector.shape_cast %get3A_824 : vector<1x16xf32> to vector<16xf32>
      %mul3A_826 = arith.mulf %gather3A_819, %get3A_825 : vector<16xf32>
      %add3A_827 = arith.constant 0 : i32
      %add3A_828 = arith.addi %mul3A_221, %add3A_827 : i32
      %get3A_829 = arith.index_cast %add3A_828 : i32 to index
      %get3A_830 = arith.constant 144 : index
      %get3A_831 = tpu.vector_load %arg8[%get3A_829, %get3A_830] {strides = array<i32>} : memref<160x384xf32, #tpu.memory_space<vmem>>, vector<1x16xf32>,
      %get3A_832 = vector.shape_cast %get3A_831 : vector<1x16xf32> to vector<16xf32>
      %mul3A_833 = arith.mulf %gather3A_819, %get3A_832 : vector<16xf32>
      %add3A_834 = arith.constant 0 : i32
      %add3A_835 = arith.addi %mul3A_221, %add3A_834 : i32
      %get3A_836 = arith.index_cast %add3A_835 : i32 to index
      %get3A_837 = arith.constant 160 : index
      %get3A_838 = tpu.vector_load %arg8[%get3A_836, %get3A_837] {strides = array<i32>} : memref<160x384xf32, #tpu.memory_space<vmem>>, vector<1x16xf32>,
      %get3A_839 = vector.shape_cast %get3A_838 : vector<1x16xf32> to vector<16xf32>
      %mul3A_840 = arith.mulf %gather3A_819, %get3A_839 : vector<16xf32>
      %add3A_841 = arith.constant 0 : i32
      %add3A_842 = arith.addi %mul3A_221, %add3A_841 : i32
      %get3A_843 = arith.index_cast %add3A_842 : i32 to index
      %get3A_844 = arith.constant 176 : index
      %get3A_845 = tpu.vector_load %arg8[%get3A_843, %get3A_844] {strides = array<i32>} : memref<160x384xf32, #tpu.memory_space<vmem>>, vector<1x16xf32>,
      %get3A_846 = vector.shape_cast %get3A_845 : vector<1x16xf32> to vector<16xf32>
      %mul3A_847 = arith.mulf %gather3A_819, %get3A_846 : vector<16xf32>
      %add3A_848 = arith.constant 0 : i32
      %add3A_849 = arith.addi %mul3A_221, %add3A_848 : i32
      %get3A_850 = arith.index_cast %add3A_849 : i32 to index
      %get3A_851 = arith.constant 192 : index
      %get3A_852 = tpu.vector_load %arg8[%get3A_850, %get3A_851] {strides = array<i32>} : memref<160x384xf32, #tpu.memory_space<vmem>>, vector<1x16xf32>,
      %get3A_853 = vector.shape_cast %get3A_852 : vector<1x16xf32> to vector<16xf32>
      %mul3A_854 = arith.mulf %gather3A_819, %get3A_853 : vector<16xf32>
      %add3A_855 = arith.constant 0 : i32
      %add3A_856 = arith.addi %mul3A_221, %add3A_855 : i32
      %get3A_857 = arith.index_cast %add3A_856 : i32 to index
      %get3A_858 = arith.constant 208 : index
      %get3A_859 = tpu.vector_load %arg8[%get3A_857, %get3A_858] {strides = array<i32>} : memref<160x384xf32, #tpu.memory_space<vmem>>, vector<1x16xf32>,
      %get3A_860 = vector.shape_cast %get3A_859 : vector<1x16xf32> to vector<16xf32>
      %mul3A_861 = arith.mulf %gather3A_819, %get3A_860 : vector<16xf32>
      %add3A_862 = arith.constant 0 : i32
      %add3A_863 = arith.addi %mul3A_221, %add3A_862 : i32
      %get3A_864 = arith.index_cast %add3A_863 : i32 to index
      %get3A_865 = arith.constant 224 : index
      %get3A_866 = tpu.vector_load %arg8[%get3A_864, %get3A_865] {strides = array<i32>} : memref<160x384xf32, #tpu.memory_space<vmem>>, vector<1x16xf32>,
      %get3A_867 = vector.shape_cast %get3A_866 : vector<1x16xf32> to vector<16xf32>
      %mul3A_868 = arith.mulf %gather3A_819, %get3A_867 : vector<16xf32>
      %add3A_869 = arith.constant 0 : i32
      %add3A_870 = arith.addi %mul3A_221, %add3A_869 : i32
      %get3A_871 = arith.index_cast %add3A_870 : i32 to index
      %get3A_872 = arith.constant 240 : index
      %get3A_873 = tpu.vector_load %arg8[%get3A_871, %get3A_872] {strides = array<i32>} : memref<160x384xf32, #tpu.memory_space<vmem>>, vector<1x16xf32>,
      %get3A_874 = vector.shape_cast %get3A_873 : vector<1x16xf32> to vector<16xf32>
      %mul3A_875 = arith.mulf %gather3A_819, %get3A_874 : vector<16xf32>
      %add3A_876 = arith.constant 1 : i32
      %add3A_877 = arith.addi %mul3A_219, %add3A_876 : i32
      %broadcast_in_dim3A_878 = vector.broadcast %add3A_877 : i32 to vector<16xi32>
      %broadcast_in_dim3A_879 = vector.shape_cast %broadcast_in_dim3A_878 : vector<16xi32> to vector<16x1xi32>
      %gather3A_880 = vector.shape_cast %broadcast_in_dim3A_879 : vector<16x1xi32> to vector<16xi32>
      %gather3A_881 = tpu.dynamic_gather %select_n3A_230[%gather3A_880] in [0] : vector<16xf32>, vector<16xi32> -> vector<16xf32>
      %add3A_882 = arith.constant 1 : i32
      %add3A_883 = arith.addi %mul3A_221, %add3A_882 : i32
      %get3A_884 = arith.index_cast %add3A_883 : i32 to index
      %get3A_885 = arith.constant 128 : index
      %get3A_886 = tpu.vector_load %arg8[%get3A_884, %get3A_885] {strides = array<i32>} : memref<160x384xf32, #tpu.memory_space<vmem>>, vector<1x16xf32>,
      %get3A_887 = vector.shape_cast %get3A_886 : vector<1x16xf32> to vector<16xf32>
      %mul3A_888 = arith.mulf %gather3A_881, %get3A_887 : vector<16xf32>
      %add3A_889 = arith.addf %mul3A_826, %mul3A_888 : vector<16xf32>
      %add3A_890 = arith.constant 1 : i32
      %add3A_891 = arith.addi %mul3A_221, %add3A_890 : i32
      %get3A_892 = arith.index_cast %add3A_891 : i32 to index
      %get3A_893 = arith.constant 144 : index
      %get3A_894 = tpu.vector_load %arg8[%get3A_892, %get3A_893] {strides = array<i32>} : memref<160x384xf32, #tpu.memory_space<vmem>>, vector<1x16xf32>,
      %get3A_895 = vector.shape_cast %get3A_894 : vector<1x16xf32> to vector<16xf32>
      %mul3A_896 = arith.mulf %gather3A_881, %get3A_895 : vector<16xf32>
      %add3A_897 = arith.addf %mul3A_833, %mul3A_896 : vector<16xf32>
      %add3A_898 = arith.constant 1 : i32
      %add3A_899 = arith.addi %mul3A_221, %add3A_898 : i32
      %get3A_900 = arith.index_cast %add3A_899 : i32 to index
      %get3A_901 = arith.constant 160 : index
      %get3A_902 = tpu.vector_load %arg8[%get3A_900, %get3A_901] {strides = array<i32>} : memref<160x384xf32, #tpu.memory_space<vmem>>, vector<1x16xf32>,
      %get3A_903 = vector.shape_cast %get3A_902 : vector<1x16xf32> to vector<16xf32>
      %mul3A_904 = arith.mulf %gather3A_881, %get3A_903 : vector<16xf32>
      %add3A_905 = arith.addf %mul3A_840, %mul3A_904 : vector<16xf32>
      %add3A_906 = arith.constant 1 : i32
      %add3A_907 = arith.addi %mul3A_221, %add3A_906 : i32
      %get3A_908 = arith.index_cast %add3A_907 : i32 to index
      %get3A_909 = arith.constant 176 : index
      %get3A_910 = tpu.vector_load %arg8[%get3A_908, %get3A_909] {strides = array<i32>} : memref<160x384xf32, #tpu.memory_space<vmem>>, vector<1x16xf32>,
      %get3A_911 = vector.shape_cast %get3A_910 : vector<1x16xf32> to vector<16xf32>
      %mul3A_912 = arith.mulf %gather3A_881, %get3A_911 : vector<16xf32>
      %add3A_913 = arith.addf %mul3A_847, %mul3A_912 : vector<16xf32>
      %add3A_914 = arith.constant 1 : i32
      %add3A_915 = arith.addi %mul3A_221, %add3A_914 : i32
      %get3A_916 = arith.index_cast %add3A_915 : i32 to index
      %get3A_917 = arith.constant 192 : index
      %get3A_918 = tpu.vector_load %arg8[%get3A_916, %get3A_917] {strides = array<i32>} : memref<160x384xf32, #tpu.memory_space<vmem>>, vector<1x16xf32>,
      %get3A_919 = vector.shape_cast %get3A_918 : vector<1x16xf32> to vector<16xf32>
      %mul3A_920 = arith.mulf %gather3A_881, %get3A_919 : vector<16xf32>
      %add3A_921 = arith.addf %mul3A_854, %mul3A_920 : vector<16xf32>
      %add3A_922 = arith.constant 1 : i32
      %add3A_923 = arith.addi %mul3A_221, %add3A_922 : i32
      %get3A_924 = arith.index_cast %add3A_923 : i32 to index
      %get3A_925 = arith.constant 208 : index
      %get3A_926 = tpu.vector_load %arg8[%get3A_924, %get3A_925] {strides = array<i32>} : memref<160x384xf32, #tpu.memory_space<vmem>>, vector<1x16xf32>,
      %get3A_927 = vector.shape_cast %get3A_926 : vector<1x16xf32> to vector<16xf32>
      %mul3A_928 = arith.mulf %gather3A_881, %get3A_927 : vector<16xf32>
      %add3A_929 = arith.addf %mul3A_861, %mul3A_928 : vector<16xf32>
      %add3A_930 = arith.constant 1 : i32
      %add3A_931 = arith.addi %mul3A_221, %add3A_930 : i32
      %get3A_932 = arith.index_cast %add3A_931 : i32 to index
      %get3A_933 = arith.constant 224 : index
      %get3A_934 = tpu.vector_load %arg8[%get3A_932, %get3A_933] {strides = array<i32>} : memref<160x384xf32, #tpu.memory_space<vmem>>, vector<1x16xf32>,
      %get3A_935 = vector.shape_cast %get3A_934 : vector<1x16xf32> to vector<16xf32>
      %mul3A_936 = arith.mulf %gather3A_881, %get3A_935 : vector<16xf32>
      %add3A_937 = arith.addf %mul3A_868, %mul3A_936 : vector<16xf32>
      %add3A_938 = arith.constant 1 : i32
      %add3A_939 = arith.addi %mul3A_221, %add3A_938 : i32
      %get3A_940 = arith.index_cast %add3A_939 : i32 to index
      %get3A_941 = arith.constant 240 : index
      %get3A_942 = tpu.vector_load %arg8[%get3A_940, %get3A_941] {strides = array<i32>} : memref<160x384xf32, #tpu.memory_space<vmem>>, vector<1x16xf32>,
      %get3A_943 = vector.shape_cast %get3A_942 : vector<1x16xf32> to vector<16xf32>
      %mul3A_944 = arith.mulf %gather3A_881, %get3A_943 : vector<16xf32>
      %add3A_945 = arith.addf %mul3A_875, %mul3A_944 : vector<16xf32>
      %add3A_946 = arith.constant 2 : i32
      %add3A_947 = arith.addi %mul3A_219, %add3A_946 : i32
      %broadcast_in_dim3A_948 = vector.broadcast %add3A_947 : i32 to vector<16xi32>
      %broadcast_in_dim3A_949 = vector.shape_cast %broadcast_in_dim3A_948 : vector<16xi32> to vector<16x1xi32>
      %gather3A_950 = vector.shape_cast %broadcast_in_dim3A_949 : vector<16x1xi32> to vector<16xi32>
      %gather3A_951 = tpu.dynamic_gather %select_n3A_230[%gather3A_950] in [0] : vector<16xf32>, vector<16xi32> -> vector<16xf32>
      %add3A_952 = arith.constant 2 : i32
      %add3A_953 = arith.addi %mul3A_221, %add3A_952 : i32
      %get3A_954 = arith.index_cast %add3A_953 : i32 to index
      %get3A_955 = arith.constant 128 : index
      %get3A_956 = tpu.vector_load %arg8[%get3A_954, %get3A_955] {strides = array<i32>} : memref<160x384xf32, #tpu.memory_space<vmem>>, vector<1x16xf32>,
      %get3A_957 = vector.shape_cast %get3A_956 : vector<1x16xf32> to vector<16xf32>
      %mul3A_958 = arith.mulf %gather3A_951, %get3A_957 : vector<16xf32>
      %add3A_959 = arith.addf %add3A_889, %mul3A_958 : vector<16xf32>
      %add3A_960 = arith.constant 2 : i32
      %add3A_961 = arith.addi %mul3A_221, %add3A_960 : i32
      %get3A_962 = arith.index_cast %add3A_961 : i32 to index
      %get3A_963 = arith.constant 144 : index
      %get3A_964 = tpu.vector_load %arg8[%get3A_962, %get3A_963] {strides = array<i32>} : memref<160x384xf32, #tpu.memory_space<vmem>>, vector<1x16xf32>,
      %get3A_965 = vector.shape_cast %get3A_964 : vector<1x16xf32> to vector<16xf32>
      %mul3A_966 = arith.mulf %gather3A_951, %get3A_965 : vector<16xf32>
      %add3A_967 = arith.addf %add3A_897, %mul3A_966 : vector<16xf32>
      %add3A_968 = arith.constant 2 : i32
      %add3A_969 = arith.addi %mul3A_221, %add3A_968 : i32
      %get3A_970 = arith.index_cast %add3A_969 : i32 to index
      %get3A_971 = arith.constant 160 : index
      %get3A_972 = tpu.vector_load %arg8[%get3A_970, %get3A_971] {strides = array<i32>} : memref<160x384xf32, #tpu.memory_space<vmem>>, vector<1x16xf32>,
      %get3A_973 = vector.shape_cast %get3A_972 : vector<1x16xf32> to vector<16xf32>
      %mul3A_974 = arith.mulf %gather3A_951, %get3A_973 : vector<16xf32>
      %add3A_975 = arith.addf %add3A_905, %mul3A_974 : vector<16xf32>
      %add3A_976 = arith.constant 2 : i32
      %add3A_977 = arith.addi %mul3A_221, %add3A_976 : i32
      %get3A_978 = arith.index_cast %add3A_977 : i32 to index
      %get3A_979 = arith.constant 176 : index
      %get3A_980 = tpu.vector_load %arg8[%get3A_978, %get3A_979] {strides = array<i32>} : memref<160x384xf32, #tpu.memory_space<vmem>>, vector<1x16xf32>,
      %get3A_981 = vector.shape_cast %get3A_980 : vector<1x16xf32> to vector<16xf32>
      %mul3A_982 = arith.mulf %gather3A_951, %get3A_981 : vector<16xf32>
      %add3A_983 = arith.addf %add3A_913, %mul3A_982 : vector<16xf32>
      %add3A_984 = arith.constant 2 : i32
      %add3A_985 = arith.addi %mul3A_221, %add3A_984 : i32
      %get3A_986 = arith.index_cast %add3A_985 : i32 to index
      %get3A_987 = arith.constant 192 : index
      %get3A_988 = tpu.vector_load %arg8[%get3A_986, %get3A_987] {strides = array<i32>} : memref<160x384xf32, #tpu.memory_space<vmem>>, vector<1x16xf32>,
      %get3A_989 = vector.shape_cast %get3A_988 : vector<1x16xf32> to vector<16xf32>
      %mul3A_990 = arith.mulf %gather3A_951, %get3A_989 : vector<16xf32>
      %add3A_991 = arith.addf %add3A_921, %mul3A_990 : vector<16xf32>
      %add3A_992 = arith.constant 2 : i32
      %add3A_993 = arith.addi %mul3A_221, %add3A_992 : i32
      %get3A_994 = arith.index_cast %add3A_993 : i32 to index
      %get3A_995 = arith.constant 208 : index
      %get3A_996 = tpu.vector_load %arg8[%get3A_994, %get3A_995] {strides = array<i32>} : memref<160x384xf32, #tpu.memory_space<vmem>>, vector<1x16xf32>,
      %get3A_997 = vector.shape_cast %get3A_996 : vector<1x16xf32> to vector<16xf32>
      %mul3A_998 = arith.mulf %gather3A_951, %get3A_997 : vector<16xf32>
      %add3A_999 = arith.addf %add3A_929, %mul3A_998 : vector<16xf32>
      %add3A_1000 = arith.constant 2 : i32
      %add3A_1001 = arith.addi %mul3A_221, %add3A_1000 : i32
      %get3A_1002 = arith.index_cast %add3A_1001 : i32 to index
      %get3A_1003 = arith.constant 224 : index
      %get3A_1004 = tpu.vector_load %arg8[%get3A_1002, %get3A_1003] {strides = array<i32>} : memref<160x384xf32, #tpu.memory_space<vmem>>, vector<1x16xf32>,
      %get3A_1005 = vector.shape_cast %get3A_1004 : vector<1x16xf32> to vector<16xf32>
      %mul3A_1006 = arith.mulf %gather3A_951, %get3A_1005 : vector<16xf32>
      %add3A_1007 = arith.addf %add3A_937, %mul3A_1006 : vector<16xf32>
      %add3A_1008 = arith.constant 2 : i32
      %add3A_1009 = arith.addi %mul3A_221, %add3A_1008 : i32
      %get3A_1010 = arith.index_cast %add3A_1009 : i32 to index
      %get3A_1011 = arith.constant 240 : index
      %get3A_1012 = tpu.vector_load %arg8[%get3A_1010, %get3A_1011] {strides = array<i32>} : memref<160x384xf32, #tpu.memory_space<vmem>>, vector<1x16xf32>,
      %get3A_1013 = vector.shape_cast %get3A_1012 : vector<1x16xf32> to vector<16xf32>
      %mul3A_1014 = arith.mulf %gather3A_951, %get3A_1013 : vector<16xf32>
      %add3A_1015 = arith.addf %add3A_945, %mul3A_1014 : vector<16xf32>
      %add3A_1016 = arith.constant 3 : i32
      %add3A_1017 = arith.addi %mul3A_219, %add3A_1016 : i32
      %broadcast_in_dim3A_1018 = vector.broadcast %add3A_1017 : i32 to vector<16xi32>
      %broadcast_in_dim3A_1019 = vector.shape_cast %broadcast_in_dim3A_1018 : vector<16xi32> to vector<16x1xi32>
      %gather3A_1020 = vector.shape_cast %broadcast_in_dim3A_1019 : vector<16x1xi32> to vector<16xi32>
      %gather3A_1021 = tpu.dynamic_gather %select_n3A_230[%gather3A_1020] in [0] : vector<16xf32>, vector<16xi32> -> vector<16xf32>
      %add3A_1022 = arith.constant 3 : i32
      %add3A_1023 = arith.addi %mul3A_221, %add3A_1022 : i32
      %get3A_1024 = arith.index_cast %add3A_1023 : i32 to index
      %get3A_1025 = arith.constant 128 : index
      %get3A_1026 = tpu.vector_load %arg8[%get3A_1024, %get3A_1025] {strides = array<i32>} : memref<160x384xf32, #tpu.memory_space<vmem>>, vector<1x16xf32>,
      %get3A_1027 = vector.shape_cast %get3A_1026 : vector<1x16xf32> to vector<16xf32>
      %mul3A_1028 = arith.mulf %gather3A_1021, %get3A_1027 : vector<16xf32>
      %add3A_1029 = arith.addf %add3A_959, %mul3A_1028 : vector<16xf32>
      %add3A_1030 = arith.constant 3 : i32
      %add3A_1031 = arith.addi %mul3A_221, %add3A_1030 : i32
      %get3A_1032 = arith.index_cast %add3A_1031 : i32 to index
      %get3A_1033 = arith.constant 144 : index
      %get3A_1034 = tpu.vector_load %arg8[%get3A_1032, %get3A_1033] {strides = array<i32>} : memref<160x384xf32, #tpu.memory_space<vmem>>, vector<1x16xf32>,
      %get3A_1035 = vector.shape_cast %get3A_1034 : vector<1x16xf32> to vector<16xf32>
      %mul3A_1036 = arith.mulf %gather3A_1021, %get3A_1035 : vector<16xf32>
      %add3A_1037 = arith.addf %add3A_967, %mul3A_1036 : vector<16xf32>
      %add3A_1038 = arith.constant 3 : i32
      %add3A_1039 = arith.addi %mul3A_221, %add3A_1038 : i32
      %get3A_1040 = arith.index_cast %add3A_1039 : i32 to index
      %get3A_1041 = arith.constant 160 : index
      %get3A_1042 = tpu.vector_load %arg8[%get3A_1040, %get3A_1041] {strides = array<i32>} : memref<160x384xf32, #tpu.memory_space<vmem>>, vector<1x16xf32>,
      %get3A_1043 = vector.shape_cast %get3A_1042 : vector<1x16xf32> to vector<16xf32>
      %mul3A_1044 = arith.mulf %gather3A_1021, %get3A_1043 : vector<16xf32>
      %add3A_1045 = arith.addf %add3A_975, %mul3A_1044 : vector<16xf32>
      %add3A_1046 = arith.constant 3 : i32
      %add3A_1047 = arith.addi %mul3A_221, %add3A_1046 : i32
      %get3A_1048 = arith.index_cast %add3A_1047 : i32 to index
      %get3A_1049 = arith.constant 176 : index
      %get3A_1050 = tpu.vector_load %arg8[%get3A_1048, %get3A_1049] {strides = array<i32>} : memref<160x384xf32, #tpu.memory_space<vmem>>, vector<1x16xf32>,
      %get3A_1051 = vector.shape_cast %get3A_1050 : vector<1x16xf32> to vector<16xf32>
      %mul3A_1052 = arith.mulf %gather3A_1021, %get3A_1051 : vector<16xf32>
      %add3A_1053 = arith.addf %add3A_983, %mul3A_1052 : vector<16xf32>
      %add3A_1054 = arith.constant 3 : i32
      %add3A_1055 = arith.addi %mul3A_221, %add3A_1054 : i32
      %get3A_1056 = arith.index_cast %add3A_1055 : i32 to index
      %get3A_1057 = arith.constant 192 : index
      %get3A_1058 = tpu.vector_load %arg8[%get3A_1056, %get3A_1057] {strides = array<i32>} : memref<160x384xf32, #tpu.memory_space<vmem>>, vector<1x16xf32>,
      %get3A_1059 = vector.shape_cast %get3A_1058 : vector<1x16xf32> to vector<16xf32>
      %mul3A_1060 = arith.mulf %gather3A_1021, %get3A_1059 : vector<16xf32>
      %add3A_1061 = arith.addf %add3A_991, %mul3A_1060 : vector<16xf32>
      %add3A_1062 = arith.constant 3 : i32
      %add3A_1063 = arith.addi %mul3A_221, %add3A_1062 : i32
      %get3A_1064 = arith.index_cast %add3A_1063 : i32 to index
      %get3A_1065 = arith.constant 208 : index
      %get3A_1066 = tpu.vector_load %arg8[%get3A_1064, %get3A_1065] {strides = array<i32>} : memref<160x384xf32, #tpu.memory_space<vmem>>, vector<1x16xf32>,
      %get3A_1067 = vector.shape_cast %get3A_1066 : vector<1x16xf32> to vector<16xf32>
      %mul3A_1068 = arith.mulf %gather3A_1021, %get3A_1067 : vector<16xf32>
      %add3A_1069 = arith.addf %add3A_999, %mul3A_1068 : vector<16xf32>
      %add3A_1070 = arith.constant 3 : i32
      %add3A_1071 = arith.addi %mul3A_221, %add3A_1070 : i32
      %get3A_1072 = arith.index_cast %add3A_1071 : i32 to index
      %get3A_1073 = arith.constant 224 : index
      %get3A_1074 = tpu.vector_load %arg8[%get3A_1072, %get3A_1073] {strides = array<i32>} : memref<160x384xf32, #tpu.memory_space<vmem>>, vector<1x16xf32>,
      %get3A_1075 = vector.shape_cast %get3A_1074 : vector<1x16xf32> to vector<16xf32>
      %mul3A_1076 = arith.mulf %gather3A_1021, %get3A_1075 : vector<16xf32>
      %add3A_1077 = arith.addf %add3A_1007, %mul3A_1076 : vector<16xf32>
      %add3A_1078 = arith.constant 3 : i32
      %add3A_1079 = arith.addi %mul3A_221, %add3A_1078 : i32
      %get3A_1080 = arith.index_cast %add3A_1079 : i32 to index
      %get3A_1081 = arith.constant 240 : index
      %get3A_1082 = tpu.vector_load %arg8[%get3A_1080, %get3A_1081] {strides = array<i32>} : memref<160x384xf32, #tpu.memory_space<vmem>>, vector<1x16xf32>,
      %get3A_1083 = vector.shape_cast %get3A_1082 : vector<1x16xf32> to vector<16xf32>
      %mul3A_1084 = arith.mulf %gather3A_1021, %get3A_1083 : vector<16xf32>
      %add3A_1085 = arith.addf %add3A_1015, %mul3A_1084 : vector<16xf32>
      %add3A_1086 = arith.constant 4 : i32
      %add3A_1087 = arith.addi %mul3A_219, %add3A_1086 : i32
      %broadcast_in_dim3A_1088 = vector.broadcast %add3A_1087 : i32 to vector<16xi32>
      %broadcast_in_dim3A_1089 = vector.shape_cast %broadcast_in_dim3A_1088 : vector<16xi32> to vector<16x1xi32>
      %gather3A_1090 = vector.shape_cast %broadcast_in_dim3A_1089 : vector<16x1xi32> to vector<16xi32>
      %gather3A_1091 = tpu.dynamic_gather %select_n3A_230[%gather3A_1090] in [0] : vector<16xf32>, vector<16xi32> -> vector<16xf32>
      %add3A_1092 = arith.constant 4 : i32
      %add3A_1093 = arith.addi %mul3A_221, %add3A_1092 : i32
      %get3A_1094 = arith.index_cast %add3A_1093 : i32 to index
      %get3A_1095 = arith.constant 128 : index
      %get3A_1096 = tpu.vector_load %arg8[%get3A_1094, %get3A_1095] {strides = array<i32>} : memref<160x384xf32, #tpu.memory_space<vmem>>, vector<1x16xf32>,
      %get3A_1097 = vector.shape_cast %get3A_1096 : vector<1x16xf32> to vector<16xf32>
      %mul3A_1098 = arith.mulf %gather3A_1091, %get3A_1097 : vector<16xf32>
      %add3A_1099 = arith.addf %add3A_1029, %mul3A_1098 : vector<16xf32>
      %add3A_1100 = arith.constant 4 : i32
      %add3A_1101 = arith.addi %mul3A_221, %add3A_1100 : i32
      %get3A_1102 = arith.index_cast %add3A_1101 : i32 to index
      %get3A_1103 = arith.constant 144 : index
      %get3A_1104 = tpu.vector_load %arg8[%get3A_1102, %get3A_1103] {strides = array<i32>} : memref<160x384xf32, #tpu.memory_space<vmem>>, vector<1x16xf32>,
      %get3A_1105 = vector.shape_cast %get3A_1104 : vector<1x16xf32> to vector<16xf32>
      %mul3A_1106 = arith.mulf %gather3A_1091, %get3A_1105 : vector<16xf32>
      %add3A_1107 = arith.addf %add3A_1037, %mul3A_1106 : vector<16xf32>
      %add3A_1108 = arith.constant 4 : i32
      %add3A_1109 = arith.addi %mul3A_221, %add3A_1108 : i32
      %get3A_1110 = arith.index_cast %add3A_1109 : i32 to index
      %get3A_1111 = arith.constant 160 : index
      %get3A_1112 = tpu.vector_load %arg8[%get3A_1110, %get3A_1111] {strides = array<i32>} : memref<160x384xf32, #tpu.memory_space<vmem>>, vector<1x16xf32>,
      %get3A_1113 = vector.shape_cast %get3A_1112 : vector<1x16xf32> to vector<16xf32>
      %mul3A_1114 = arith.mulf %gather3A_1091, %get3A_1113 : vector<16xf32>
      %add3A_1115 = arith.addf %add3A_1045, %mul3A_1114 : vector<16xf32>
      %add3A_1116 = arith.constant 4 : i32
      %add3A_1117 = arith.addi %mul3A_221, %add3A_1116 : i32
      %get3A_1118 = arith.index_cast %add3A_1117 : i32 to index
      %get3A_1119 = arith.constant 176 : index
      %get3A_1120 = tpu.vector_load %arg8[%get3A_1118, %get3A_1119] {strides = array<i32>} : memref<160x384xf32, #tpu.memory_space<vmem>>, vector<1x16xf32>,
      %get3A_1121 = vector.shape_cast %get3A_1120 : vector<1x16xf32> to vector<16xf32>
      %mul3A_1122 = arith.mulf %gather3A_1091, %get3A_1121 : vector<16xf32>
      %add3A_1123 = arith.addf %add3A_1053, %mul3A_1122 : vector<16xf32>
      %add3A_1124 = arith.constant 4 : i32
      %add3A_1125 = arith.addi %mul3A_221, %add3A_1124 : i32
      %get3A_1126 = arith.index_cast %add3A_1125 : i32 to index
      %get3A_1127 = arith.constant 192 : index
      %get3A_1128 = tpu.vector_load %arg8[%get3A_1126, %get3A_1127] {strides = array<i32>} : memref<160x384xf32, #tpu.memory_space<vmem>>, vector<1x16xf32>,
      %get3A_1129 = vector.shape_cast %get3A_1128 : vector<1x16xf32> to vector<16xf32>
      %mul3A_1130 = arith.mulf %gather3A_1091, %get3A_1129 : vector<16xf32>
      %add3A_1131 = arith.addf %add3A_1061, %mul3A_1130 : vector<16xf32>
      %add3A_1132 = arith.constant 4 : i32
      %add3A_1133 = arith.addi %mul3A_221, %add3A_1132 : i32
      %get3A_1134 = arith.index_cast %add3A_1133 : i32 to index
      %get3A_1135 = arith.constant 208 : index
      %get3A_1136 = tpu.vector_load %arg8[%get3A_1134, %get3A_1135] {strides = array<i32>} : memref<160x384xf32, #tpu.memory_space<vmem>>, vector<1x16xf32>,
      %get3A_1137 = vector.shape_cast %get3A_1136 : vector<1x16xf32> to vector<16xf32>
      %mul3A_1138 = arith.mulf %gather3A_1091, %get3A_1137 : vector<16xf32>
      %add3A_1139 = arith.addf %add3A_1069, %mul3A_1138 : vector<16xf32>
      %add3A_1140 = arith.constant 4 : i32
      %add3A_1141 = arith.addi %mul3A_221, %add3A_1140 : i32
      %get3A_1142 = arith.index_cast %add3A_1141 : i32 to index
      %get3A_1143 = arith.constant 224 : index
      %get3A_1144 = tpu.vector_load %arg8[%get3A_1142, %get3A_1143] {strides = array<i32>} : memref<160x384xf32, #tpu.memory_space<vmem>>, vector<1x16xf32>,
      %get3A_1145 = vector.shape_cast %get3A_1144 : vector<1x16xf32> to vector<16xf32>
      %mul3A_1146 = arith.mulf %gather3A_1091, %get3A_1145 : vector<16xf32>
      %add3A_1147 = arith.addf %add3A_1077, %mul3A_1146 : vector<16xf32>
      %add3A_1148 = arith.constant 4 : i32
      %add3A_1149 = arith.addi %mul3A_221, %add3A_1148 : i32
      %get3A_1150 = arith.index_cast %add3A_1149 : i32 to index
      %get3A_1151 = arith.constant 240 : index
      %get3A_1152 = tpu.vector_load %arg8[%get3A_1150, %get3A_1151] {strides = array<i32>} : memref<160x384xf32, #tpu.memory_space<vmem>>, vector<1x16xf32>,
      %get3A_1153 = vector.shape_cast %get3A_1152 : vector<1x16xf32> to vector<16xf32>
      %mul3A_1154 = arith.mulf %gather3A_1091, %get3A_1153 : vector<16xf32>
      %add3A_1155 = arith.addf %add3A_1085, %mul3A_1154 : vector<16xf32>
      %add3A_1156 = arith.constant 5 : i32
      %add3A_1157 = arith.addi %mul3A_219, %add3A_1156 : i32
      %broadcast_in_dim3A_1158 = vector.broadcast %add3A_1157 : i32 to vector<16xi32>
      %broadcast_in_dim3A_1159 = vector.shape_cast %broadcast_in_dim3A_1158 : vector<16xi32> to vector<16x1xi32>
      %gather3A_1160 = vector.shape_cast %broadcast_in_dim3A_1159 : vector<16x1xi32> to vector<16xi32>
      %gather3A_1161 = tpu.dynamic_gather %select_n3A_230[%gather3A_1160] in [0] : vector<16xf32>, vector<16xi32> -> vector<16xf32>
      %add3A_1162 = arith.constant 5 : i32
      %add3A_1163 = arith.addi %mul3A_221, %add3A_1162 : i32
      %get3A_1164 = arith.index_cast %add3A_1163 : i32 to index
      %get3A_1165 = arith.constant 128 : index
      %get3A_1166 = tpu.vector_load %arg8[%get3A_1164, %get3A_1165] {strides = array<i32>} : memref<160x384xf32, #tpu.memory_space<vmem>>, vector<1x16xf32>,
      %get3A_1167 = vector.shape_cast %get3A_1166 : vector<1x16xf32> to vector<16xf32>
      %mul3A_1168 = arith.mulf %gather3A_1161, %get3A_1167 : vector<16xf32>
      %add3A_1169 = arith.addf %add3A_1099, %mul3A_1168 : vector<16xf32>
      %add3A_1170 = arith.constant 5 : i32
      %add3A_1171 = arith.addi %mul3A_221, %add3A_1170 : i32
      %get3A_1172 = arith.index_cast %add3A_1171 : i32 to index
      %get3A_1173 = arith.constant 144 : index
      %get3A_1174 = tpu.vector_load %arg8[%get3A_1172, %get3A_1173] {strides = array<i32>} : memref<160x384xf32, #tpu.memory_space<vmem>>, vector<1x16xf32>,
      %get3A_1175 = vector.shape_cast %get3A_1174 : vector<1x16xf32> to vector<16xf32>
      %mul3A_1176 = arith.mulf %gather3A_1161, %get3A_1175 : vector<16xf32>
      %add3A_1177 = arith.addf %add3A_1107, %mul3A_1176 : vector<16xf32>
      %add3A_1178 = arith.constant 5 : i32
      %add3A_1179 = arith.addi %mul3A_221, %add3A_1178 : i32
      %get3A_1180 = arith.index_cast %add3A_1179 : i32 to index
      %get3A_1181 = arith.constant 160 : index
      %get3A_1182 = tpu.vector_load %arg8[%get3A_1180, %get3A_1181] {strides = array<i32>} : memref<160x384xf32, #tpu.memory_space<vmem>>, vector<1x16xf32>,
      %get3A_1183 = vector.shape_cast %get3A_1182 : vector<1x16xf32> to vector<16xf32>
      %mul3A_1184 = arith.mulf %gather3A_1161, %get3A_1183 : vector<16xf32>
      %add3A_1185 = arith.addf %add3A_1115, %mul3A_1184 : vector<16xf32>
      %add3A_1186 = arith.constant 5 : i32
      %add3A_1187 = arith.addi %mul3A_221, %add3A_1186 : i32
      %get3A_1188 = arith.index_cast %add3A_1187 : i32 to index
      %get3A_1189 = arith.constant 176 : index
      %get3A_1190 = tpu.vector_load %arg8[%get3A_1188, %get3A_1189] {strides = array<i32>} : memref<160x384xf32, #tpu.memory_space<vmem>>, vector<1x16xf32>,
      %get3A_1191 = vector.shape_cast %get3A_1190 : vector<1x16xf32> to vector<16xf32>
      %mul3A_1192 = arith.mulf %gather3A_1161, %get3A_1191 : vector<16xf32>
      %add3A_1193 = arith.addf %add3A_1123, %mul3A_1192 : vector<16xf32>
      %add3A_1194 = arith.constant 5 : i32
      %add3A_1195 = arith.addi %mul3A_221, %add3A_1194 : i32
      %get3A_1196 = arith.index_cast %add3A_1195 : i32 to index
      %get3A_1197 = arith.constant 192 : index
      %get3A_1198 = tpu.vector_load %arg8[%get3A_1196, %get3A_1197] {strides = array<i32>} : memref<160x384xf32, #tpu.memory_space<vmem>>, vector<1x16xf32>,
      %get3A_1199 = vector.shape_cast %get3A_1198 : vector<1x16xf32> to vector<16xf32>
      %mul3A_1200 = arith.mulf %gather3A_1161, %get3A_1199 : vector<16xf32>
      %add3A_1201 = arith.addf %add3A_1131, %mul3A_1200 : vector<16xf32>
      %add3A_1202 = arith.constant 5 : i32
      %add3A_1203 = arith.addi %mul3A_221, %add3A_1202 : i32
      %get3A_1204 = arith.index_cast %add3A_1203 : i32 to index
      %get3A_1205 = arith.constant 208 : index
      %get3A_1206 = tpu.vector_load %arg8[%get3A_1204, %get3A_1205] {strides = array<i32>} : memref<160x384xf32, #tpu.memory_space<vmem>>, vector<1x16xf32>,
      %get3A_1207 = vector.shape_cast %get3A_1206 : vector<1x16xf32> to vector<16xf32>
      %mul3A_1208 = arith.mulf %gather3A_1161, %get3A_1207 : vector<16xf32>
      %add3A_1209 = arith.addf %add3A_1139, %mul3A_1208 : vector<16xf32>
      %add3A_1210 = arith.constant 5 : i32
      %add3A_1211 = arith.addi %mul3A_221, %add3A_1210 : i32
      %get3A_1212 = arith.index_cast %add3A_1211 : i32 to index
      %get3A_1213 = arith.constant 224 : index
      %get3A_1214 = tpu.vector_load %arg8[%get3A_1212, %get3A_1213] {strides = array<i32>} : memref<160x384xf32, #tpu.memory_space<vmem>>, vector<1x16xf32>,
      %get3A_1215 = vector.shape_cast %get3A_1214 : vector<1x16xf32> to vector<16xf32>
      %mul3A_1216 = arith.mulf %gather3A_1161, %get3A_1215 : vector<16xf32>
      %add3A_1217 = arith.addf %add3A_1147, %mul3A_1216 : vector<16xf32>
      %add3A_1218 = arith.constant 5 : i32
      %add3A_1219 = arith.addi %mul3A_221, %add3A_1218 : i32
      %get3A_1220 = arith.index_cast %add3A_1219 : i32 to index
      %get3A_1221 = arith.constant 240 : index
      %get3A_1222 = tpu.vector_load %arg8[%get3A_1220, %get3A_1221] {strides = array<i32>} : memref<160x384xf32, #tpu.memory_space<vmem>>, vector<1x16xf32>,
      %get3A_1223 = vector.shape_cast %get3A_1222 : vector<1x16xf32> to vector<16xf32>
      %mul3A_1224 = arith.mulf %gather3A_1161, %get3A_1223 : vector<16xf32>
      %add3A_1225 = arith.addf %add3A_1155, %mul3A_1224 : vector<16xf32>
      %add3A_1226 = arith.constant 6 : i32
      %add3A_1227 = arith.addi %mul3A_219, %add3A_1226 : i32
      %broadcast_in_dim3A_1228 = vector.broadcast %add3A_1227 : i32 to vector<16xi32>
      %broadcast_in_dim3A_1229 = vector.shape_cast %broadcast_in_dim3A_1228 : vector<16xi32> to vector<16x1xi32>
      %gather3A_1230 = vector.shape_cast %broadcast_in_dim3A_1229 : vector<16x1xi32> to vector<16xi32>
      %gather3A_1231 = tpu.dynamic_gather %select_n3A_230[%gather3A_1230] in [0] : vector<16xf32>, vector<16xi32> -> vector<16xf32>
      %add3A_1232 = arith.constant 6 : i32
      %add3A_1233 = arith.addi %mul3A_221, %add3A_1232 : i32
      %get3A_1234 = arith.index_cast %add3A_1233 : i32 to index
      %get3A_1235 = arith.constant 128 : index
      %get3A_1236 = tpu.vector_load %arg8[%get3A_1234, %get3A_1235] {strides = array<i32>} : memref<160x384xf32, #tpu.memory_space<vmem>>, vector<1x16xf32>,
      %get3A_1237 = vector.shape_cast %get3A_1236 : vector<1x16xf32> to vector<16xf32>
      %mul3A_1238 = arith.mulf %gather3A_1231, %get3A_1237 : vector<16xf32>
      %add3A_1239 = arith.addf %add3A_1169, %mul3A_1238 : vector<16xf32>
      %add3A_1240 = arith.constant 6 : i32
      %add3A_1241 = arith.addi %mul3A_221, %add3A_1240 : i32
      %get3A_1242 = arith.index_cast %add3A_1241 : i32 to index
      %get3A_1243 = arith.constant 144 : index
      %get3A_1244 = tpu.vector_load %arg8[%get3A_1242, %get3A_1243] {strides = array<i32>} : memref<160x384xf32, #tpu.memory_space<vmem>>, vector<1x16xf32>,
      %get3A_1245 = vector.shape_cast %get3A_1244 : vector<1x16xf32> to vector<16xf32>
      %mul3A_1246 = arith.mulf %gather3A_1231, %get3A_1245 : vector<16xf32>
      %add3A_1247 = arith.addf %add3A_1177, %mul3A_1246 : vector<16xf32>
      %add3A_1248 = arith.constant 6 : i32
      %add3A_1249 = arith.addi %mul3A_221, %add3A_1248 : i32
      %get3A_1250 = arith.index_cast %add3A_1249 : i32 to index
      %get3A_1251 = arith.constant 160 : index
      %get3A_1252 = tpu.vector_load %arg8[%get3A_1250, %get3A_1251] {strides = array<i32>} : memref<160x384xf32, #tpu.memory_space<vmem>>, vector<1x16xf32>,
      %get3A_1253 = vector.shape_cast %get3A_1252 : vector<1x16xf32> to vector<16xf32>
      %mul3A_1254 = arith.mulf %gather3A_1231, %get3A_1253 : vector<16xf32>
      %add3A_1255 = arith.addf %add3A_1185, %mul3A_1254 : vector<16xf32>
      %add3A_1256 = arith.constant 6 : i32
      %add3A_1257 = arith.addi %mul3A_221, %add3A_1256 : i32
      %get3A_1258 = arith.index_cast %add3A_1257 : i32 to index
      %get3A_1259 = arith.constant 176 : index
      %get3A_1260 = tpu.vector_load %arg8[%get3A_1258, %get3A_1259] {strides = array<i32>} : memref<160x384xf32, #tpu.memory_space<vmem>>, vector<1x16xf32>,
      %get3A_1261 = vector.shape_cast %get3A_1260 : vector<1x16xf32> to vector<16xf32>
      %mul3A_1262 = arith.mulf %gather3A_1231, %get3A_1261 : vector<16xf32>
      %add3A_1263 = arith.addf %add3A_1193, %mul3A_1262 : vector<16xf32>
      %add3A_1264 = arith.constant 6 : i32
      %add3A_1265 = arith.addi %mul3A_221, %add3A_1264 : i32
      %get3A_1266 = arith.index_cast %add3A_1265 : i32 to index
      %get3A_1267 = arith.constant 192 : index
      %get3A_1268 = tpu.vector_load %arg8[%get3A_1266, %get3A_1267] {strides = array<i32>} : memref<160x384xf32, #tpu.memory_space<vmem>>, vector<1x16xf32>,
      %get3A_1269 = vector.shape_cast %get3A_1268 : vector<1x16xf32> to vector<16xf32>
      %mul3A_1270 = arith.mulf %gather3A_1231, %get3A_1269 : vector<16xf32>
      %add3A_1271 = arith.addf %add3A_1201, %mul3A_1270 : vector<16xf32>
      %add3A_1272 = arith.constant 6 : i32
      %add3A_1273 = arith.addi %mul3A_221, %add3A_1272 : i32
      %get3A_1274 = arith.index_cast %add3A_1273 : i32 to index
      %get3A_1275 = arith.constant 208 : index
      %get3A_1276 = tpu.vector_load %arg8[%get3A_1274, %get3A_1275] {strides = array<i32>} : memref<160x384xf32, #tpu.memory_space<vmem>>, vector<1x16xf32>,
      %get3A_1277 = vector.shape_cast %get3A_1276 : vector<1x16xf32> to vector<16xf32>
      %mul3A_1278 = arith.mulf %gather3A_1231, %get3A_1277 : vector<16xf32>
      %add3A_1279 = arith.addf %add3A_1209, %mul3A_1278 : vector<16xf32>
      %add3A_1280 = arith.constant 6 : i32
      %add3A_1281 = arith.addi %mul3A_221, %add3A_1280 : i32
      %get3A_1282 = arith.index_cast %add3A_1281 : i32 to index
      %get3A_1283 = arith.constant 224 : index
      %get3A_1284 = tpu.vector_load %arg8[%get3A_1282, %get3A_1283] {strides = array<i32>} : memref<160x384xf32, #tpu.memory_space<vmem>>, vector<1x16xf32>,
      %get3A_1285 = vector.shape_cast %get3A_1284 : vector<1x16xf32> to vector<16xf32>
      %mul3A_1286 = arith.mulf %gather3A_1231, %get3A_1285 : vector<16xf32>
      %add3A_1287 = arith.addf %add3A_1217, %mul3A_1286 : vector<16xf32>
      %add3A_1288 = arith.constant 6 : i32
      %add3A_1289 = arith.addi %mul3A_221, %add3A_1288 : i32
      %get3A_1290 = arith.index_cast %add3A_1289 : i32 to index
      %get3A_1291 = arith.constant 240 : index
      %get3A_1292 = tpu.vector_load %arg8[%get3A_1290, %get3A_1291] {strides = array<i32>} : memref<160x384xf32, #tpu.memory_space<vmem>>, vector<1x16xf32>,
      %get3A_1293 = vector.shape_cast %get3A_1292 : vector<1x16xf32> to vector<16xf32>
      %mul3A_1294 = arith.mulf %gather3A_1231, %get3A_1293 : vector<16xf32>
      %add3A_1295 = arith.addf %add3A_1225, %mul3A_1294 : vector<16xf32>
      %add3A_1296 = arith.constant 7 : i32
      %add3A_1297 = arith.addi %mul3A_219, %add3A_1296 : i32
      %broadcast_in_dim3A_1298 = vector.broadcast %add3A_1297 : i32 to vector<16xi32>
      %broadcast_in_dim3A_1299 = vector.shape_cast %broadcast_in_dim3A_1298 : vector<16xi32> to vector<16x1xi32>
      %gather3A_1300 = vector.shape_cast %broadcast_in_dim3A_1299 : vector<16x1xi32> to vector<16xi32>
      %gather3A_1301 = tpu.dynamic_gather %select_n3A_230[%gather3A_1300] in [0] : vector<16xf32>, vector<16xi32> -> vector<16xf32>
      %add3A_1302 = arith.constant 7 : i32
      %add3A_1303 = arith.addi %mul3A_221, %add3A_1302 : i32
      %get3A_1304 = arith.index_cast %add3A_1303 : i32 to index
      %get3A_1305 = arith.constant 128 : index
      %get3A_1306 = tpu.vector_load %arg8[%get3A_1304, %get3A_1305] {strides = array<i32>} : memref<160x384xf32, #tpu.memory_space<vmem>>, vector<1x16xf32>,
      %get3A_1307 = vector.shape_cast %get3A_1306 : vector<1x16xf32> to vector<16xf32>
      %mul3A_1308 = arith.mulf %gather3A_1301, %get3A_1307 : vector<16xf32>
      %add3A_1309 = arith.addf %add3A_1239, %mul3A_1308 : vector<16xf32>
      %add3A_1310 = arith.constant 7 : i32
      %add3A_1311 = arith.addi %mul3A_221, %add3A_1310 : i32
      %get3A_1312 = arith.index_cast %add3A_1311 : i32 to index
      %get3A_1313 = arith.constant 144 : index
      %get3A_1314 = tpu.vector_load %arg8[%get3A_1312, %get3A_1313] {strides = array<i32>} : memref<160x384xf32, #tpu.memory_space<vmem>>, vector<1x16xf32>,
      %get3A_1315 = vector.shape_cast %get3A_1314 : vector<1x16xf32> to vector<16xf32>
      %mul3A_1316 = arith.mulf %gather3A_1301, %get3A_1315 : vector<16xf32>
      %add3A_1317 = arith.addf %add3A_1247, %mul3A_1316 : vector<16xf32>
      %add3A_1318 = arith.constant 7 : i32
      %add3A_1319 = arith.addi %mul3A_221, %add3A_1318 : i32
      %get3A_1320 = arith.index_cast %add3A_1319 : i32 to index
      %get3A_1321 = arith.constant 160 : index
      %get3A_1322 = tpu.vector_load %arg8[%get3A_1320, %get3A_1321] {strides = array<i32>} : memref<160x384xf32, #tpu.memory_space<vmem>>, vector<1x16xf32>,
      %get3A_1323 = vector.shape_cast %get3A_1322 : vector<1x16xf32> to vector<16xf32>
      %mul3A_1324 = arith.mulf %gather3A_1301, %get3A_1323 : vector<16xf32>
      %add3A_1325 = arith.addf %add3A_1255, %mul3A_1324 : vector<16xf32>
      %add3A_1326 = arith.constant 7 : i32
      %add3A_1327 = arith.addi %mul3A_221, %add3A_1326 : i32
      %get3A_1328 = arith.index_cast %add3A_1327 : i32 to index
      %get3A_1329 = arith.constant 176 : index
      %get3A_1330 = tpu.vector_load %arg8[%get3A_1328, %get3A_1329] {strides = array<i32>} : memref<160x384xf32, #tpu.memory_space<vmem>>, vector<1x16xf32>,
      %get3A_1331 = vector.shape_cast %get3A_1330 : vector<1x16xf32> to vector<16xf32>
      %mul3A_1332 = arith.mulf %gather3A_1301, %get3A_1331 : vector<16xf32>
      %add3A_1333 = arith.addf %add3A_1263, %mul3A_1332 : vector<16xf32>
      %add3A_1334 = arith.constant 7 : i32
      %add3A_1335 = arith.addi %mul3A_221, %add3A_1334 : i32
      %get3A_1336 = arith.index_cast %add3A_1335 : i32 to index
      %get3A_1337 = arith.constant 192 : index
      %get3A_1338 = tpu.vector_load %arg8[%get3A_1336, %get3A_1337] {strides = array<i32>} : memref<160x384xf32, #tpu.memory_space<vmem>>, vector<1x16xf32>,
      %get3A_1339 = vector.shape_cast %get3A_1338 : vector<1x16xf32> to vector<16xf32>
      %mul3A_1340 = arith.mulf %gather3A_1301, %get3A_1339 : vector<16xf32>
      %add3A_1341 = arith.addf %add3A_1271, %mul3A_1340 : vector<16xf32>
      %add3A_1342 = arith.constant 7 : i32
      %add3A_1343 = arith.addi %mul3A_221, %add3A_1342 : i32
      %get3A_1344 = arith.index_cast %add3A_1343 : i32 to index
      %get3A_1345 = arith.constant 208 : index
      %get3A_1346 = tpu.vector_load %arg8[%get3A_1344, %get3A_1345] {strides = array<i32>} : memref<160x384xf32, #tpu.memory_space<vmem>>, vector<1x16xf32>,
      %get3A_1347 = vector.shape_cast %get3A_1346 : vector<1x16xf32> to vector<16xf32>
      %mul3A_1348 = arith.mulf %gather3A_1301, %get3A_1347 : vector<16xf32>
      %add3A_1349 = arith.addf %add3A_1279, %mul3A_1348 : vector<16xf32>
      %add3A_1350 = arith.constant 7 : i32
      %add3A_1351 = arith.addi %mul3A_221, %add3A_1350 : i32
      %get3A_1352 = arith.index_cast %add3A_1351 : i32 to index
      %get3A_1353 = arith.constant 224 : index
      %get3A_1354 = tpu.vector_load %arg8[%get3A_1352, %get3A_1353] {strides = array<i32>} : memref<160x384xf32, #tpu.memory_space<vmem>>, vector<1x16xf32>,
      %get3A_1355 = vector.shape_cast %get3A_1354 : vector<1x16xf32> to vector<16xf32>
      %mul3A_1356 = arith.mulf %gather3A_1301, %get3A_1355 : vector<16xf32>
      %add3A_1357 = arith.addf %add3A_1287, %mul3A_1356 : vector<16xf32>
      %add3A_1358 = arith.constant 7 : i32
      %add3A_1359 = arith.addi %mul3A_221, %add3A_1358 : i32
      %get3A_1360 = arith.index_cast %add3A_1359 : i32 to index
      %get3A_1361 = arith.constant 240 : index
      %get3A_1362 = tpu.vector_load %arg8[%get3A_1360, %get3A_1361] {strides = array<i32>} : memref<160x384xf32, #tpu.memory_space<vmem>>, vector<1x16xf32>,
      %get3A_1363 = vector.shape_cast %get3A_1362 : vector<1x16xf32> to vector<16xf32>
      %mul3A_1364 = arith.mulf %gather3A_1301, %get3A_1363 : vector<16xf32>
      %add3A_1365 = arith.addf %add3A_1295, %mul3A_1364 : vector<16xf32>
      %swap3A_1366 = arith.constant 128 : index
      %swap3A_1367 = tpu.vector_load %arg9[%swap3A_1366] {strides = array<i32>} : memref<384xf32, #tpu.memory_space<vmem>>, vector<16xf32>,
      %swap3A_1368 = vector.shape_cast %swap3A_1367 : vector<16xf32> to vector<16xf32>
      %swap3A_1369 = vector.shape_cast %add3A_1309 : vector<16xf32> to vector<16xf32>
      tpu.vector_store %arg9[%swap3A_1366], %swap3A_1369 {add = true, strides = array<i32>} : memref<384xf32, #tpu.memory_space<vmem>>, vector<16xf32>,
      %swap3A_1370 = arith.constant 144 : index
      %swap3A_1371 = tpu.vector_load %arg9[%swap3A_1370] {strides = array<i32>} : memref<384xf32, #tpu.memory_space<vmem>>, vector<16xf32>,
      %swap3A_1372 = vector.shape_cast %swap3A_1371 : vector<16xf32> to vector<16xf32>
      %swap3A_1373 = vector.shape_cast %add3A_1317 : vector<16xf32> to vector<16xf32>
      tpu.vector_store %arg9[%swap3A_1370], %swap3A_1373 {add = true, strides = array<i32>} : memref<384xf32, #tpu.memory_space<vmem>>, vector<16xf32>,
      %swap3A_1374 = arith.constant 160 : index
      %swap3A_1375 = tpu.vector_load %arg9[%swap3A_1374] {strides = array<i32>} : memref<384xf32, #tpu.memory_space<vmem>>, vector<16xf32>,
      %swap3A_1376 = vector.shape_cast %swap3A_1375 : vector<16xf32> to vector<16xf32>
      %swap3A_1377 = vector.shape_cast %add3A_1325 : vector<16xf32> to vector<16xf32>
      tpu.vector_store %arg9[%swap3A_1374], %swap3A_1377 {add = true, strides = array<i32>} : memref<384xf32, #tpu.memory_space<vmem>>, vector<16xf32>,
      %swap3A_1378 = arith.constant 176 : index
      %swap3A_1379 = tpu.vector_load %arg9[%swap3A_1378] {strides = array<i32>} : memref<384xf32, #tpu.memory_space<vmem>>, vector<16xf32>,
      %swap3A_1380 = vector.shape_cast %swap3A_1379 : vector<16xf32> to vector<16xf32>
      %swap3A_1381 = vector.shape_cast %add3A_1333 : vector<16xf32> to vector<16xf32>
      tpu.vector_store %arg9[%swap3A_1378], %swap3A_1381 {add = true, strides = array<i32>} : memref<384xf32, #tpu.memory_space<vmem>>, vector<16xf32>,
      %swap3A_1382 = arith.constant 192 : index
      %swap3A_1383 = tpu.vector_load %arg9[%swap3A_1382] {strides = array<i32>} : memref<384xf32, #tpu.memory_space<vmem>>, vector<16xf32>,
      %swap3A_1384 = vector.shape_cast %swap3A_1383 : vector<16xf32> to vector<16xf32>
      %swap3A_1385 = vector.shape_cast %add3A_1341 : vector<16xf32> to vector<16xf32>
      tpu.vector_store %arg9[%swap3A_1382], %swap3A_1385 {add = true, strides = array<i32>} : memref<384xf32, #tpu.memory_space<vmem>>, vector<16xf32>,
      %swap3A_1386 = arith.constant 208 : index
      %swap3A_1387 = tpu.vector_load %arg9[%swap3A_1386] {strides = array<i32>} : memref<384xf32, #tpu.memory_space<vmem>>, vector<16xf32>,
      %swap3A_1388 = vector.shape_cast %swap3A_1387 : vector<16xf32> to vector<16xf32>
      %swap3A_1389 = vector.shape_cast %add3A_1349 : vector<16xf32> to vector<16xf32>
      tpu.vector_store %arg9[%swap3A_1386], %swap3A_1389 {add = true, strides = array<i32>} : memref<384xf32, #tpu.memory_space<vmem>>, vector<16xf32>,
      %swap3A_1390 = arith.constant 224 : index
      %swap3A_1391 = tpu.vector_load %arg9[%swap3A_1390] {strides = array<i32>} : memref<384xf32, #tpu.memory_space<vmem>>, vector<16xf32>,
      %swap3A_1392 = vector.shape_cast %swap3A_1391 : vector<16xf32> to vector<16xf32>
      %swap3A_1393 = vector.shape_cast %add3A_1357 : vector<16xf32> to vector<16xf32>
      tpu.vector_store %arg9[%swap3A_1390], %swap3A_1393 {add = true, strides = array<i32>} : memref<384xf32, #tpu.memory_space<vmem>>, vector<16xf32>,
      %swap3A_1394 = arith.constant 240 : index
      %swap3A_1395 = tpu.vector_load %arg9[%swap3A_1394] {strides = array<i32>} : memref<384xf32, #tpu.memory_space<vmem>>, vector<16xf32>,
      %swap3A_1396 = vector.shape_cast %swap3A_1395 : vector<16xf32> to vector<16xf32>
      %swap3A_1397 = vector.shape_cast %add3A_1365 : vector<16xf32> to vector<16xf32>
      tpu.vector_store %arg9[%swap3A_1394], %swap3A_1397 {add = true, strides = array<i32>} : memref<384xf32, #tpu.memory_space<vmem>>, vector<16xf32>,
      %add3A_1398 = arith.constant 0 : i32
      %add3A_1399 = arith.addi %mul3A_219, %add3A_1398 : i32
      %broadcast_in_dim3A_1400 = vector.broadcast %add3A_1399 : i32 to vector<16xi32>
      %broadcast_in_dim3A_1401 = vector.shape_cast %broadcast_in_dim3A_1400 : vector<16xi32> to vector<16x1xi32>
      %gather3A_1402 = vector.shape_cast %broadcast_in_dim3A_1401 : vector<16x1xi32> to vector<16xi32>
      %gather3A_1403 = tpu.dynamic_gather %select_n3A_230[%gather3A_1402] in [0] : vector<16xf32>, vector<16xi32> -> vector<16xf32>
      %add3A_1404 = arith.constant 0 : i32
      %add3A_1405 = arith.addi %mul3A_221, %add3A_1404 : i32
      %get3A_1406 = arith.index_cast %add3A_1405 : i32 to index
      %get3A_1407 = arith.constant 256 : index
      %get3A_1408 = tpu.vector_load %arg8[%get3A_1406, %get3A_1407] {strides = array<i32>} : memref<160x384xf32, #tpu.memory_space<vmem>>, vector<1x16xf32>,
      %get3A_1409 = vector.shape_cast %get3A_1408 : vector<1x16xf32> to vector<16xf32>
      %mul3A_1410 = arith.mulf %gather3A_1403, %get3A_1409 : vector<16xf32>
      %add3A_1411 = arith.constant 0 : i32
      %add3A_1412 = arith.addi %mul3A_221, %add3A_1411 : i32
      %get3A_1413 = arith.index_cast %add3A_1412 : i32 to index
      %get3A_1414 = arith.constant 272 : index
      %get3A_1415 = tpu.vector_load %arg8[%get3A_1413, %get3A_1414] {strides = array<i32>} : memref<160x384xf32, #tpu.memory_space<vmem>>, vector<1x16xf32>,
      %get3A_1416 = vector.shape_cast %get3A_1415 : vector<1x16xf32> to vector<16xf32>
      %mul3A_1417 = arith.mulf %gather3A_1403, %get3A_1416 : vector<16xf32>
      %add3A_1418 = arith.constant 0 : i32
      %add3A_1419 = arith.addi %mul3A_221, %add3A_1418 : i32
      %get3A_1420 = arith.index_cast %add3A_1419 : i32 to index
      %get3A_1421 = arith.constant 288 : index
      %get3A_1422 = tpu.vector_load %arg8[%get3A_1420, %get3A_1421] {strides = array<i32>} : memref<160x384xf32, #tpu.memory_space<vmem>>, vector<1x16xf32>,
      %get3A_1423 = vector.shape_cast %get3A_1422 : vector<1x16xf32> to vector<16xf32>
      %mul3A_1424 = arith.mulf %gather3A_1403, %get3A_1423 : vector<16xf32>
      %add3A_1425 = arith.constant 0 : i32
      %add3A_1426 = arith.addi %mul3A_221, %add3A_1425 : i32
      %get3A_1427 = arith.index_cast %add3A_1426 : i32 to index
      %get3A_1428 = arith.constant 304 : index
      %get3A_1429 = tpu.vector_load %arg8[%get3A_1427, %get3A_1428] {strides = array<i32>} : memref<160x384xf32, #tpu.memory_space<vmem>>, vector<1x16xf32>,
      %get3A_1430 = vector.shape_cast %get3A_1429 : vector<1x16xf32> to vector<16xf32>
      %mul3A_1431 = arith.mulf %gather3A_1403, %get3A_1430 : vector<16xf32>
      %add3A_1432 = arith.constant 0 : i32
      %add3A_1433 = arith.addi %mul3A_221, %add3A_1432 : i32
      %get3A_1434 = arith.index_cast %add3A_1433 : i32 to index
      %get3A_1435 = arith.constant 320 : index
      %get3A_1436 = tpu.vector_load %arg8[%get3A_1434, %get3A_1435] {strides = array<i32>} : memref<160x384xf32, #tpu.memory_space<vmem>>, vector<1x16xf32>,
      %get3A_1437 = vector.shape_cast %get3A_1436 : vector<1x16xf32> to vector<16xf32>
      %mul3A_1438 = arith.mulf %gather3A_1403, %get3A_1437 : vector<16xf32>
      %add3A_1439 = arith.constant 0 : i32
      %add3A_1440 = arith.addi %mul3A_221, %add3A_1439 : i32
      %get3A_1441 = arith.index_cast %add3A_1440 : i32 to index
      %get3A_1442 = arith.constant 336 : index
      %get3A_1443 = tpu.vector_load %arg8[%get3A_1441, %get3A_1442] {strides = array<i32>} : memref<160x384xf32, #tpu.memory_space<vmem>>, vector<1x16xf32>,
      %get3A_1444 = vector.shape_cast %get3A_1443 : vector<1x16xf32> to vector<16xf32>
      %mul3A_1445 = arith.mulf %gather3A_1403, %get3A_1444 : vector<16xf32>
      %add3A_1446 = arith.constant 0 : i32
      %add3A_1447 = arith.addi %mul3A_221, %add3A_1446 : i32
      %get3A_1448 = arith.index_cast %add3A_1447 : i32 to index
      %get3A_1449 = arith.constant 352 : index
      %get3A_1450 = tpu.vector_load %arg8[%get3A_1448, %get3A_1449] {strides = array<i32>} : memref<160x384xf32, #tpu.memory_space<vmem>>, vector<1x16xf32>,
      %get3A_1451 = vector.shape_cast %get3A_1450 : vector<1x16xf32> to vector<16xf32>
      %mul3A_1452 = arith.mulf %gather3A_1403, %get3A_1451 : vector<16xf32>
      %add3A_1453 = arith.constant 0 : i32
      %add3A_1454 = arith.addi %mul3A_221, %add3A_1453 : i32
      %get3A_1455 = arith.index_cast %add3A_1454 : i32 to index
      %get3A_1456 = arith.constant 368 : index
      %get3A_1457 = tpu.vector_load %arg8[%get3A_1455, %get3A_1456] {strides = array<i32>} : memref<160x384xf32, #tpu.memory_space<vmem>>, vector<1x16xf32>,
      %get3A_1458 = vector.shape_cast %get3A_1457 : vector<1x16xf32> to vector<16xf32>
      %mul3A_1459 = arith.mulf %gather3A_1403, %get3A_1458 : vector<16xf32>
      %add3A_1460 = arith.constant 1 : i32
      %add3A_1461 = arith.addi %mul3A_219, %add3A_1460 : i32
      %broadcast_in_dim3A_1462 = vector.broadcast %add3A_1461 : i32 to vector<16xi32>
      %broadcast_in_dim3A_1463 = vector.shape_cast %broadcast_in_dim3A_1462 : vector<16xi32> to vector<16x1xi32>
      %gather3A_1464 = vector.shape_cast %broadcast_in_dim3A_1463 : vector<16x1xi32> to vector<16xi32>
      %gather3A_1465 = tpu.dynamic_gather %select_n3A_230[%gather3A_1464] in [0] : vector<16xf32>, vector<16xi32> -> vector<16xf32>
      %add3A_1466 = arith.constant 1 : i32
      %add3A_1467 = arith.addi %mul3A_221, %add3A_1466 : i32
      %get3A_1468 = arith.index_cast %add3A_1467 : i32 to index
      %get3A_1469 = arith.constant 256 : index
      %get3A_1470 = tpu.vector_load %arg8[%get3A_1468, %get3A_1469] {strides = array<i32>} : memref<160x384xf32, #tpu.memory_space<vmem>>, vector<1x16xf32>,
      %get3A_1471 = vector.shape_cast %get3A_1470 : vector<1x16xf32> to vector<16xf32>
      %mul3A_1472 = arith.mulf %gather3A_1465, %get3A_1471 : vector<16xf32>
      %add3A_1473 = arith.addf %mul3A_1410, %mul3A_1472 : vector<16xf32>
      %add3A_1474 = arith.constant 1 : i32
      %add3A_1475 = arith.addi %mul3A_221, %add3A_1474 : i32
      %get3A_1476 = arith.index_cast %add3A_1475 : i32 to index
      %get3A_1477 = arith.constant 272 : index
      %get3A_1478 = tpu.vector_load %arg8[%get3A_1476, %get3A_1477] {strides = array<i32>} : memref<160x384xf32, #tpu.memory_space<vmem>>, vector<1x16xf32>,
      %get3A_1479 = vector.shape_cast %get3A_1478 : vector<1x16xf32> to vector<16xf32>
      %mul3A_1480 = arith.mulf %gather3A_1465, %get3A_1479 : vector<16xf32>
      %add3A_1481 = arith.addf %mul3A_1417, %mul3A_1480 : vector<16xf32>
      %add3A_1482 = arith.constant 1 : i32
      %add3A_1483 = arith.addi %mul3A_221, %add3A_1482 : i32
      %get3A_1484 = arith.index_cast %add3A_1483 : i32 to index
      %get3A_1485 = arith.constant 288 : index
      %get3A_1486 = tpu.vector_load %arg8[%get3A_1484, %get3A_1485] {strides = array<i32>} : memref<160x384xf32, #tpu.memory_space<vmem>>, vector<1x16xf32>,
      %get3A_1487 = vector.shape_cast %get3A_1486 : vector<1x16xf32> to vector<16xf32>
      %mul3A_1488 = arith.mulf %gather3A_1465, %get3A_1487 : vector<16xf32>
      %add3A_1489 = arith.addf %mul3A_1424, %mul3A_1488 : vector<16xf32>
      %add3A_1490 = arith.constant 1 : i32
      %add3A_1491 = arith.addi %mul3A_221, %add3A_1490 : i32
      %get3A_1492 = arith.index_cast %add3A_1491 : i32 to index
      %get3A_1493 = arith.constant 304 : index
      %get3A_1494 = tpu.vector_load %arg8[%get3A_1492, %get3A_1493] {strides = array<i32>} : memref<160x384xf32, #tpu.memory_space<vmem>>, vector<1x16xf32>,
      %get3A_1495 = vector.shape_cast %get3A_1494 : vector<1x16xf32> to vector<16xf32>
      %mul3A_1496 = arith.mulf %gather3A_1465, %get3A_1495 : vector<16xf32>
      %add3A_1497 = arith.addf %mul3A_1431, %mul3A_1496 : vector<16xf32>
      %add3A_1498 = arith.constant 1 : i32
      %add3A_1499 = arith.addi %mul3A_221, %add3A_1498 : i32
      %get3A_1500 = arith.index_cast %add3A_1499 : i32 to index
      %get3A_1501 = arith.constant 320 : index
      %get3A_1502 = tpu.vector_load %arg8[%get3A_1500, %get3A_1501] {strides = array<i32>} : memref<160x384xf32, #tpu.memory_space<vmem>>, vector<1x16xf32>,
      %get3A_1503 = vector.shape_cast %get3A_1502 : vector<1x16xf32> to vector<16xf32>
      %mul3A_1504 = arith.mulf %gather3A_1465, %get3A_1503 : vector<16xf32>
      %add3A_1505 = arith.addf %mul3A_1438, %mul3A_1504 : vector<16xf32>
      %add3A_1506 = arith.constant 1 : i32
      %add3A_1507 = arith.addi %mul3A_221, %add3A_1506 : i32
      %get3A_1508 = arith.index_cast %add3A_1507 : i32 to index
      %get3A_1509 = arith.constant 336 : index
      %get3A_1510 = tpu.vector_load %arg8[%get3A_1508, %get3A_1509] {strides = array<i32>} : memref<160x384xf32, #tpu.memory_space<vmem>>, vector<1x16xf32>,
      %get3A_1511 = vector.shape_cast %get3A_1510 : vector<1x16xf32> to vector<16xf32>
      %mul3A_1512 = arith.mulf %gather3A_1465, %get3A_1511 : vector<16xf32>
      %add3A_1513 = arith.addf %mul3A_1445, %mul3A_1512 : vector<16xf32>
      %add3A_1514 = arith.constant 1 : i32
      %add3A_1515 = arith.addi %mul3A_221, %add3A_1514 : i32
      %get3A_1516 = arith.index_cast %add3A_1515 : i32 to index
      %get3A_1517 = arith.constant 352 : index
      %get3A_1518 = tpu.vector_load %arg8[%get3A_1516, %get3A_1517] {strides = array<i32>} : memref<160x384xf32, #tpu.memory_space<vmem>>, vector<1x16xf32>,
      %get3A_1519 = vector.shape_cast %get3A_1518 : vector<1x16xf32> to vector<16xf32>
      %mul3A_1520 = arith.mulf %gather3A_1465, %get3A_1519 : vector<16xf32>
      %add3A_1521 = arith.addf %mul3A_1452, %mul3A_1520 : vector<16xf32>
      %add3A_1522 = arith.constant 1 : i32
      %add3A_1523 = arith.addi %mul3A_221, %add3A_1522 : i32
      %get3A_1524 = arith.index_cast %add3A_1523 : i32 to index
      %get3A_1525 = arith.constant 368 : index
      %get3A_1526 = tpu.vector_load %arg8[%get3A_1524, %get3A_1525] {strides = array<i32>} : memref<160x384xf32, #tpu.memory_space<vmem>>, vector<1x16xf32>,
      %get3A_1527 = vector.shape_cast %get3A_1526 : vector<1x16xf32> to vector<16xf32>
      %mul3A_1528 = arith.mulf %gather3A_1465, %get3A_1527 : vector<16xf32>
      %add3A_1529 = arith.addf %mul3A_1459, %mul3A_1528 : vector<16xf32>
      %add3A_1530 = arith.constant 2 : i32
      %add3A_1531 = arith.addi %mul3A_219, %add3A_1530 : i32
      %broadcast_in_dim3A_1532 = vector.broadcast %add3A_1531 : i32 to vector<16xi32>
      %broadcast_in_dim3A_1533 = vector.shape_cast %broadcast_in_dim3A_1532 : vector<16xi32> to vector<16x1xi32>
      %gather3A_1534 = vector.shape_cast %broadcast_in_dim3A_1533 : vector<16x1xi32> to vector<16xi32>
      %gather3A_1535 = tpu.dynamic_gather %select_n3A_230[%gather3A_1534] in [0] : vector<16xf32>, vector<16xi32> -> vector<16xf32>
      %add3A_1536 = arith.constant 2 : i32
      %add3A_1537 = arith.addi %mul3A_221, %add3A_1536 : i32
      %get3A_1538 = arith.index_cast %add3A_1537 : i32 to index
      %get3A_1539 = arith.constant 256 : index
      %get3A_1540 = tpu.vector_load %arg8[%get3A_1538, %get3A_1539] {strides = array<i32>} : memref<160x384xf32, #tpu.memory_space<vmem>>, vector<1x16xf32>,
      %get3A_1541 = vector.shape_cast %get3A_1540 : vector<1x16xf32> to vector<16xf32>
      %mul3A_1542 = arith.mulf %gather3A_1535, %get3A_1541 : vector<16xf32>
      %add3A_1543 = arith.addf %add3A_1473, %mul3A_1542 : vector<16xf32>
      %add3A_1544 = arith.constant 2 : i32
      %add3A_1545 = arith.addi %mul3A_221, %add3A_1544 : i32
      %get3A_1546 = arith.index_cast %add3A_1545 : i32 to index
      %get3A_1547 = arith.constant 272 : index
      %get3A_1548 = tpu.vector_load %arg8[%get3A_1546, %get3A_1547] {strides = array<i32>} : memref<160x384xf32, #tpu.memory_space<vmem>>, vector<1x16xf32>,
      %get3A_1549 = vector.shape_cast %get3A_1548 : vector<1x16xf32> to vector<16xf32>
      %mul3A_1550 = arith.mulf %gather3A_1535, %get3A_1549 : vector<16xf32>
      %add3A_1551 = arith.addf %add3A_1481, %mul3A_1550 : vector<16xf32>
      %add3A_1552 = arith.constant 2 : i32
      %add3A_1553 = arith.addi %mul3A_221, %add3A_1552 : i32
      %get3A_1554 = arith.index_cast %add3A_1553 : i32 to index
      %get3A_1555 = arith.constant 288 : index
      %get3A_1556 = tpu.vector_load %arg8[%get3A_1554, %get3A_1555] {strides = array<i32>} : memref<160x384xf32, #tpu.memory_space<vmem>>, vector<1x16xf32>,
      %get3A_1557 = vector.shape_cast %get3A_1556 : vector<1x16xf32> to vector<16xf32>
      %mul3A_1558 = arith.mulf %gather3A_1535, %get3A_1557 : vector<16xf32>
      %add3A_1559 = arith.addf %add3A_1489, %mul3A_1558 : vector<16xf32>
      %add3A_1560 = arith.constant 2 : i32
      %add3A_1561 = arith.addi %mul3A_221, %add3A_1560 : i32
      %get3A_1562 = arith.index_cast %add3A_1561 : i32 to index
      %get3A_1563 = arith.constant 304 : index
      %get3A_1564 = tpu.vector_load %arg8[%get3A_1562, %get3A_1563] {strides = array<i32>} : memref<160x384xf32, #tpu.memory_space<vmem>>, vector<1x16xf32>,
      %get3A_1565 = vector.shape_cast %get3A_1564 : vector<1x16xf32> to vector<16xf32>
      %mul3A_1566 = arith.mulf %gather3A_1535, %get3A_1565 : vector<16xf32>
      %add3A_1567 = arith.addf %add3A_1497, %mul3A_1566 : vector<16xf32>
      %add3A_1568 = arith.constant 2 : i32
      %add3A_1569 = arith.addi %mul3A_221, %add3A_1568 : i32
      %get3A_1570 = arith.index_cast %add3A_1569 : i32 to index
      %get3A_1571 = arith.constant 320 : index
      %get3A_1572 = tpu.vector_load %arg8[%get3A_1570, %get3A_1571] {strides = array<i32>} : memref<160x384xf32, #tpu.memory_space<vmem>>, vector<1x16xf32>,
      %get3A_1573 = vector.shape_cast %get3A_1572 : vector<1x16xf32> to vector<16xf32>
      %mul3A_1574 = arith.mulf %gather3A_1535, %get3A_1573 : vector<16xf32>
      %add3A_1575 = arith.addf %add3A_1505, %mul3A_1574 : vector<16xf32>
      %add3A_1576 = arith.constant 2 : i32
      %add3A_1577 = arith.addi %mul3A_221, %add3A_1576 : i32
      %get3A_1578 = arith.index_cast %add3A_1577 : i32 to index
      %get3A_1579 = arith.constant 336 : index
      %get3A_1580 = tpu.vector_load %arg8[%get3A_1578, %get3A_1579] {strides = array<i32>} : memref<160x384xf32, #tpu.memory_space<vmem>>, vector<1x16xf32>,
      %get3A_1581 = vector.shape_cast %get3A_1580 : vector<1x16xf32> to vector<16xf32>
      %mul3A_1582 = arith.mulf %gather3A_1535, %get3A_1581 : vector<16xf32>
      %add3A_1583 = arith.addf %add3A_1513, %mul3A_1582 : vector<16xf32>
      %add3A_1584 = arith.constant 2 : i32
      %add3A_1585 = arith.addi %mul3A_221, %add3A_1584 : i32
      %get3A_1586 = arith.index_cast %add3A_1585 : i32 to index
      %get3A_1587 = arith.constant 352 : index
      %get3A_1588 = tpu.vector_load %arg8[%get3A_1586, %get3A_1587] {strides = array<i32>} : memref<160x384xf32, #tpu.memory_space<vmem>>, vector<1x16xf32>,
      %get3A_1589 = vector.shape_cast %get3A_1588 : vector<1x16xf32> to vector<16xf32>
      %mul3A_1590 = arith.mulf %gather3A_1535, %get3A_1589 : vector<16xf32>
      %add3A_1591 = arith.addf %add3A_1521, %mul3A_1590 : vector<16xf32>
      %add3A_1592 = arith.constant 2 : i32
      %add3A_1593 = arith.addi %mul3A_221, %add3A_1592 : i32
      %get3A_1594 = arith.index_cast %add3A_1593 : i32 to index
      %get3A_1595 = arith.constant 368 : index
      %get3A_1596 = tpu.vector_load %arg8[%get3A_1594, %get3A_1595] {strides = array<i32>} : memref<160x384xf32, #tpu.memory_space<vmem>>, vector<1x16xf32>,
      %get3A_1597 = vector.shape_cast %get3A_1596 : vector<1x16xf32> to vector<16xf32>
      %mul3A_1598 = arith.mulf %gather3A_1535, %get3A_1597 : vector<16xf32>
      %add3A_1599 = arith.addf %add3A_1529, %mul3A_1598 : vector<16xf32>
      %add3A_1600 = arith.constant 3 : i32
      %add3A_1601 = arith.addi %mul3A_219, %add3A_1600 : i32
      %broadcast_in_dim3A_1602 = vector.broadcast %add3A_1601 : i32 to vector<16xi32>
      %broadcast_in_dim3A_1603 = vector.shape_cast %broadcast_in_dim3A_1602 : vector<16xi32> to vector<16x1xi32>
      %gather3A_1604 = vector.shape_cast %broadcast_in_dim3A_1603 : vector<16x1xi32> to vector<16xi32>
      %gather3A_1605 = tpu.dynamic_gather %select_n3A_230[%gather3A_1604] in [0] : vector<16xf32>, vector<16xi32> -> vector<16xf32>
      %add3A_1606 = arith.constant 3 : i32
      %add3A_1607 = arith.addi %mul3A_221, %add3A_1606 : i32
      %get3A_1608 = arith.index_cast %add3A_1607 : i32 to index
      %get3A_1609 = arith.constant 256 : index
      %get3A_1610 = tpu.vector_load %arg8[%get3A_1608, %get3A_1609] {strides = array<i32>} : memref<160x384xf32, #tpu.memory_space<vmem>>, vector<1x16xf32>,
      %get3A_1611 = vector.shape_cast %get3A_1610 : vector<1x16xf32> to vector<16xf32>
      %mul3A_1612 = arith.mulf %gather3A_1605, %get3A_1611 : vector<16xf32>
      %add3A_1613 = arith.addf %add3A_1543, %mul3A_1612 : vector<16xf32>
      %add3A_1614 = arith.constant 3 : i32
      %add3A_1615 = arith.addi %mul3A_221, %add3A_1614 : i32
      %get3A_1616 = arith.index_cast %add3A_1615 : i32 to index
      %get3A_1617 = arith.constant 272 : index
      %get3A_1618 = tpu.vector_load %arg8[%get3A_1616, %get3A_1617] {strides = array<i32>} : memref<160x384xf32, #tpu.memory_space<vmem>>, vector<1x16xf32>,
      %get3A_1619 = vector.shape_cast %get3A_1618 : vector<1x16xf32> to vector<16xf32>
      %mul3A_1620 = arith.mulf %gather3A_1605, %get3A_1619 : vector<16xf32>
      %add3A_1621 = arith.addf %add3A_1551, %mul3A_1620 : vector<16xf32>
      %add3A_1622 = arith.constant 3 : i32
      %add3A_1623 = arith.addi %mul3A_221, %add3A_1622 : i32
      %get3A_1624 = arith.index_cast %add3A_1623 : i32 to index
      %get3A_1625 = arith.constant 288 : index
      %get3A_1626 = tpu.vector_load %arg8[%get3A_1624, %get3A_1625] {strides = array<i32>} : memref<160x384xf32, #tpu.memory_space<vmem>>, vector<1x16xf32>,
      %get3A_1627 = vector.shape_cast %get3A_1626 : vector<1x16xf32> to vector<16xf32>
      %mul3A_1628 = arith.mulf %gather3A_1605, %get3A_1627 : vector<16xf32>
      %add3A_1629 = arith.addf %add3A_1559, %mul3A_1628 : vector<16xf32>
      %add3A_1630 = arith.constant 3 : i32
      %add3A_1631 = arith.addi %mul3A_221, %add3A_1630 : i32
      %get3A_1632 = arith.index_cast %add3A_1631 : i32 to index
      %get3A_1633 = arith.constant 304 : index
      %get3A_1634 = tpu.vector_load %arg8[%get3A_1632, %get3A_1633] {strides = array<i32>} : memref<160x384xf32, #tpu.memory_space<vmem>>, vector<1x16xf32>,
      %get3A_1635 = vector.shape_cast %get3A_1634 : vector<1x16xf32> to vector<16xf32>
      %mul3A_1636 = arith.mulf %gather3A_1605, %get3A_1635 : vector<16xf32>
      %add3A_1637 = arith.addf %add3A_1567, %mul3A_1636 : vector<16xf32>
      %add3A_1638 = arith.constant 3 : i32
      %add3A_1639 = arith.addi %mul3A_221, %add3A_1638 : i32
      %get3A_1640 = arith.index_cast %add3A_1639 : i32 to index
      %get3A_1641 = arith.constant 320 : index
      %get3A_1642 = tpu.vector_load %arg8[%get3A_1640, %get3A_1641] {strides = array<i32>} : memref<160x384xf32, #tpu.memory_space<vmem>>, vector<1x16xf32>,
      %get3A_1643 = vector.shape_cast %get3A_1642 : vector<1x16xf32> to vector<16xf32>
      %mul3A_1644 = arith.mulf %gather3A_1605, %get3A_1643 : vector<16xf32>
      %add3A_1645 = arith.addf %add3A_1575, %mul3A_1644 : vector<16xf32>
      %add3A_1646 = arith.constant 3 : i32
      %add3A_1647 = arith.addi %mul3A_221, %add3A_1646 : i32
      %get3A_1648 = arith.index_cast %add3A_1647 : i32 to index
      %get3A_1649 = arith.constant 336 : index
      %get3A_1650 = tpu.vector_load %arg8[%get3A_1648, %get3A_1649] {strides = array<i32>} : memref<160x384xf32, #tpu.memory_space<vmem>>, vector<1x16xf32>,
      %get3A_1651 = vector.shape_cast %get3A_1650 : vector<1x16xf32> to vector<16xf32>
      %mul3A_1652 = arith.mulf %gather3A_1605, %get3A_1651 : vector<16xf32>
      %add3A_1653 = arith.addf %add3A_1583, %mul3A_1652 : vector<16xf32>
      %add3A_1654 = arith.constant 3 : i32
      %add3A_1655 = arith.addi %mul3A_221, %add3A_1654 : i32
      %get3A_1656 = arith.index_cast %add3A_1655 : i32 to index
      %get3A_1657 = arith.constant 352 : index
      %get3A_1658 = tpu.vector_load %arg8[%get3A_1656, %get3A_1657] {strides = array<i32>} : memref<160x384xf32, #tpu.memory_space<vmem>>, vector<1x16xf32>,
      %get3A_1659 = vector.shape_cast %get3A_1658 : vector<1x16xf32> to vector<16xf32>
      %mul3A_1660 = arith.mulf %gather3A_1605, %get3A_1659 : vector<16xf32>
      %add3A_1661 = arith.addf %add3A_1591, %mul3A_1660 : vector<16xf32>
      %add3A_1662 = arith.constant 3 : i32
      %add3A_1663 = arith.addi %mul3A_221, %add3A_1662 : i32
      %get3A_1664 = arith.index_cast %add3A_1663 : i32 to index
      %get3A_1665 = arith.constant 368 : index
      %get3A_1666 = tpu.vector_load %arg8[%get3A_1664, %get3A_1665] {strides = array<i32>} : memref<160x384xf32, #tpu.memory_space<vmem>>, vector<1x16xf32>,
      %get3A_1667 = vector.shape_cast %get3A_1666 : vector<1x16xf32> to vector<16xf32>
      %mul3A_1668 = arith.mulf %gather3A_1605, %get3A_1667 : vector<16xf32>
      %add3A_1669 = arith.addf %add3A_1599, %mul3A_1668 : vector<16xf32>
      %add3A_1670 = arith.constant 4 : i32
      %add3A_1671 = arith.addi %mul3A_219, %add3A_1670 : i32
      %broadcast_in_dim3A_1672 = vector.broadcast %add3A_1671 : i32 to vector<16xi32>
      %broadcast_in_dim3A_1673 = vector.shape_cast %broadcast_in_dim3A_1672 : vector<16xi32> to vector<16x1xi32>
      %gather3A_1674 = vector.shape_cast %broadcast_in_dim3A_1673 : vector<16x1xi32> to vector<16xi32>
      %gather3A_1675 = tpu.dynamic_gather %select_n3A_230[%gather3A_1674] in [0] : vector<16xf32>, vector<16xi32> -> vector<16xf32>
      %add3A_1676 = arith.constant 4 : i32
      %add3A_1677 = arith.addi %mul3A_221, %add3A_1676 : i32
      %get3A_1678 = arith.index_cast %add3A_1677 : i32 to index
      %get3A_1679 = arith.constant 256 : index
      %get3A_1680 = tpu.vector_load %arg8[%get3A_1678, %get3A_1679] {strides = array<i32>} : memref<160x384xf32, #tpu.memory_space<vmem>>, vector<1x16xf32>,
      %get3A_1681 = vector.shape_cast %get3A_1680 : vector<1x16xf32> to vector<16xf32>
      %mul3A_1682 = arith.mulf %gather3A_1675, %get3A_1681 : vector<16xf32>
      %add3A_1683 = arith.addf %add3A_1613, %mul3A_1682 : vector<16xf32>
      %add3A_1684 = arith.constant 4 : i32
      %add3A_1685 = arith.addi %mul3A_221, %add3A_1684 : i32
      %get3A_1686 = arith.index_cast %add3A_1685 : i32 to index
      %get3A_1687 = arith.constant 272 : index
      %get3A_1688 = tpu.vector_load %arg8[%get3A_1686, %get3A_1687] {strides = array<i32>} : memref<160x384xf32, #tpu.memory_space<vmem>>, vector<1x16xf32>,
      %get3A_1689 = vector.shape_cast %get3A_1688 : vector<1x16xf32> to vector<16xf32>
      %mul3A_1690 = arith.mulf %gather3A_1675, %get3A_1689 : vector<16xf32>
      %add3A_1691 = arith.addf %add3A_1621, %mul3A_1690 : vector<16xf32>
      %add3A_1692 = arith.constant 4 : i32
      %add3A_1693 = arith.addi %mul3A_221, %add3A_1692 : i32
      %get3A_1694 = arith.index_cast %add3A_1693 : i32 to index
      %get3A_1695 = arith.constant 288 : index
      %get3A_1696 = tpu.vector_load %arg8[%get3A_1694, %get3A_1695] {strides = array<i32>} : memref<160x384xf32, #tpu.memory_space<vmem>>, vector<1x16xf32>,
      %get3A_1697 = vector.shape_cast %get3A_1696 : vector<1x16xf32> to vector<16xf32>
      %mul3A_1698 = arith.mulf %gather3A_1675, %get3A_1697 : vector<16xf32>
      %add3A_1699 = arith.addf %add3A_1629, %mul3A_1698 : vector<16xf32>
      %add3A_1700 = arith.constant 4 : i32
      %add3A_1701 = arith.addi %mul3A_221, %add3A_1700 : i32
      %get3A_1702 = arith.index_cast %add3A_1701 : i32 to index
      %get3A_1703 = arith.constant 304 : index
      %get3A_1704 = tpu.vector_load %arg8[%get3A_1702, %get3A_1703] {strides = array<i32>} : memref<160x384xf32, #tpu.memory_space<vmem>>, vector<1x16xf32>,
      %get3A_1705 = vector.shape_cast %get3A_1704 : vector<1x16xf32> to vector<16xf32>
      %mul3A_1706 = arith.mulf %gather3A_1675, %get3A_1705 : vector<16xf32>
      %add3A_1707 = arith.addf %add3A_1637, %mul3A_1706 : vector<16xf32>
      %add3A_1708 = arith.constant 4 : i32
      %add3A_1709 = arith.addi %mul3A_221, %add3A_1708 : i32
      %get3A_1710 = arith.index_cast %add3A_1709 : i32 to index
      %get3A_1711 = arith.constant 320 : index
      %get3A_1712 = tpu.vector_load %arg8[%get3A_1710, %get3A_1711] {strides = array<i32>} : memref<160x384xf32, #tpu.memory_space<vmem>>, vector<1x16xf32>,
      %get3A_1713 = vector.shape_cast %get3A_1712 : vector<1x16xf32> to vector<16xf32>
      %mul3A_1714 = arith.mulf %gather3A_1675, %get3A_1713 : vector<16xf32>
      %add3A_1715 = arith.addf %add3A_1645, %mul3A_1714 : vector<16xf32>
      %add3A_1716 = arith.constant 4 : i32
      %add3A_1717 = arith.addi %mul3A_221, %add3A_1716 : i32
      %get3A_1718 = arith.index_cast %add3A_1717 : i32 to index
      %get3A_1719 = arith.constant 336 : index
      %get3A_1720 = tpu.vector_load %arg8[%get3A_1718, %get3A_1719] {strides = array<i32>} : memref<160x384xf32, #tpu.memory_space<vmem>>, vector<1x16xf32>,
      %get3A_1721 = vector.shape_cast %get3A_1720 : vector<1x16xf32> to vector<16xf32>
      %mul3A_1722 = arith.mulf %gather3A_1675, %get3A_1721 : vector<16xf32>
      %add3A_1723 = arith.addf %add3A_1653, %mul3A_1722 : vector<16xf32>
      %add3A_1724 = arith.constant 4 : i32
      %add3A_1725 = arith.addi %mul3A_221, %add3A_1724 : i32
      %get3A_1726 = arith.index_cast %add3A_1725 : i32 to index
      %get3A_1727 = arith.constant 352 : index
      %get3A_1728 = tpu.vector_load %arg8[%get3A_1726, %get3A_1727] {strides = array<i32>} : memref<160x384xf32, #tpu.memory_space<vmem>>, vector<1x16xf32>,
      %get3A_1729 = vector.shape_cast %get3A_1728 : vector<1x16xf32> to vector<16xf32>
      %mul3A_1730 = arith.mulf %gather3A_1675, %get3A_1729 : vector<16xf32>
      %add3A_1731 = arith.addf %add3A_1661, %mul3A_1730 : vector<16xf32>
      %add3A_1732 = arith.constant 4 : i32
      %add3A_1733 = arith.addi %mul3A_221, %add3A_1732 : i32
      %get3A_1734 = arith.index_cast %add3A_1733 : i32 to index
      %get3A_1735 = arith.constant 368 : index
      %get3A_1736 = tpu.vector_load %arg8[%get3A_1734, %get3A_1735] {strides = array<i32>} : memref<160x384xf32, #tpu.memory_space<vmem>>, vector<1x16xf32>,
      %get3A_1737 = vector.shape_cast %get3A_1736 : vector<1x16xf32> to vector<16xf32>
      %mul3A_1738 = arith.mulf %gather3A_1675, %get3A_1737 : vector<16xf32>
      %add3A_1739 = arith.addf %add3A_1669, %mul3A_1738 : vector<16xf32>
      %add3A_1740 = arith.constant 5 : i32
      %add3A_1741 = arith.addi %mul3A_219, %add3A_1740 : i32
      %broadcast_in_dim3A_1742 = vector.broadcast %add3A_1741 : i32 to vector<16xi32>
      %broadcast_in_dim3A_1743 = vector.shape_cast %broadcast_in_dim3A_1742 : vector<16xi32> to vector<16x1xi32>
      %gather3A_1744 = vector.shape_cast %broadcast_in_dim3A_1743 : vector<16x1xi32> to vector<16xi32>
      %gather3A_1745 = tpu.dynamic_gather %select_n3A_230[%gather3A_1744] in [0] : vector<16xf32>, vector<16xi32> -> vector<16xf32>
      %add3A_1746 = arith.constant 5 : i32
      %add3A_1747 = arith.addi %mul3A_221, %add3A_1746 : i32
      %get3A_1748 = arith.index_cast %add3A_1747 : i32 to index
      %get3A_1749 = arith.constant 256 : index
      %get3A_1750 = tpu.vector_load %arg8[%get3A_1748, %get3A_1749] {strides = array<i32>} : memref<160x384xf32, #tpu.memory_space<vmem>>, vector<1x16xf32>,
      %get3A_1751 = vector.shape_cast %get3A_1750 : vector<1x16xf32> to vector<16xf32>
      %mul3A_1752 = arith.mulf %gather3A_1745, %get3A_1751 : vector<16xf32>
      %add3A_1753 = arith.addf %add3A_1683, %mul3A_1752 : vector<16xf32>
      %add3A_1754 = arith.constant 5 : i32
      %add3A_1755 = arith.addi %mul3A_221, %add3A_1754 : i32
      %get3A_1756 = arith.index_cast %add3A_1755 : i32 to index
      %get3A_1757 = arith.constant 272 : index
      %get3A_1758 = tpu.vector_load %arg8[%get3A_1756, %get3A_1757] {strides = array<i32>} : memref<160x384xf32, #tpu.memory_space<vmem>>, vector<1x16xf32>,
      %get3A_1759 = vector.shape_cast %get3A_1758 : vector<1x16xf32> to vector<16xf32>
      %mul3A_1760 = arith.mulf %gather3A_1745, %get3A_1759 : vector<16xf32>
      %add3A_1761 = arith.addf %add3A_1691, %mul3A_1760 : vector<16xf32>
      %add3A_1762 = arith.constant 5 : i32
      %add3A_1763 = arith.addi %mul3A_221, %add3A_1762 : i32
      %get3A_1764 = arith.index_cast %add3A_1763 : i32 to index
      %get3A_1765 = arith.constant 288 : index
      %get3A_1766 = tpu.vector_load %arg8[%get3A_1764, %get3A_1765] {strides = array<i32>} : memref<160x384xf32, #tpu.memory_space<vmem>>, vector<1x16xf32>,
      %get3A_1767 = vector.shape_cast %get3A_1766 : vector<1x16xf32> to vector<16xf32>
      %mul3A_1768 = arith.mulf %gather3A_1745, %get3A_1767 : vector<16xf32>
      %add3A_1769 = arith.addf %add3A_1699, %mul3A_1768 : vector<16xf32>
      %add3A_1770 = arith.constant 5 : i32
      %add3A_1771 = arith.addi %mul3A_221, %add3A_1770 : i32
      %get3A_1772 = arith.index_cast %add3A_1771 : i32 to index
      %get3A_1773 = arith.constant 304 : index
      %get3A_1774 = tpu.vector_load %arg8[%get3A_1772, %get3A_1773] {strides = array<i32>} : memref<160x384xf32, #tpu.memory_space<vmem>>, vector<1x16xf32>,
      %get3A_1775 = vector.shape_cast %get3A_1774 : vector<1x16xf32> to vector<16xf32>
      %mul3A_1776 = arith.mulf %gather3A_1745, %get3A_1775 : vector<16xf32>
      %add3A_1777 = arith.addf %add3A_1707, %mul3A_1776 : vector<16xf32>
      %add3A_1778 = arith.constant 5 : i32
      %add3A_1779 = arith.addi %mul3A_221, %add3A_1778 : i32
      %get3A_1780 = arith.index_cast %add3A_1779 : i32 to index
      %get3A_1781 = arith.constant 320 : index
      %get3A_1782 = tpu.vector_load %arg8[%get3A_1780, %get3A_1781] {strides = array<i32>} : memref<160x384xf32, #tpu.memory_space<vmem>>, vector<1x16xf32>,
      %get3A_1783 = vector.shape_cast %get3A_1782 : vector<1x16xf32> to vector<16xf32>
      %mul3A_1784 = arith.mulf %gather3A_1745, %get3A_1783 : vector<16xf32>
      %add3A_1785 = arith.addf %add3A_1715, %mul3A_1784 : vector<16xf32>
      %add3A_1786 = arith.constant 5 : i32
      %add3A_1787 = arith.addi %mul3A_221, %add3A_1786 : i32
      %get3A_1788 = arith.index_cast %add3A_1787 : i32 to index
      %get3A_1789 = arith.constant 336 : index
      %get3A_1790 = tpu.vector_load %arg8[%get3A_1788, %get3A_1789] {strides = array<i32>} : memref<160x384xf32, #tpu.memory_space<vmem>>, vector<1x16xf32>,
      %get3A_1791 = vector.shape_cast %get3A_1790 : vector<1x16xf32> to vector<16xf32>
      %mul3A_1792 = arith.mulf %gather3A_1745, %get3A_1791 : vector<16xf32>
      %add3A_1793 = arith.addf %add3A_1723, %mul3A_1792 : vector<16xf32>
      %add3A_1794 = arith.constant 5 : i32
      %add3A_1795 = arith.addi %mul3A_221, %add3A_1794 : i32
      %get3A_1796 = arith.index_cast %add3A_1795 : i32 to index
      %get3A_1797 = arith.constant 352 : index
      %get3A_1798 = tpu.vector_load %arg8[%get3A_1796, %get3A_1797] {strides = array<i32>} : memref<160x384xf32, #tpu.memory_space<vmem>>, vector<1x16xf32>,
      %get3A_1799 = vector.shape_cast %get3A_1798 : vector<1x16xf32> to vector<16xf32>
      %mul3A_1800 = arith.mulf %gather3A_1745, %get3A_1799 : vector<16xf32>
      %add3A_1801 = arith.addf %add3A_1731, %mul3A_1800 : vector<16xf32>
      %add3A_1802 = arith.constant 5 : i32
      %add3A_1803 = arith.addi %mul3A_221, %add3A_1802 : i32
      %get3A_1804 = arith.index_cast %add3A_1803 : i32 to index
      %get3A_1805 = arith.constant 368 : index
      %get3A_1806 = tpu.vector_load %arg8[%get3A_1804, %get3A_1805] {strides = array<i32>} : memref<160x384xf32, #tpu.memory_space<vmem>>, vector<1x16xf32>,
      %get3A_1807 = vector.shape_cast %get3A_1806 : vector<1x16xf32> to vector<16xf32>
      %mul3A_1808 = arith.mulf %gather3A_1745, %get3A_1807 : vector<16xf32>
      %add3A_1809 = arith.addf %add3A_1739, %mul3A_1808 : vector<16xf32>
      %add3A_1810 = arith.constant 6 : i32
      %add3A_1811 = arith.addi %mul3A_219, %add3A_1810 : i32
      %broadcast_in_dim3A_1812 = vector.broadcast %add3A_1811 : i32 to vector<16xi32>
      %broadcast_in_dim3A_1813 = vector.shape_cast %broadcast_in_dim3A_1812 : vector<16xi32> to vector<16x1xi32>
      %gather3A_1814 = vector.shape_cast %broadcast_in_dim3A_1813 : vector<16x1xi32> to vector<16xi32>
      %gather3A_1815 = tpu.dynamic_gather %select_n3A_230[%gather3A_1814] in [0] : vector<16xf32>, vector<16xi32> -> vector<16xf32>
      %add3A_1816 = arith.constant 6 : i32
      %add3A_1817 = arith.addi %mul3A_221, %add3A_1816 : i32
      %get3A_1818 = arith.index_cast %add3A_1817 : i32 to index
      %get3A_1819 = arith.constant 256 : index
      %get3A_1820 = tpu.vector_load %arg8[%get3A_1818, %get3A_1819] {strides = array<i32>} : memref<160x384xf32, #tpu.memory_space<vmem>>, vector<1x16xf32>,
      %get3A_1821 = vector.shape_cast %get3A_1820 : vector<1x16xf32> to vector<16xf32>
      %mul3A_1822 = arith.mulf %gather3A_1815, %get3A_1821 : vector<16xf32>
      %add3A_1823 = arith.addf %add3A_1753, %mul3A_1822 : vector<16xf32>
      %add3A_1824 = arith.constant 6 : i32
      %add3A_1825 = arith.addi %mul3A_221, %add3A_1824 : i32
      %get3A_1826 = arith.index_cast %add3A_1825 : i32 to index
      %get3A_1827 = arith.constant 272 : index
      %get3A_1828 = tpu.vector_load %arg8[%get3A_1826, %get3A_1827] {strides = array<i32>} : memref<160x384xf32, #tpu.memory_space<vmem>>, vector<1x16xf32>,
      %get3A_1829 = vector.shape_cast %get3A_1828 : vector<1x16xf32> to vector<16xf32>
      %mul3A_1830 = arith.mulf %gather3A_1815, %get3A_1829 : vector<16xf32>
      %add3A_1831 = arith.addf %add3A_1761, %mul3A_1830 : vector<16xf32>
      %add3A_1832 = arith.constant 6 : i32
      %add3A_1833 = arith.addi %mul3A_221, %add3A_1832 : i32
      %get3A_1834 = arith.index_cast %add3A_1833 : i32 to index
      %get3A_1835 = arith.constant 288 : index
      %get3A_1836 = tpu.vector_load %arg8[%get3A_1834, %get3A_1835] {strides = array<i32>} : memref<160x384xf32, #tpu.memory_space<vmem>>, vector<1x16xf32>,
      %get3A_1837 = vector.shape_cast %get3A_1836 : vector<1x16xf32> to vector<16xf32>
      %mul3A_1838 = arith.mulf %gather3A_1815, %get3A_1837 : vector<16xf32>
      %add3A_1839 = arith.addf %add3A_1769, %mul3A_1838 : vector<16xf32>
      %add3A_1840 = arith.constant 6 : i32
      %add3A_1841 = arith.addi %mul3A_221, %add3A_1840 : i32
      %get3A_1842 = arith.index_cast %add3A_1841 : i32 to index
      %get3A_1843 = arith.constant 304 : index
      %get3A_1844 = tpu.vector_load %arg8[%get3A_1842, %get3A_1843] {strides = array<i32>} : memref<160x384xf32, #tpu.memory_space<vmem>>, vector<1x16xf32>,
      %get3A_1845 = vector.shape_cast %get3A_1844 : vector<1x16xf32> to vector<16xf32>
      %mul3A_1846 = arith.mulf %gather3A_1815, %get3A_1845 : vector<16xf32>
      %add3A_1847 = arith.addf %add3A_1777, %mul3A_1846 : vector<16xf32>
      %add3A_1848 = arith.constant 6 : i32
      %add3A_1849 = arith.addi %mul3A_221, %add3A_1848 : i32
      %get3A_1850 = arith.index_cast %add3A_1849 : i32 to index
      %get3A_1851 = arith.constant 320 : index
      %get3A_1852 = tpu.vector_load %arg8[%get3A_1850, %get3A_1851] {strides = array<i32>} : memref<160x384xf32, #tpu.memory_space<vmem>>, vector<1x16xf32>,
      %get3A_1853 = vector.shape_cast %get3A_1852 : vector<1x16xf32> to vector<16xf32>
      %mul3A_1854 = arith.mulf %gather3A_1815, %get3A_1853 : vector<16xf32>
      %add3A_1855 = arith.addf %add3A_1785, %mul3A_1854 : vector<16xf32>
      %add3A_1856 = arith.constant 6 : i32
      %add3A_1857 = arith.addi %mul3A_221, %add3A_1856 : i32
      %get3A_1858 = arith.index_cast %add3A_1857 : i32 to index
      %get3A_1859 = arith.constant 336 : index
      %get3A_1860 = tpu.vector_load %arg8[%get3A_1858, %get3A_1859] {strides = array<i32>} : memref<160x384xf32, #tpu.memory_space<vmem>>, vector<1x16xf32>,
      %get3A_1861 = vector.shape_cast %get3A_1860 : vector<1x16xf32> to vector<16xf32>
      %mul3A_1862 = arith.mulf %gather3A_1815, %get3A_1861 : vector<16xf32>
      %add3A_1863 = arith.addf %add3A_1793, %mul3A_1862 : vector<16xf32>
      %add3A_1864 = arith.constant 6 : i32
      %add3A_1865 = arith.addi %mul3A_221, %add3A_1864 : i32
      %get3A_1866 = arith.index_cast %add3A_1865 : i32 to index
      %get3A_1867 = arith.constant 352 : index
      %get3A_1868 = tpu.vector_load %arg8[%get3A_1866, %get3A_1867] {strides = array<i32>} : memref<160x384xf32, #tpu.memory_space<vmem>>, vector<1x16xf32>,
      %get3A_1869 = vector.shape_cast %get3A_1868 : vector<1x16xf32> to vector<16xf32>
      %mul3A_1870 = arith.mulf %gather3A_1815, %get3A_1869 : vector<16xf32>
      %add3A_1871 = arith.addf %add3A_1801, %mul3A_1870 : vector<16xf32>
      %add3A_1872 = arith.constant 6 : i32
      %add3A_1873 = arith.addi %mul3A_221, %add3A_1872 : i32
      %get3A_1874 = arith.index_cast %add3A_1873 : i32 to index
      %get3A_1875 = arith.constant 368 : index
      %get3A_1876 = tpu.vector_load %arg8[%get3A_1874, %get3A_1875] {strides = array<i32>} : memref<160x384xf32, #tpu.memory_space<vmem>>, vector<1x16xf32>,
      %get3A_1877 = vector.shape_cast %get3A_1876 : vector<1x16xf32> to vector<16xf32>
      %mul3A_1878 = arith.mulf %gather3A_1815, %get3A_1877 : vector<16xf32>
      %add3A_1879 = arith.addf %add3A_1809, %mul3A_1878 : vector<16xf32>
      %add3A_1880 = arith.constant 7 : i32
      %add3A_1881 = arith.addi %mul3A_219, %add3A_1880 : i32
      %broadcast_in_dim3A_1882 = vector.broadcast %add3A_1881 : i32 to vector<16xi32>
      %broadcast_in_dim3A_1883 = vector.shape_cast %broadcast_in_dim3A_1882 : vector<16xi32> to vector<16x1xi32>
      %gather3A_1884 = vector.shape_cast %broadcast_in_dim3A_1883 : vector<16x1xi32> to vector<16xi32>
      %gather3A_1885 = tpu.dynamic_gather %select_n3A_230[%gather3A_1884] in [0] : vector<16xf32>, vector<16xi32> -> vector<16xf32>
      %add3A_1886 = arith.constant 7 : i32
      %add3A_1887 = arith.addi %mul3A_221, %add3A_1886 : i32
      %get3A_1888 = arith.index_cast %add3A_1887 : i32 to index
      %get3A_1889 = arith.constant 256 : index
      %get3A_1890 = tpu.vector_load %arg8[%get3A_1888, %get3A_1889] {strides = array<i32>} : memref<160x384xf32, #tpu.memory_space<vmem>>, vector<1x16xf32>,
      %get3A_1891 = vector.shape_cast %get3A_1890 : vector<1x16xf32> to vector<16xf32>
      %mul3A_1892 = arith.mulf %gather3A_1885, %get3A_1891 : vector<16xf32>
      %add3A_1893 = arith.addf %add3A_1823, %mul3A_1892 : vector<16xf32>
      %add3A_1894 = arith.constant 7 : i32
      %add3A_1895 = arith.addi %mul3A_221, %add3A_1894 : i32
      %get3A_1896 = arith.index_cast %add3A_1895 : i32 to index
      %get3A_1897 = arith.constant 272 : index
      %get3A_1898 = tpu.vector_load %arg8[%get3A_1896, %get3A_1897] {strides = array<i32>} : memref<160x384xf32, #tpu.memory_space<vmem>>, vector<1x16xf32>,
      %get3A_1899 = vector.shape_cast %get3A_1898 : vector<1x16xf32> to vector<16xf32>
      %mul3A_1900 = arith.mulf %gather3A_1885, %get3A_1899 : vector<16xf32>
      %add3A_1901 = arith.addf %add3A_1831, %mul3A_1900 : vector<16xf32>
      %add3A_1902 = arith.constant 7 : i32
      %add3A_1903 = arith.addi %mul3A_221, %add3A_1902 : i32
      %get3A_1904 = arith.index_cast %add3A_1903 : i32 to index
      %get3A_1905 = arith.constant 288 : index
      %get3A_1906 = tpu.vector_load %arg8[%get3A_1904, %get3A_1905] {strides = array<i32>} : memref<160x384xf32, #tpu.memory_space<vmem>>, vector<1x16xf32>,
      %get3A_1907 = vector.shape_cast %get3A_1906 : vector<1x16xf32> to vector<16xf32>
      %mul3A_1908 = arith.mulf %gather3A_1885, %get3A_1907 : vector<16xf32>
      %add3A_1909 = arith.addf %add3A_1839, %mul3A_1908 : vector<16xf32>
      %add3A_1910 = arith.constant 7 : i32
      %add3A_1911 = arith.addi %mul3A_221, %add3A_1910 : i32
      %get3A_1912 = arith.index_cast %add3A_1911 : i32 to index
      %get3A_1913 = arith.constant 304 : index
      %get3A_1914 = tpu.vector_load %arg8[%get3A_1912, %get3A_1913] {strides = array<i32>} : memref<160x384xf32, #tpu.memory_space<vmem>>, vector<1x16xf32>,
      %get3A_1915 = vector.shape_cast %get3A_1914 : vector<1x16xf32> to vector<16xf32>
      %mul3A_1916 = arith.mulf %gather3A_1885, %get3A_1915 : vector<16xf32>
      %add3A_1917 = arith.addf %add3A_1847, %mul3A_1916 : vector<16xf32>
      %add3A_1918 = arith.constant 7 : i32
      %add3A_1919 = arith.addi %mul3A_221, %add3A_1918 : i32
      %get3A_1920 = arith.index_cast %add3A_1919 : i32 to index
      %get3A_1921 = arith.constant 320 : index
      %get3A_1922 = tpu.vector_load %arg8[%get3A_1920, %get3A_1921] {strides = array<i32>} : memref<160x384xf32, #tpu.memory_space<vmem>>, vector<1x16xf32>,
      %get3A_1923 = vector.shape_cast %get3A_1922 : vector<1x16xf32> to vector<16xf32>
      %mul3A_1924 = arith.mulf %gather3A_1885, %get3A_1923 : vector<16xf32>
      %add3A_1925 = arith.addf %add3A_1855, %mul3A_1924 : vector<16xf32>
      %add3A_1926 = arith.constant 7 : i32
      %add3A_1927 = arith.addi %mul3A_221, %add3A_1926 : i32
      %get3A_1928 = arith.index_cast %add3A_1927 : i32 to index
      %get3A_1929 = arith.constant 336 : index
      %get3A_1930 = tpu.vector_load %arg8[%get3A_1928, %get3A_1929] {strides = array<i32>} : memref<160x384xf32, #tpu.memory_space<vmem>>, vector<1x16xf32>,
      %get3A_1931 = vector.shape_cast %get3A_1930 : vector<1x16xf32> to vector<16xf32>
      %mul3A_1932 = arith.mulf %gather3A_1885, %get3A_1931 : vector<16xf32>
      %add3A_1933 = arith.addf %add3A_1863, %mul3A_1932 : vector<16xf32>
      %add3A_1934 = arith.constant 7 : i32
      %add3A_1935 = arith.addi %mul3A_221, %add3A_1934 : i32
      %get3A_1936 = arith.index_cast %add3A_1935 : i32 to index
      %get3A_1937 = arith.constant 352 : index
      %get3A_1938 = tpu.vector_load %arg8[%get3A_1936, %get3A_1937] {strides = array<i32>} : memref<160x384xf32, #tpu.memory_space<vmem>>, vector<1x16xf32>,
      %get3A_1939 = vector.shape_cast %get3A_1938 : vector<1x16xf32> to vector<16xf32>
      %mul3A_1940 = arith.mulf %gather3A_1885, %get3A_1939 : vector<16xf32>
      %add3A_1941 = arith.addf %add3A_1871, %mul3A_1940 : vector<16xf32>
      %add3A_1942 = arith.constant 7 : i32
      %add3A_1943 = arith.addi %mul3A_221, %add3A_1942 : i32
      %get3A_1944 = arith.index_cast %add3A_1943 : i32 to index
      %get3A_1945 = arith.constant 368 : index
      %get3A_1946 = tpu.vector_load %arg8[%get3A_1944, %get3A_1945] {strides = array<i32>} : memref<160x384xf32, #tpu.memory_space<vmem>>, vector<1x16xf32>,
      %get3A_1947 = vector.shape_cast %get3A_1946 : vector<1x16xf32> to vector<16xf32>
      %mul3A_1948 = arith.mulf %gather3A_1885, %get3A_1947 : vector<16xf32>
      %add3A_1949 = arith.addf %add3A_1879, %mul3A_1948 : vector<16xf32>
      %swap3A_1950 = arith.constant 256 : index
      %swap3A_1951 = tpu.vector_load %arg9[%swap3A_1950] {strides = array<i32>} : memref<384xf32, #tpu.memory_space<vmem>>, vector<16xf32>,
      %swap3A_1952 = vector.shape_cast %swap3A_1951 : vector<16xf32> to vector<16xf32>
      %swap3A_1953 = vector.shape_cast %add3A_1893 : vector<16xf32> to vector<16xf32>
      tpu.vector_store %arg9[%swap3A_1950], %swap3A_1953 {add = true, strides = array<i32>} : memref<384xf32, #tpu.memory_space<vmem>>, vector<16xf32>,
      %swap3A_1954 = arith.constant 272 : index
      %swap3A_1955 = tpu.vector_load %arg9[%swap3A_1954] {strides = array<i32>} : memref<384xf32, #tpu.memory_space<vmem>>, vector<16xf32>,
      %swap3A_1956 = vector.shape_cast %swap3A_1955 : vector<16xf32> to vector<16xf32>
      %swap3A_1957 = vector.shape_cast %add3A_1901 : vector<16xf32> to vector<16xf32>
      tpu.vector_store %arg9[%swap3A_1954], %swap3A_1957 {add = true, strides = array<i32>} : memref<384xf32, #tpu.memory_space<vmem>>, vector<16xf32>,
      %swap3A_1958 = arith.constant 288 : index
      %swap3A_1959 = tpu.vector_load %arg9[%swap3A_1958] {strides = array<i32>} : memref<384xf32, #tpu.memory_space<vmem>>, vector<16xf32>,
      %swap3A_1960 = vector.shape_cast %swap3A_1959 : vector<16xf32> to vector<16xf32>
      %swap3A_1961 = vector.shape_cast %add3A_1909 : vector<16xf32> to vector<16xf32>
      tpu.vector_store %arg9[%swap3A_1958], %swap3A_1961 {add = true, strides = array<i32>} : memref<384xf32, #tpu.memory_space<vmem>>, vector<16xf32>,
      %swap3A_1962 = arith.constant 304 : index
      %swap3A_1963 = tpu.vector_load %arg9[%swap3A_1962] {strides = array<i32>} : memref<384xf32, #tpu.memory_space<vmem>>, vector<16xf32>,
      %swap3A_1964 = vector.shape_cast %swap3A_1963 : vector<16xf32> to vector<16xf32>
      %swap3A_1965 = vector.shape_cast %add3A_1917 : vector<16xf32> to vector<16xf32>
      tpu.vector_store %arg9[%swap3A_1962], %swap3A_1965 {add = true, strides = array<i32>} : memref<384xf32, #tpu.memory_space<vmem>>, vector<16xf32>,
      %swap3A_1966 = arith.constant 320 : index
      %swap3A_1967 = tpu.vector_load %arg9[%swap3A_1966] {strides = array<i32>} : memref<384xf32, #tpu.memory_space<vmem>>, vector<16xf32>,
      %swap3A_1968 = vector.shape_cast %swap3A_1967 : vector<16xf32> to vector<16xf32>
      %swap3A_1969 = vector.shape_cast %add3A_1925 : vector<16xf32> to vector<16xf32>
      tpu.vector_store %arg9[%swap3A_1966], %swap3A_1969 {add = true, strides = array<i32>} : memref<384xf32, #tpu.memory_space<vmem>>, vector<16xf32>,
      %swap3A_1970 = arith.constant 336 : index
      %swap3A_1971 = tpu.vector_load %arg9[%swap3A_1970] {strides = array<i32>} : memref<384xf32, #tpu.memory_space<vmem>>, vector<16xf32>,
      %swap3A_1972 = vector.shape_cast %swap3A_1971 : vector<16xf32> to vector<16xf32>
      %swap3A_1973 = vector.shape_cast %add3A_1933 : vector<16xf32> to vector<16xf32>
      tpu.vector_store %arg9[%swap3A_1970], %swap3A_1973 {add = true, strides = array<i32>} : memref<384xf32, #tpu.memory_space<vmem>>, vector<16xf32>,
      %swap3A_1974 = arith.constant 352 : index
      %swap3A_1975 = tpu.vector_load %arg9[%swap3A_1974] {strides = array<i32>} : memref<384xf32, #tpu.memory_space<vmem>>, vector<16xf32>,
      %swap3A_1976 = vector.shape_cast %swap3A_1975 : vector<16xf32> to vector<16xf32>
      %swap3A_1977 = vector.shape_cast %add3A_1941 : vector<16xf32> to vector<16xf32>
      tpu.vector_store %arg9[%swap3A_1974], %swap3A_1977 {add = true, strides = array<i32>} : memref<384xf32, #tpu.memory_space<vmem>>, vector<16xf32>,
      %swap3A_1978 = arith.constant 368 : index
      %swap3A_1979 = tpu.vector_load %arg9[%swap3A_1978] {strides = array<i32>} : memref<384xf32, #tpu.memory_space<vmem>>, vector<16xf32>,
      %swap3A_1980 = vector.shape_cast %swap3A_1979 : vector<16xf32> to vector<16xf32>
      %swap3A_1981 = vector.shape_cast %add3A_1949 : vector<16xf32> to vector<16xf32>
      tpu.vector_store %arg9[%swap3A_1978], %swap3A_1981 {add = true, strides = array<i32>} : memref<384xf32, #tpu.memory_space<vmem>>, vector<16xf32>,
    }
    %scan3A_184 = arith.constant 20 : i32
    "tpu.region"() ({
      %run_scoped3A = tpu.sem_alloc : memref<!tpu.dma_semaphore, #tpu.memory_space<semaphore_mem>>
      %dma_start3A_185 = arith.constant 0 : i32
      %dma_start3A_186 = tpu.memref_slice %arg5[%add3A, %dma_start3A_185] : memref<32x384xf32, #tpu.memory_space<hbm>> -> memref<1x384xf32, #tpu.memory_space<hbm>>
      %dma_start3A_187 = tpu.memref_squeeze %dma_start3A_186 : memref<1x384xf32, #tpu.memory_space<hbm>> -> memref<384xf32, #tpu.memory_space<hbm>>
      %dma_start3A_188 = arith.constant 0 : i32
      %dma_start3A_189 = tpu.memref_slice %arg5[%add3A, %dma_start3A_188] : memref<32x384xf32, #tpu.memory_space<hbm>> -> memref<1x384xf32, #tpu.memory_space<hbm>>
      %dma_start3A_190 = tpu.memref_squeeze %dma_start3A_189 : memref<1x384xf32, #tpu.memory_space<hbm>> -> memref<384xf32, #tpu.memory_space<hbm>>
      tpu.enqueue_dma source(%arg9 : memref<384xf32, #tpu.memory_space<vmem>>) target(%dma_start3A_190 : memref<384xf32, #tpu.memory_space<hbm>>) target_semaphore(%run_scoped3A : memref<!tpu.dma_semaphore, #tpu.memory_space<semaphore_mem>>)
      %dma_wait3A_191 = arith.constant 0 : i32
      %dma_wait3A_192 = tpu.memref_slice %arg5[%add3A, %dma_wait3A_191] : memref<32x384xf32, #tpu.memory_space<hbm>> -> memref<1x384xf32, #tpu.memory_space<hbm>>
      %dma_wait3A_193 = tpu.memref_squeeze %dma_wait3A_192 : memref<1x384xf32, #tpu.memory_space<hbm>> -> memref<384xf32, #tpu.memory_space<hbm>>
      %dma_wait3A_194 = arith.constant 0 : i32
      %dma_wait3A_195 = tpu.memref_slice %arg5[%add3A, %dma_wait3A_194] : memref<32x384xf32, #tpu.memory_space<hbm>> -> memref<1x384xf32, #tpu.memory_space<hbm>>
      %dma_wait3A_196 = tpu.memref_squeeze %dma_wait3A_195 : memref<1x384xf32, #tpu.memory_space<hbm>> -> memref<384xf32, #tpu.memory_space<hbm>>
      tpu.wait_dma2 semaphore(%run_scoped3A : memref<!tpu.dma_semaphore, #tpu.memory_space<semaphore_mem>>) src(%arg9 : memref<384xf32, #tpu.memory_space<vmem>>) dst(%dma_wait3A_196 : memref<384xf32, #tpu.memory_space<hbm>>)
      tpu.yield
    }) : () -> ()
    return
  }
}

module attributes {stable_mosaic.version = 14 : i64} {
  func.func @_finish_body(%arg0: memref<32x384xf32, #tpu.memory_space<vmem>>, %arg1: memref<1x384xf32, #tpu.memory_space<vmem>>) attributes {dimension_semantics = [], scalar_prefetch = 0 : i64, scratch_operands = 0 : i64, tpu.core_type = #tpu.core_type<tc>} {
    %get3A = arith.constant 0 : index
    %get3A_0 = arith.constant 0 : index
    %get3A_1 = vector.load %arg0[%get3A, %get3A_0] : memref<32x384xf32, #tpu.memory_space<vmem>>, vector<32x384xf32>
    %reduce_sum3A = arith.constant dense<0.000000e+00> : vector<384xf32>
    %reduce_sum3A_2 = vector.multi_reduction <add>, %get3A_1, %reduce_sum3A [0] : vector<32x384xf32> to vector<384xf32>
    %broadcast_in_dim3A = vector.shape_cast %reduce_sum3A_2 : vector<384xf32> to vector<1x384xf32>
    %mul3A = arith.mulf %broadcast_in_dim3A, %broadcast_in_dim3A : vector<1x384xf32>
    %reduce_sum3A_3 = vector.shape_cast %mul3A : vector<1x384xf32> to vector<1x1x384xf32>
    %reduce_sum3A_4 = arith.constant dense<0.000000e+00> : vector<1xf32>
    %reduce_sum3A_5 = vector.multi_reduction <add>, %reduce_sum3A_3, %reduce_sum3A_4 [1, 2] : vector<1x1x384xf32> to vector<1xf32>
    %reduce_sum3A_6 = vector.shape_cast %reduce_sum3A_5 : vector<1xf32> to vector<1x1x1xf32>
    %reduce_sum3A_7 = vector.extract %reduce_sum3A_6[0, 0, 0] : f32 from vector<1x1x1xf32>
    %rsqrt3A = math.rsqrt %reduce_sum3A_7 : f32
    %mul3A_8 = vector.broadcast %rsqrt3A : f32 to vector<1x384xf32>
    %mul3A_9 = arith.mulf %broadcast_in_dim3A, %mul3A_8 : vector<1x384xf32>
    %swap3A = arith.constant 0 : index
    %swap3A_10 = arith.constant 0 : index
    %swap3A_11 = vector.load %arg1[%swap3A, %swap3A_10] : memref<1x384xf32, #tpu.memory_space<vmem>>, vector<1x384xf32>
    tpu.vector_store %arg1[%swap3A, %swap3A_10], %mul3A_9 {strides = array<i32>} : memref<1x384xf32, #tpu.memory_space<vmem>>, vector<1x384xf32>,
    return
  }
}

</mosaic_0001>

<sc_bundles>
// kernel: kernel.4.cloned.1.call-start
scs
__scs_entry_jumppad:
0x0: {  	(pc) =	sbr.rel $0x88, $3  }
0x1: {  	(tag) =	ssettag $0x0;
	lr =	simm.s32 $0x1  }
0x2: {  	[smem:$0x3F9D] =	sst lr;
	_ =	strace $0xD0000000  }
0x3: {  	_ = 	snop  }
0x4: {  	_ = 	snop  }
0x5: {  	_ = 	snop  }
0x6: {  	_ = 	snop  }
0x7: {  	_ = 	snop  }
__scs_overlays_trampoline_lowered:
0x8: {  	[smem:$0x3FAC] =	sst s0  }
0x9: {  	[smem:$0x3FAD] =	sst s1  }
0xa: {  	[smem:$0x3FAE] =	sst s2  }
0xb: {  	[smem:$0x3FAF] =	sst s3  }
0xc: {  	[smem:$0x3FB0] =	sst s4  }
0xd: {  	[smem:$0x3FB1] =	sst s5  }
0xe: {  	[smem:$0x3FB2] =	sst s6  }
0xf: {  	[smem:$0x3FB3] =	sst s7  }
0x10: {  	[smem:$0x3FB4] =	sst s8  }
0x11: {  	[smem:$0x3FB5] =	sst s9;
	s0 =	simm.s32 @!p0 $0x0  }
0x12: {  	s1 =	sld [smem:$0x3F9B];
	s0 =	simm.s32 @p0 $0x1  }
0x13: {  	[smem:$0x3FB6] =	sst s0;
	s0 =	simm.s32 @!p1 $0x0  }
0x14: {  	s2 =	sld [smem:$0x3F9A];
	s0 =	simm.s32 @p1 $0x1  }
0x15: {  	[smem:$0x3FB7] =	sst s0;
	s0 =	simm.s32 @!p2 $0x0  }
0x16: {  	s3 =	sld [smem:$0x3FDB];
	s0 =	simm.s32 @p2 $0x1  }
0x17: {  	s4 =	simm.s32 $0x1BF5;
	[smem:$0x3FB9] =	sst s0  }
0x18: {  	s0 =	sld [smem:$0x3F9C];
	_ =	swait.ge [sflag:s4], $0x0  }
0x19: {  	s7 =	sld [smem:$0x3F9D]  }
0x1a: {  	s8 =	sadd.s32 $0xFFFFE003, lr  }
0x1b: {  	s9 =	sadd.s32 $0xFFFFFEF7, lr;
	s5 =	simm.s32 $0xFFFFFFFF;
	p2 =	slt.u32 s8, $0xFFFFF086  }
0x1c: {  	p1 =	slt.u32 s9, $0xF7A;
	s5 =	simm.s32 @!p2 $0x0  }
0x1d: {  	s5 =	simm.s32 @p1 $0x1;
	p0 =	seq.s32 s7, s2  }
0x1e: {  	s7 =	smul.u32 @!p0 $0xF7A, s2;
	p2 =	seq.s32 @!p0 s5, $0x0  }
0x1f: {  	s9 =	smul.u32 $0xF7A, s1;
	s8 =	simm.s32 @!p0 $0x1BF5;
	p2 =	por !p2, p0  }
0x20: {  	[sflag:s8] =	ssyncset.s32 @!p0 $0xFFFFF086;
	s6 =	sadd.s32 @!p0 s3, s7;
	s7 =	simm.s32 @!p0 $0x108  }
0x21: {  	s3 =	sadd.s32 s3, s9;
	s6 =	sadd.s32 @!p0 $0x88, s6;
	s7 =	simm.s32 @p2 $0x1082  }
0x22: {  	[simem:s7], [sflag:s8] =	dma.local @!p0 [hbm:s6], $0xF7A  }
0x23: {  	s9 =	sor.u32 $0xD0000000, s2;
	s6 =	simm.s32 $0x108;
	_ =	swait.ge @!p0 [sflag:s8], $0x0  }
0x24: {  	s3 =	sadd.s32 $0x88, s3;
	s6 =	simm.s32 @!p1 $0x1082;
	[sflag:s4] =	ssyncset.s32 $0xFFFFF086  }
0x25: {  	[simem:s6], [sflag:s4] =	dma.local [hbm:s3], $0xF7A  }
0x26: {  	[smem:$0x3F9D] =	sst s1;
	(tag) =	ssettag s2;
	_ =	strace s9  }
0x27: {  	s1 =	sld [smem:$0x3FAD]  }
0x28: {  	s2 =	sld [smem:$0x3FAE]  }
0x29: {  	s4 =	sld [smem:$0x3FB0]  }
0x2a: {  	p0 =	seq.s32 s5, $0x0;
	s5 =	sld [smem:$0x3FB1]  }
0x2b: {  	s6 =	sld [smem:$0x3FB2]  }
0x2c: {  	s7 =	sld [smem:$0x3FB3]  }
0x2d: {  	s3 =	simm.s32 $0x108;
	s8 =	sld [smem:$0x3FB4]  }
0x2e: {  	s3 =	simm.s32 @!p0 $0x1082;
	s9 =	sld [smem:$0x3FB5]  }
0x2f: {  	lr =	sadd.s32 s0, s3;
	s0 =	sld [smem:$0x3FAC]  }
0x30: {  	s3 =	sld [smem:$0x3FAF]  }
0x31: {  	[smem:$0x3FB8] =	sst s10  }
0x32: {  	s10 =	sld [smem:$0x3FB6];
	_ =	sdelay $0x3  }
0x33: {  	p0 =	seq.s32 s10, $0x1;
	s10 =	sld [smem:$0x3FB8];
	_ =	sdelay $0x3  }
0x34: {  	[smem:$0x3FB8] =	sst s10  }
0x35: {  	s10 =	sld [smem:$0x3FB7];
	_ =	sdelay $0x3  }
0x36: {  	p1 =	seq.s32 s10, $0x1;
	s10 =	sld [smem:$0x3FB8];
	_ =	sdelay $0x3  }
0x37: {  	[smem:$0x3FB8] =	sst s10  }
0x38: {  	s10 =	sld [smem:$0x3FB9]  }
0x39: {  	_ = 	snop;
	(pc) =	sbr.ind lr, $3  }
0x3a: {  	_ = 	snop  }
0x3b: {  	_ = 	snop  }
0x3c: {  	p2 =	seq.s32 s10, $0x1;
	s10 =	sld [smem:$0x3FB8]  }
0x3d: {  	_ =	shalt  }
0x3e: {  	_ =	shalt  }
0x3f: {  	_ =	shalt  }
0x40: {  	_ =	shalt  }
0x41: {  	_ =	shalt  }
0x42: {  	_ =	shalt  }
0x43: {  	_ =	shalt  }
0x44: {  	_ =	shalt  }
0x45: {  	_ =	shalt  }
0x46: {  	_ =	shalt  }
0x47: {  	_ =	shalt  }
0x48: {  	_ =	shalt  }
0x49: {  	_ =	shalt  }
0x4a: {  	_ =	shalt  }
0x4b: {  	_ =	shalt  }
0x4c: {  	_ =	shalt  }
0x4d: {  	_ =	shalt  }
0x4e: {  	_ =	shalt  }
0x4f: {  	_ =	shalt  }
0x50: {  	_ =	shalt  }
0x51: {  	_ =	shalt  }
0x52: {  	_ =	shalt  }
0x53: {  	_ =	shalt  }
0x54: {  	_ =	shalt  }
0x55: {  	_ =	shalt  }
0x56: {  	_ =	shalt  }
0x57: {  	_ =	shalt  }
0x58: {  	_ =	shalt  }
0x59: {  	_ =	shalt  }
0x5a: {  	_ =	shalt  }
0x5b: {  	_ =	shalt  }
0x5c: {  	_ =	shalt  }
0x5d: {  	_ =	shalt  }
0x5e: {  	_ =	shalt  }
0x5f: {  	_ =	shalt  }
0x60: {  	_ =	shalt  }
0x61: {  	_ =	shalt  }
0x62: {  	_ =	shalt  }
0x63: {  	_ =	shalt  }
0x64: {  	_ =	shalt  }
0x65: {  	_ =	shalt  }
0x66: {  	_ =	shalt  }
0x67: {  	_ =	shalt  }
0x68: {  	_ =	shalt  }
0x69: {  	_ =	shalt  }
0x6a: {  	_ =	shalt  }
0x6b: {  	_ =	shalt  }
0x6c: {  	_ =	shalt  }
0x6d: {  	_ =	shalt  }
0x6e: {  	_ =	shalt  }
0x6f: {  	_ =	shalt  }
0x70: {  	_ =	shalt  }
0x71: {  	_ =	shalt  }
0x72: {  	_ =	shalt  }
0x73: {  	_ =	shalt  }
0x74: {  	_ =	shalt  }
0x75: {  	_ =	shalt  }
0x76: {  	_ =	shalt  }
0x77: {  	_ =	shalt  }
0x78: {  	_ =	shalt  }
0x79: {  	_ =	shalt  }
0x7a: {  	_ =	shalt  }
0x7b: {  	_ =	shalt  }
0x7c: {  	_ =	shalt  }
0x7d: {  	_ =	shalt  }
0x7e: {  	_ =	shalt  }
0x7f: {  	_ =	shalt  }
0x80: {  	_ =	shalt  }
0x81: {  	_ =	shalt  }
0x82: {  	_ =	shalt  }
0x83: {  	_ =	shalt  }
0x84: {  	_ =	shalt  }
0x85: {  	_ =	shalt  }
0x86: {  	_ =	shalt  }
0x87: {  	_ =	shalt  }
.Lfunc_end0:
.L_simem_size_0:
called_computation_lowered:
.L_overlay_start_0:
0x88: {  	s2 =	sld [smem:$0x3FD9]  }
0x89: {  	s3 =	sld [smem:$0x3FFE];
	_ =	sdelay $0x1  }
0x8a: {  	s1 =	srdreg.scid  }
0x8b: {  	s0 =	sand.u32 $0x1, s1  }
0x8c: {  	s17 =	sshll.u32 s0, $0xA;
	s2 =	sadd.s32 s3, s2  }
0x8d: {  	s2 =	sadd.s32 s2, s17  }
0x8e: {  	[smem:$0x3FC4] =	sst s2  }
0x8f: {  	_ = 	snop  }
0x90: {  	s2 =	sld [smem:$0x3FC9];
	(tm) =	ssettm $0x1  }
0x91: {  	s18 =	sld [smem:$0x3FFB];
	_ =	sdelay $0x3  }
0x92: {  	_ =	strace s18  }
0x93: {  	s3 =	sld [smem:$0x3FFC];
	_ =	sdelay $0x3  }
0x94: {  	_ =	strace s3  }
0x95: {  	s3 =	sld [smem:$0x3FFD];
	_ =	sdelay $0x3  }
0x96: {  	_ =	strace s3  }
0x97: {  	_ =	strace $0x8FFFFFFF  }
0x98: {  	s19 =	sld [smem:$0x3FDB];
	_ =	sdelay $0x1  }
0x99: {  	s4 =	simm.s32 $_scs_section_size  }
0x9a: {  	s5 =	simm.s32 $_size__tile_overlayer_lowered;
	s6 =	simm.s32 $_tile_overlayer_lowered  }
0x9b: {  	s22 =	simm.s32 $0x1BFF;
	s21 =	sshll.u32 s6, $0x1;
	s3 =	sadd.s32 s4, s19  }
0x9c: {  	s7 =	simm.s32 $0x0;
	s20 =	sshll.u32 s5, $0x1;
	s5 =	sadd.s32 s21, s3  }
0x9d: {  	[timem:s7], [sflag:s22] =	dma.local [hbm:s5], s20  }
0x9e: {  	_ =	swait.ge [sflag:s22], s20  }
0x9f: {  	s4 =	ssub.s32 $0x0, s20;
	[sflag:s22] =	ssyncset.done $0x0  }
0xa0: {  	[sflag:s22] =	ssyncadd.s32 s4;
	_ =	sdelay $0x1  }
0xa1: {  	s23 =	simm.s32 $0x1B8B  }
0xa2: {  	_ =	swait.ge [sflag:s23], $0x1  }
0xa3: {  	[sflag:s23] =	ssyncset.done $0x0  }
0xa4: {  	s25 =	simm.s32 $0x1B8E;
	s24 =	sld [smem:$0x3FFE];
	[sflag:s23] =	ssyncadd.s32 $0xFFFFFFFF  }
0xa5: {  	s26 =	simm.s32 $execute0_lowered;
	[smem:$0x3FD2] =	sst s25  }
0xa6: {  	s5 =	sshll.u32 s26, $0x1;
	_ =	strace $0x80000046;
	[dreg:$0x1] =	wrdreg $0xFFFFFFFF  }
0xa7: {  	s28 =	simm.s32 $_size_execute0_lowered;
	s3 =	sadd.s32 s3, s5;
	[dreg:$0x0] =	wrdreg $0x0  }
0xa8: {  	s5 =	sshll.u32 s28, $0x1;
	[dreg:$0x2] =	wrdreg s3  }
0xa9: {  	[dreg:$0x3] =	wrdreg s5  }
0xaa: {  	[dreg:$0x4] =	wrdreg $0xC0  }
0xab: {  	_ =	task [dreg:s7], $0x5FFFF  }
0xac: {  	[dreg:$0x1] =	wrdreg $0xFFFFFFFF  }
0xad: {  	[dreg:$0x0] =	wrdreg $0x60  }
0xae: {  	[dreg:$0x2] =	wrdreg s2  }
0xaf: {  	[dreg:$0x3] =	wrdreg s24  }
0xb0: {  	[dreg:$0x4] =	wrdreg $0x9  }
0xb1: {  	_ =	task.clear_ibuf [dreg:s7], $0x5FFFF;
	_ =	strace $0x90000046  }
0xb2: {  	s29 =	simm.s32 $0x9;
	_ =	strace $0x80000048  }
0xb3: {  	_ =	swait.ge [sflag:s29], $0x1  }
0xb4: {  	[sflag:s29] =	ssyncadd.s32 $0xFFFFFFFF  }
0xb5: {  	_ =	strace $0x90000048  }
0xb6: {  	_ =	sfence  }
0xb7: {  	s30 =	sld [smem:$0x0];
	_ =	sdelay $0x2  }
0xb8: {  	s31 =	sshll.u32 s1, $0xD;
	s1 =	sshrl.u32 s1, $0x2  }
0xb9: {  	s3 =	sand.u32 $0x4000, s31;
	s1 =	sadd.s32 s1, s30  }
0xba: {  	s0 =	sor.u32 s3, s0;
	s1 =	sshll.u32 s1, $0x11  }
0xbb: {  	s0 =	sor.u32 s1, s0  }
0xbc: {  	s0 =	sadd.s32 $0x8F2B, s0  }
0xbd: {  	[sflag:s0] =	ssyncadd.remote.s32 $0x1  }
0xbe: {  	_ =	sfence.sel $0xFFFF  }
0xbf: {  	[dreg:$0x0] =	wrdreg $0xFFFFFFFF;
	(pc) =	sbr.abs _section_cstart, $3  }
0xc0: {  	[dreg:$0x1] =	wrdreg $0xFFFFFFFF  }
0xc1: {  	_ =	task.clear_ibuf [dreg:s7], $0x2FFFF;
	_ =	strace $0x9FFFFFFF  }
0xc2: {  	(tm) =	ssettm $0x7FFFFFFF  }
0xc3: {  	_ =	shalt  }
tec
execute0_lowered:
.L_overlay_start_1:
0x0: {  	(tag) =	ssettag $0x1  }
0x1: {  	s2 =	rddreg [dreg:$0x0];
	s0 =	srdreg.scid  }
0x2: {  	s6 =	stileid.u32;
	s1 =	rddreg [dreg:$0x1]  }
0x3: {  	s3 =	simm.s32 $0x0;
	s13 =	simm.s32 $0x1;
	s21 =	simm.s32 $0xF210  }
0x4: {  	s22 =	simm.s32 $0xF220;
	s23 =	simm.s32 $0xF230;
	s24 =	simm.s32 $0xF240  }
0x5: {  	s25 =	simm.s32 $0xF250;
	s26 =	simm.s32 $0xF260;
	s14 =	simm.s32 $0x2  }
0x6: {  	s28 =	simm.s32 $0xF300;
	s29 =	simm.s32 $0xF310;
	[smem:$0x7FF] =	sst s3  }
0x7: {  	s30 =	simm.s32 $0xF320;
	_ =	strace $0x80000047;
	[dreg:$0x3] =	wrdreg s21  }
0x8: {  	s31 =	simm.s32 $0xF330;
	s12 =	simm.s32 $0xF360;
	[dreg:$0x4] =	wrdreg s22  }
0x9: {  	s11 =	simm.s32 $0x4;
	s5 =	sand.u32 $0x1, s0;
	[dreg:$0x5] =	wrdreg s23  }
0xa: {  	s15 =	sshll.u32 s6, $0x1;
	s6 =	sshrl.u32 s6, $0x2;
	[dreg:$0x6] =	wrdreg s24  }
0xb: {  	s4 =	sor.u32 s5, s15;
	s6 =	smul.u32 $0xC00, s6;
	[dreg:$0x7] =	wrdreg s25  }
0xc: {  	s5 =	ssub.s32 $0x2, s5;
	[dreg:$0x8] =	wrdreg s26;
	s21 =	simm.s32 $0xF2A0  }
0xd: {  	s22 =	simm.s32 $0xF2B0;
	s23 =	simm.s32 $0xF2C0;
	s24 =	simm.s32 $0xF2D0  }
0xe: {  	s25 =	simm.s32 $0xF2E0;
	s26 =	simm.s32 $0xF2F0;
	s0 =	smul.u32 $0xA0, s4  }
0xf: {  	s15 =	simm.s32 $0xF370;
	s4 =	sshll.u32 s4, $0x7;
	s8 =	sshrl.u32 s5, $0x1  }
0x10: {  	s7 =	sand.u32 $0x380, s4;
	s5 =	ssub.s32 s5, s8;
	s4 =	smin.u32 s0, $0x12E8  }
0x11: {  	s8 =	sadd.s32 $0x100, s2;
	s6 =	sor.u32 s6, s7;
	s16 =	sshrl.u32 s4, $0x3  }
0x12: {  	s20 =	smax.u32 s5, $0x1;
	v1 =	vmov s0;
	s0 =	simm.s32 $0xF350;
	s7 =	sadd.s32 s16, s1  }
0x13: {  	s5 =	simm.s32 $0x0;
	[dreg:$0xd] =	wrdreg s20;
	s17 =	sadd.s32 $0x600, s7  }
0x14: {  	s6 =	sshrl.u32 s6, $0x3;
	s18 =	sadd.s32 $0x60A, s7;
	[dreg:$0x9] =	wrdreg s17  }
0x15: {  	s1 =	sadd.s32 s6, s1;
	s19 =	sadd.s32 $0x200, s7;
	[dreg:$0xa] =	wrdreg s18  }
0x16: {  	v0 =	vlaneseq.u32;
	vm0 =	vmmov $0xffff;
	s20 =	simm.s32 $0xF290;
	s1 =	sadd.s32 $0xA00, s1;
	[dreg:$0xb] =	wrdreg s19  }
0x17: {  	vm1 =	vmmov $0xff;
	v5 =	vimm.f32 $0.0e+00;
	v3 =	vshrl.u32 v0, $0x3;
	s7 =	simm.s32 $0x80;
	[dreg:$0xc] =	wrdreg s1;
	s17 =	simm.s32 $0xF200  }
0x18: {  	v2 =	vand.u32 $0x7, v0;
	v4 =	vor.u32 $0x8, v0;
	v3 =	vmul.u32 $0x8, v3;
	s18 =	simm.s32 $0xF270;
	s19 =	simm.s32 $0xF280;
	s1 =	simm.s32 $0xF340  }
.LBB2_1:
0x19: {  	s6 =	rddreg [dreg:$0x9]  }
0x1a: {  	[tilespmem:s3], [sflag:$0x1] =	stream.linear.gather [hbm4b:s6+s3], $0x50, $0x38;
	[tilespmem:$0xF380] =	vst v63  }
0x1b: {  	s16 =	rddreg [dreg:$0xa]  }
0x1c: {  	[tilespmem:s7], [sflag:$0x2] =	stream.linear.gather [hbm4b:s16+s3], $0x50, $0x38;
	[tilespmem:$0xF380] =	vst v63  }
0x1d: {  	s9 =	rddreg [dreg:$0xb];
	s10 =	simm.s32 $0x100  }
0x1e: {  	[tilespmem:s10], [sflag:$0x3] =	stream.linear.gather [hbm4b:s9+s3], $0xA0, $0x38;
	[tilespmem:$0xF380] =	vst v63  }
0x1f: {  	_ =	swait.ge [sflag:s13], $0x50  }
0x20: {  	[sflag:s13] =	ssyncset.done $0x0  }
0x21: {  	[sflag:s13] =	ssyncadd.s32 $0xFFFFFFB0  }
0x22: {  	v6 =	vld [tilespmem:$0x0];
	_ =	sdelay $0x4  }
0x23: {  	v7 =	vshrl.u32 v6, $0x3  }
0x24: {  	v7 =	vmul.u32 $0x18, v7  }
0x25: {  	v6 =	vand.u32 $0x7, v6  }
0x26: {  	v6 =	vor.u32 v6, v7  }
0x27: {  	v7 =	vperm.xlane v6, v2;
	_ =	sdelay $0x1  }
0x28: {  	v7 =	vadd.s32 v3, v7;
	_ =	sdelay $0x1  }
0x29: {  	v6 =	vperm.xlane v6, v4;
	_ =	sdelay $0x1  }
0x2a: {  	s16 =	simm.s32 $0x200;
	v6 =	vadd.s32 v3, v6  }
0x2b: {  	[tilespmem:s16], [sflag:$0x1] =	stream.indirect_vreg.gather [hbm4b:s2+s3], $0x80, v7, vm0, $0xb8;
	[tilespmem:$0xF380] =	vst v63  }
0x2c: {  	s7 =	simm.s32 $0xA00  }
0x2d: {  	[tilespmem:s7], [sflag:$0x1] =	stream.indirect_vreg.gather [hbm4b:s8+s3], $0x80, v7, vm1, $0xb8;
	[tilespmem:$0xF380] =	vst v63  }
0x2e: {  	s9 =	simm.s32 $0xE00  }
0x2f: {  	[tilespmem:s9], [sflag:$0x1] =	stream.indirect_vreg.gather [hbm4b:s2+s3], $0x80, v6, vm0, $0xb8;
	[tilespmem:$0xF380] =	vst v63  }
0x30: {  	s10 =	simm.s32 $0x1600  }
0x31: {  	[tilespmem:s10], [sflag:$0x1] =	stream.indirect_vreg.gather [hbm4b:s8+s3], $0x80, v6, vm1, $0xb8;
	[tilespmem:$0xF380] =	vst v63  }
0x32: {  	v6 =	vld [tilespmem:$0x10];
	_ =	sdelay $0x4  }
0x33: {  	v7 =	vshrl.u32 v6, $0x3  }
0x34: {  	v7 =	vmul.u32 $0x18, v7  }
0x35: {  	v6 =	vand.u32 $0x7, v6  }
0x36: {  	v6 =	vor.u32 v6, v7  }
0x37: {  	v7 =	vperm.xlane v6, v2;
	_ =	sdelay $0x1  }
0x38: {  	v7 =	vadd.s32 v3, v7;
	_ =	sdelay $0x1  }
0x39: {  	v6 =	vperm.xlane v6, v4;
	_ =	sdelay $0x1  }
0x3a: {  	s16 =	simm.s32 $0x1A00;
	v6 =	vadd.s32 v3, v6  }
0x3b: {  	[tilespmem:s16], [sflag:$0x1] =	stream.indirect_vreg.gather [hbm4b:s2+s3], $0x80, v7, vm0, $0xb8;
	[tilespmem:$0xF380] =	vst v63  }
0x3c: {  	s7 =	simm.s32 $0x2200  }
0x3d: {  	[tilespmem:s7], [sflag:$0x1] =	stream.indirect_vreg.gather [hbm4b:s8+s3], $0x80, v7, vm1, $0xb8;
	[tilespmem:$0xF380] =	vst v63  }
0x3e: {  	s9 =	simm.s32 $0x2600  }
0x3f: {  	[tilespmem:s9], [sflag:$0x1] =	stream.indirect_vreg.gather [hbm4b:s2+s3], $0x80, v6, vm0, $0xb8;
	[tilespmem:$0xF380] =	vst v63  }
0x40: {  	s10 =	simm.s32 $0x2E00  }
0x41: {  	[tilespmem:s10], [sflag:$0x1] =	stream.indirect_vreg.gather [hbm4b:s8+s3], $0x80, v6, vm1, $0xb8;
	[tilespmem:$0xF380] =	vst v63  }
0x42: {  	v6 =	vld [tilespmem:$0x20];
	_ =	sdelay $0x4  }
0x43: {  	v7 =	vshrl.u32 v6, $0x3  }
0x44: {  	v7 =	vmul.u32 $0x18, v7  }
0x45: {  	v6 =	vand.u32 $0x7, v6  }
0x46: {  	v6 =	vor.u32 v6, v7  }
0x47: {  	v7 =	vperm.xlane v6, v2;
	_ =	sdelay $0x1  }
0x48: {  	v7 =	vadd.s32 v3, v7;
	_ =	sdelay $0x1  }
0x49: {  	v6 =	vperm.xlane v6, v4;
	_ =	sdelay $0x1  }
0x4a: {  	s16 =	simm.s32 $0x3200;
	v6 =	vadd.s32 v3, v6  }
0x4b: {  	[tilespmem:s16], [sflag:$0x1] =	stream.indirect_vreg.gather [hbm4b:s2+s3], $0x80, v7, vm0, $0xb8;
	[tilespmem:$0xF380] =	vst v63  }
0x4c: {  	s7 =	simm.s32 $0x3A00  }
0x4d: {  	[tilespmem:s7], [sflag:$0x1] =	stream.indirect_vreg.gather [hbm4b:s8+s3], $0x80, v7, vm1, $0xb8;
	[tilespmem:$0xF380] =	vst v63  }
0x4e: {  	s9 =	simm.s32 $0x3E00  }
0x4f: {  	[tilespmem:s9], [sflag:$0x1] =	stream.indirect_vreg.gather [hbm4b:s2+s3], $0x80, v6, vm0, $0xb8;
	[tilespmem:$0xF380] =	vst v63  }
0x50: {  	s10 =	simm.s32 $0x4600  }
0x51: {  	[tilespmem:s10], [sflag:$0x1] =	stream.indirect_vreg.gather [hbm4b:s8+s3], $0x80, v6, vm1, $0xb8;
	[tilespmem:$0xF380] =	vst v63  }
0x52: {  	v6 =	vld [tilespmem:$0x30];
	_ =	sdelay $0x4  }
0x53: {  	v7 =	vshrl.u32 v6, $0x3  }
0x54: {  	v7 =	vmul.u32 $0x18, v7  }
0x55: {  	v6 =	vand.u32 $0x7, v6  }
0x56: {  	v6 =	vor.u32 v6, v7  }
0x57: {  	v7 =	vperm.xlane v6, v2;
	_ =	sdelay $0x1  }
0x58: {  	v7 =	vadd.s32 v3, v7;
	_ =	sdelay $0x1  }
0x59: {  	v6 =	vperm.xlane v6, v4;
	_ =	sdelay $0x1  }
0x5a: {  	s16 =	simm.s32 $0x4A00;
	v6 =	vadd.s32 v3, v6  }
0x5b: {  	[tilespmem:s16], [sflag:$0x1] =	stream.indirect_vreg.gather [hbm4b:s2+s3], $0x80, v7, vm0, $0xb8;
	[tilespmem:$0xF380] =	vst v63  }
0x5c: {  	s7 =	simm.s32 $0x5200  }
0x5d: {  	[tilespmem:s7], [sflag:$0x1] =	stream.indirect_vreg.gather [hbm4b:s8+s3], $0x80, v7, vm1, $0xb8;
	[tilespmem:$0xF380] =	vst v63  }
0x5e: {  	s9 =	simm.s32 $0x5600  }
0x5f: {  	[tilespmem:s9], [sflag:$0x1] =	stream.indirect_vreg.gather [hbm4b:s2+s3], $0x80, v6, vm0, $0xb8;
	[tilespmem:$0xF380] =	vst v63  }
0x60: {  	s10 =	simm.s32 $0x5E00  }
0x61: {  	[tilespmem:s10], [sflag:$0x1] =	stream.indirect_vreg.gather [hbm4b:s8+s3], $0x80, v6, vm1, $0xb8;
	[tilespmem:$0xF380] =	vst v63  }
0x62: {  	v6 =	vld [tilespmem:$0x40];
	_ =	sdelay $0x4  }
0x63: {  	v7 =	vshrl.u32 v6, $0x3  }
0x64: {  	v7 =	vmul.u32 $0x18, v7  }
0x65: {  	v6 =	vand.u32 $0x7, v6  }
0x66: {  	v6 =	vor.u32 v6, v7  }
0x67: {  	v7 =	vperm.xlane v6, v2;
	_ =	sdelay $0x1  }
0x68: {  	v7 =	vadd.s32 v3, v7;
	_ =	sdelay $0x1  }
0x69: {  	v6 =	vperm.xlane v6, v4;
	_ =	sdelay $0x1  }
0x6a: {  	s16 =	simm.s32 $0x6200;
	v6 =	vadd.s32 v3, v6  }
0x6b: {  	[tilespmem:s16], [sflag:$0x1] =	stream.indirect_vreg.gather [hbm4b:s2+s3], $0x80, v7, vm0, $0xb8;
	[tilespmem:$0xF380] =	vst v63  }
0x6c: {  	s7 =	simm.s32 $0x6A00  }
0x6d: {  	[tilespmem:s7], [sflag:$0x1] =	stream.indirect_vreg.gather [hbm4b:s8+s3], $0x80, v7, vm1, $0xb8;
	[tilespmem:$0xF380] =	vst v63  }
0x6e: {  	s9 =	simm.s32 $0x6E00  }
0x6f: {  	[tilespmem:s9], [sflag:$0x1] =	stream.indirect_vreg.gather [hbm4b:s2+s3], $0x80, v6, vm0, $0xb8;
	[tilespmem:$0xF380] =	vst v63  }
0x70: {  	s10 =	simm.s32 $0x7600  }
0x71: {  	[tilespmem:s10], [sflag:$0x1] =	stream.indirect_vreg.gather [hbm4b:s8+s3], $0x80, v6, vm1, $0xb8;
	[tilespmem:$0xF380] =	vst v63  }
0x72: {  	_ =	swait.ge [sflag:s14], $0x50  }
0x73: {  	[sflag:s14] =	ssyncset.done $0x0  }
0x74: {  	[sflag:s14] =	ssyncadd.s32 $0xFFFFFFB0  }
0x75: {  	v6 =	vld [tilespmem:$0x80];
	_ =	sdelay $0x4  }
0x76: {  	v7 =	vshrl.u32 v6, $0x3  }
0x77: {  	v7 =	vmul.u32 $0x18, v7  }
0x78: {  	v6 =	vand.u32 $0x7, v6  }
0x79: {  	v6 =	vor.u32 v6, v7  }
0x7a: {  	v7 =	vperm.xlane v6, v2;
	_ =	sdelay $0x1  }
0x7b: {  	v7 =	vadd.s32 v3, v7;
	_ =	sdelay $0x1  }
0x7c: {  	v6 =	vperm.xlane v6, v4;
	_ =	sdelay $0x1  }
0x7d: {  	s16 =	simm.s32 $0x7A00;
	v6 =	vadd.s32 v3, v6  }
0x7e: {  	[tilespmem:s16], [sflag:$0x2] =	stream.indirect_vreg.gather [hbm4b:s2+s3], $0x80, v7, vm0, $0xb8;
	[tilespmem:$0xF380] =	vst v63  }
0x7f: {  	s7 =	simm.s32 $0x8200  }
0x80: {  	[tilespmem:s7], [sflag:$0x2] =	stream.indirect_vreg.gather [hbm4b:s8+s3], $0x80, v7, vm1, $0xb8;
	[tilespmem:$0xF380] =	vst v63  }
0x81: {  	s9 =	simm.s32 $0x8600  }
0x82: {  	[tilespmem:s9], [sflag:$0x2] =	stream.indirect_vreg.gather [hbm4b:s2+s3], $0x80, v6, vm0, $0xb8;
	[tilespmem:$0xF380] =	vst v63  }
0x83: {  	s10 =	simm.s32 $0x8E00  }
0x84: {  	[tilespmem:s10], [sflag:$0x2] =	stream.indirect_vreg.gather [hbm4b:s8+s3], $0x80, v6, vm1, $0xb8;
	[tilespmem:$0xF380] =	vst v63  }
0x85: {  	v6 =	vld [tilespmem:$0x90];
	_ =	sdelay $0x4  }
0x86: {  	v7 =	vshrl.u32 v6, $0x3  }
0x87: {  	v7 =	vmul.u32 $0x18, v7  }
0x88: {  	v6 =	vand.u32 $0x7, v6  }
0x89: {  	v6 =	vor.u32 v6, v7  }
0x8a: {  	v7 =	vperm.xlane v6, v2;
	_ =	sdelay $0x1  }
0x8b: {  	v7 =	vadd.s32 v3, v7;
	_ =	sdelay $0x1  }
0x8c: {  	v6 =	vperm.xlane v6, v4;
	_ =	sdelay $0x1  }
0x8d: {  	s16 =	simm.s32 $0x9200;
	v6 =	vadd.s32 v3, v6  }
0x8e: {  	[tilespmem:s16], [sflag:$0x2] =	stream.indirect_vreg.gather [hbm4b:s2+s3], $0x80, v7, vm0, $0xb8;
	[tilespmem:$0xF380] =	vst v63  }
0x8f: {  	s7 =	simm.s32 $0x9A00  }
0x90: {  	[tilespmem:s7], [sflag:$0x2] =	stream.indirect_vreg.gather [hbm4b:s8+s3], $0x80, v7, vm1, $0xb8;
	[tilespmem:$0xF380] =	vst v63  }
0x91: {  	s9 =	simm.s32 $0x9E00  }
0x92: {  	[tilespmem:s9], [sflag:$0x2] =	stream.indirect_vreg.gather [hbm4b:s2+s3], $0x80, v6, vm0, $0xb8;
	[tilespmem:$0xF380] =	vst v63  }
0x93: {  	s10 =	simm.s32 $0xA600  }
0x94: {  	[tilespmem:s10], [sflag:$0x2] =	stream.indirect_vreg.gather [hbm4b:s8+s3], $0x80, v6, vm1, $0xb8;
	[tilespmem:$0xF380] =	vst v63  }
0x95: {  	v6 =	vld [tilespmem:$0xA0];
	_ =	sdelay $0x4  }
0x96: {  	v7 =	vshrl.u32 v6, $0x3  }
0x97: {  	v7 =	vmul.u32 $0x18, v7  }
0x98: {  	v6 =	vand.u32 $0x7, v6  }
0x99: {  	v6 =	vor.u32 v6, v7  }
0x9a: {  	v7 =	vperm.xlane v6, v2;
	_ =	sdelay $0x1  }
0x9b: {  	v7 =	vadd.s32 v3, v7;
	_ =	sdelay $0x1  }
0x9c: {  	v6 =	vperm.xlane v6, v4;
	_ =	sdelay $0x1  }
0x9d: {  	s16 =	simm.s32 $0xAA00;
	v6 =	vadd.s32 v3, v6  }
0x9e: {  	[tilespmem:s16], [sflag:$0x2] =	stream.indirect_vreg.gather [hbm4b:s2+s3], $0x80, v7, vm0, $0xb8;
	[tilespmem:$0xF380] =	vst v63  }
0x9f: {  	s7 =	simm.s32 $0xB200  }
0xa0: {  	[tilespmem:s7], [sflag:$0x2] =	stream.indirect_vreg.gather [hbm4b:s8+s3], $0x80, v7, vm1, $0xb8;
	[tilespmem:$0xF380] =	vst v63  }
0xa1: {  	s9 =	simm.s32 $0xB600  }
0xa2: {  	[tilespmem:s9], [sflag:$0x2] =	stream.indirect_vreg.gather [hbm4b:s2+s3], $0x80, v6, vm0, $0xb8;
	[tilespmem:$0xF380] =	vst v63  }
0xa3: {  	s10 =	simm.s32 $0xBE00  }
0xa4: {  	[tilespmem:s10], [sflag:$0x2] =	stream.indirect_vreg.gather [hbm4b:s8+s3], $0x80, v6, vm1, $0xb8;
	[tilespmem:$0xF380] =	vst v63  }
0xa5: {  	v6 =	vld [tilespmem:$0xB0];
	_ =	sdelay $0x4  }
0xa6: {  	v7 =	vshrl.u32 v6, $0x3  }
0xa7: {  	v7 =	vmul.u32 $0x18, v7  }
0xa8: {  	v6 =	vand.u32 $0x7, v6  }
0xa9: {  	v6 =	vor.u32 v6, v7  }
0xaa: {  	v7 =	vperm.xlane v6, v2;
	_ =	sdelay $0x1  }
0xab: {  	v7 =	vadd.s32 v3, v7;
	_ =	sdelay $0x1  }
0xac: {  	v6 =	vperm.xlane v6, v4;
	_ =	sdelay $0x1  }
0xad: {  	s16 =	simm.s32 $0xC200;
	v6 =	vadd.s32 v3, v6  }
0xae: {  	[tilespmem:s16], [sflag:$0x2] =	stream.indirect_vreg.gather [hbm4b:s2+s3], $0x80, v7, vm0, $0xb8;
	[tilespmem:$0xF380] =	vst v63  }
0xaf: {  	s7 =	simm.s32 $0xCA00  }
0xb0: {  	[tilespmem:s7], [sflag:$0x2] =	stream.indirect_vreg.gather [hbm4b:s8+s3], $0x80, v7, vm1, $0xb8;
	[tilespmem:$0xF380] =	vst v63  }
0xb1: {  	s9 =	simm.s32 $0xCE00  }
0xb2: {  	[tilespmem:s9], [sflag:$0x2] =	stream.indirect_vreg.gather [hbm4b:s2+s3], $0x80, v6, vm0, $0xb8;
	[tilespmem:$0xF380] =	vst v63  }
0xb3: {  	s10 =	simm.s32 $0xD600  }
0xb4: {  	[tilespmem:s10], [sflag:$0x2] =	stream.indirect_vreg.gather [hbm4b:s8+s3], $0x80, v6, vm1, $0xb8;
	[tilespmem:$0xF380] =	vst v63  }
0xb5: {  	v6 =	vld [tilespmem:$0xC0];
	_ =	sdelay $0x4  }
0xb6: {  	v7 =	vshrl.u32 v6, $0x3  }
0xb7: {  	v7 =	vmul.u32 $0x18, v7  }
0xb8: {  	v6 =	vand.u32 $0x7, v6  }
0xb9: {  	v6 =	vor.u32 v6, v7  }
0xba: {  	v7 =	vperm.xlane v6, v2;
	_ =	sdelay $0x1  }
0xbb: {  	v7 =	vadd.s32 v3, v7;
	_ =	sdelay $0x1  }
0xbc: {  	v6 =	vperm.xlane v6, v4;
	_ =	sdelay $0x1  }
0xbd: {  	s16 =	simm.s32 $0xDA00;
	v6 =	vadd.s32 v3, v6  }
0xbe: {  	[tilespmem:s16], [sflag:$0x2] =	stream.indirect_vreg.gather [hbm4b:s2+s3], $0x80, v7, vm0, $0xb8;
	[tilespmem:$0xF380] =	vst v63  }
0xbf: {  	s7 =	simm.s32 $0xE200  }
0xc0: {  	[tilespmem:s7], [sflag:$0x2] =	stream.indirect_vreg.gather [hbm4b:s8+s3], $0x80, v7, vm1, $0xb8;
	[tilespmem:$0xF380] =	vst v63  }
0xc1: {  	s9 =	simm.s32 $0xE600  }
0xc2: {  	[tilespmem:s9], [sflag:$0x2] =	stream.indirect_vreg.gather [hbm4b:s2+s3], $0x80, v6, vm0, $0xb8;
	[tilespmem:$0xF380] =	vst v63  }
0xc3: {  	s10 =	simm.s32 $0xEE00  }
0xc4: {  	[tilespmem:s10], [sflag:$0x2] =	stream.indirect_vreg.gather [hbm4b:s8+s3], $0x80, v6, vm1, $0xb8;
	[tilespmem:$0xF380] =	vst v63  }
0xc5: {  	[tilespmem:$0xF200] =	vst v5  }
0xc6: {  	[tilespmem:$0xF210] =	vst v5  }
0xc7: {  	[tilespmem:$0xF220] =	vst v5  }
0xc8: {  	[tilespmem:$0xF230] =	vst v5  }
0xc9: {  	[tilespmem:$0xF240] =	vst v5  }
0xca: {  	[tilespmem:$0xF250] =	vst v5  }
0xcb: {  	[tilespmem:$0xF260] =	vst v5  }
0xcc: {  	[tilespmem:$0xF270] =	vst v5  }
0xcd: {  	[tilespmem:$0xF280] =	vst v5  }
0xce: {  	[tilespmem:$0xF290] =	vst v5  }
0xcf: {  	[tilespmem:$0xF2A0] =	vst v5  }
0xd0: {  	[tilespmem:$0xF2B0] =	vst v5  }
0xd1: {  	[tilespmem:$0xF2C0] =	vst v5  }
0xd2: {  	[tilespmem:$0xF2D0] =	vst v5  }
0xd3: {  	[tilespmem:$0xF2E0] =	vst v5  }
0xd4: {  	[tilespmem:$0xF2F0] =	vst v5  }
0xd5: {  	[tilespmem:$0xF300] =	vst v5  }
0xd6: {  	[tilespmem:$0xF310] =	vst v5  }
0xd7: {  	[tilespmem:$0xF320] =	vst v5  }
0xd8: {  	[tilespmem:$0xF330] =	vst v5  }
0xd9: {  	[tilespmem:$0xF340] =	vst v5  }
0xda: {  	[tilespmem:$0xF350] =	vst v5  }
0xdb: {  	[tilespmem:$0xF360] =	vst v5  }
0xdc: {  	s16 =	simm.s32 $0x3;
	[tilespmem:$0xF370] =	vst v5  }
0xdd: {  	_ =	swait.ge [sflag:s16], $0xA0  }
0xde: {  	[sflag:s16] =	ssyncset.done $0x0  }
0xdf: {  	[sflag:s16] =	ssyncadd.s32 $0xFFFFFF60  }
0xe0: {  	_ =	swait.ge [sflag:s13], $0x7800  }
0xe1: {  	[sflag:s13] =	ssyncset.done $0x0  }
0xe2: {  	[sflag:s13] =	ssyncadd.s32 $0xFFFF8800  }
0xe3: {  	_ =	swait.ge [sflag:s14], $0x7800  }
0xe4: {  	[sflag:s14] =	ssyncset.done $0x0  }
0xe5: {  	s6 =	simm.s32 $0x800;
	s7 =	simm.s32 $0x0;
	[sflag:s14] =	ssyncadd.s32 $0xFFFF8800  }
.LBB2_2:
0xe6: {  	v7 =	vld [tilespmem:s6+$0xFFFFFA00]  }
0xe7: {  	v9 =	vld [tilespmem:s6+$0xFFFFFA10]  }
0xe8: {  	v10 =	vld [tilespmem:s6+$0xFFFFFA20]  }
0xe9: {  	v11 =	vld [tilespmem:s6+$0xFFFFFA30]  }
0xea: {  	v13 =	vld [tilespmem:s6+$0xFFFFFA40]  }
0xeb: {  	v14 =	vld [tilespmem:s6+$0xFFFFFA50]  }
0xec: {  	v15 =	vld [tilespmem:s6+$0xFFFFFA60]  }
0xed: {  	v16 =	vld [tilespmem:s6+$0xFFFFFA70]  }
0xee: {  	v17 =	vld [tilespmem:s6+$0xFFFFFA80]  }
0xef: {  	v18 =	vld [tilespmem:s6+$0xFFFFFA90]  }
0xf0: {  	v19 =	vld [tilespmem:s6+$0xFFFFFAA0]  }
0xf1: {  	v20 =	vld [tilespmem:s6+$0xFFFFFAB0]  }
0xf2: {  	v21 =	vld [tilespmem:s6+$0xFFFFFAC0]  }
0xf3: {  	v22 =	vld [tilespmem:s6+$0xFFFFFAD0]  }
0xf4: {  	v23 =	vld [tilespmem:s6+$0xFFFFFAE0]  }
0xf5: {  	v24 =	vld [tilespmem:s6+$0xFFFFFAF0]  }
0xf6: {  	s9 =	sand.u32 $0xF0, s7;
	v25 =	vld [tilespmem:s6+$0xFFFFFB00]  }
0xf7: {  	v6 =	vld [tilespmem:s9+$0x100]  }
0xf8: {  	v26 =	vld [tilespmem:s6+$0xFFFFFB10]  }
0xf9: {  	v27 =	vld [tilespmem:s6+$0xFFFFFB20];
	s9 =	sadd.s32 s4, s9  }
0xfa: {  	v28 =	vld [tilespmem:s6+$0xFFFFFB30];
	v8 =	vadd.s32 s9, v0  }
0xfb: {  	v29 =	vld [tilespmem:s6+$0xFFFFFB40];
	s9 =	sand.u32 $0x8, s7;
	vm2 =	vlt.u32 v8, v1  }
0xfc: {  	v30 =	vld [tilespmem:s6+$0xFFFFFB50];
	v12 =	vsel vm2, $0x0, v6;
	v6 =	vmov s9  }
0xfd: {  	v31 =	vld [tilespmem:s6+$0xFFFFFB60];
	s10 =	sor.u32 $0x1, s9;
	v8 =	vperm.xlane v12, v6  }
0xfe: {  	v32 =	vld [tilespmem:s6+$0xFFFFFB70];
	v6 =	vmov s10  }
0xff: {  	v33 =	vld [tilespmem:s6+$0xFFFFFB80];
	v6 =	vperm.xlane v12, v6;
	v7 =	vmul.f32 v7, v8  }
0x100: {  	v34 =	vld [tilespmem:s6+$0xFFFFFB90];
	v9 =	vmul.f32 v9, v8;
	v10 =	vmul.f32 v10, v8  }
0x101: {  	v35 =	vld [tilespmem:s6+$0xFFFFFBA0];
	v11 =	vmul.f32 v11, v8;
	v13 =	vmul.f32 v13, v8  }
0x102: {  	v36 =	vld [tilespmem:s6+$0xFFFFFBB0];
	s16 =	sor.u32 $0x2, s9;
	v14 =	vmul.f32 v14, v8;
	v15 =	vmul.f32 v15, v8  }
0x103: {  	v37 =	vld [tilespmem:s6+$0xFFFFFBC0];
	v53 =	vmov s16;
	s16 =	sor.u32 $0x3, s9;
	v16 =	vmul.f32 v16, v8;
	v17 =	vmul.f32 v17, v6  }
0x104: {  	v58 =	vld [tilespmem:s6+$0xFFFFFC10];
	v63 =	vmov s16;
	v18 =	vmul.f32 v18, v6;
	v19 =	vmul.f32 v19, v6  }
0x105: {  	v38 =	vld [tilespmem:s6+$0xFFFFFC40];
	v52 =	vmul.f32 v21, v6;
	v17 =	vadd.f32 v17, v7;
	v7 =	vmul.f32 v20, v6  }
0x106: {  	v40 =	vld [tilespmem:s6+$0xFFFFFC50];
	v22 =	vmul.f32 v22, v6;
	v54 =	vmul.f32 v23, v6;
	v9 =	vadd.f32 v18, v9  }
0x107: {  	v43 =	vld [tilespmem:s6+$0xFFFFFC60];
	v10 =	vadd.f32 v19, v10;
	v11 =	vadd.f32 v7, v11;
	v7 =	vperm.xlane v12, v53  }
0x108: {  	v46 =	vld [tilespmem:s6+$0xFFFFFC70];
	v55 =	vmul.f32 v24, v6;
	v13 =	vadd.f32 v52, v13;
	v14 =	vadd.f32 v22, v14  }
0x109: {  	v48 =	vld [tilespmem:s6+$0xFFFFFC80];
	v15 =	vadd.f32 v54, v15;
	v56 =	vmul.f32 v25, v7;
	v57 =	vmul.f32 v26, v7  }
0x10a: {  	v50 =	vld [tilespmem:s6+$0xFFFFFC90];
	s16 =	sor.u32 $0x4, s9;
	v16 =	vadd.f32 v55, v16;
	v59 =	vmul.f32 v27, v7;
	v61 =	vmul.f32 v28, v7  }
0x10b: {  	v21 =	vld [tilespmem:s6+$0xFFFFFBE0];
	v52 =	vmov s16;
	v62 =	vmul.f32 v29, v7;
	v39 =	vmul.f32 v30, v7  }
0x10c: {  	v18 =	vld [tilespmem:s6+$0xFFFFFBD0];
	v41 =	vmul.f32 v31, v7;
	v60 =	vadd.f32 v57, v9;
	v9 =	vperm.xlane v12, v63  }
0x10d: {  	v24 =	vld [tilespmem:s6+$0xFFFFFC00];
	v42 =	vmul.f32 v32, v7;
	v17 =	vadd.f32 v56, v17;
	v10 =	vadd.f32 v59, v10  }
0x10e: {  	v20 =	vld [tilespmem:s6+$0xFFFFFBF0];
	v11 =	vadd.f32 v61, v11;
	v13 =	vadd.f32 v62, v13;
	v44 =	vmul.f32 v33, v9  }
0x10f: {  	v23 =	vld [tilespmem:s6+$0xFFFFFC20];
	v14 =	vadd.f32 v39, v14;
	v45 =	vmul.f32 v34, v9;
	v47 =	vmul.f32 v35, v9  }
0x110: {  	v54 =	vld [tilespmem:s6+$0xFFFFFCB0];
	v15 =	vadd.f32 v41, v15;
	v49 =	vmul.f32 v36, v9;
	v51 =	vmul.f32 v37, v9  }
0x111: {  	v25 =	vld [tilespmem:s6+$0xFFFFFC30];
	v16 =	vadd.f32 v42, v16;
	v18 =	vmul.f32 v18, v9;
	v55 =	vmul.f32 v21, v9  }
0x112: {  	v53 =	vld [tilespmem:s6+$0xFFFFFCA0];
	v17 =	vadd.f32 v44, v17;
	v19 =	vadd.f32 v47, v10;
	v10 =	vperm.xlane v12, v52  }
0x113: {  	v56 =	vld [tilespmem:s6+$0xFFFFFCC0];
	v20 =	vmul.f32 v20, v9;
	v22 =	vadd.f32 v45, v60;
	v11 =	vadd.f32 v49, v11  }
0x114: {  	v59 =	vld [tilespmem:s6+$0xFFFFFCD0];
	v34 =	vadd.f32 v51, v13;
	v14 =	vadd.f32 v18, v14;
	v57 =	vmul.f32 v24, v10  }
0x115: {  	v61 =	vld [tilespmem:s6+$0xFFFFFCE0];
	v15 =	vadd.f32 v55, v15;
	v58 =	vmul.f32 v58, v10;
	v60 =	vmul.f32 v23, v10  }
0x116: {  	s16 =	sor.u32 $0x5, s9;
	v39 =	vld [tilespmem:s6+$0xFFFFFD00];
	v16 =	vadd.f32 v20, v16;
	v63 =	vmul.f32 v25, v10;
	v37 =	vmul.f32 v38, v10  }
0x117: {  	v41 =	vld [tilespmem:s6+$0xFFFFFD10];
	v38 =	vmov s16;
	v40 =	vmul.f32 v40, v10;
	v42 =	vmul.f32 v43, v10  }
0x118: {  	v36 =	vld [tilespmem:s6+$0xFFFFFCF0];
	v13 =	vperm.xlane v12, v38;
	v17 =	vadd.f32 v57, v17;
	v62 =	vadd.f32 v58, v22  }
0x119: {  	v33 =	vld [tilespmem:s6+$0xFFFFFDC0];
	v43 =	vmul.f32 v46, v10;
	v19 =	vadd.f32 v60, v19;
	v11 =	vadd.f32 v63, v11  }
0x11a: {  	v44 =	vld [tilespmem:s6+$0xFFFFFD20];
	v24 =	vadd.f32 v37, v34;
	v14 =	vadd.f32 v40, v14;
	v45 =	vmul.f32 v48, v13  }
0x11b: {  	v47 =	vld [tilespmem:s6+$0xFFFFFD30];
	v15 =	vadd.f32 v42, v15;
	v46 =	vmul.f32 v50, v13;
	v48 =	vmul.f32 v53, v13  }
0x11c: {  	v49 =	vld [tilespmem:s6+$0xFFFFFD40];
	s16 =	sor.u32 $0x6, s9;
	v16 =	vadd.f32 v43, v16;
	v51 =	vmul.f32 v54, v13;
	v21 =	vmul.f32 v56, v13  }
0x11d: {  	v55 =	vld [tilespmem:s6+$0xFFFFFD80];
	s9 =	sor.u32 $0x7, s9;
	v26 =	vmul.f32 v59, v13;
	v20 =	vmul.f32 v61, v13;
	v53 =	vmov s16  }
0x11e: {  	v57 =	vld [tilespmem:s6+$0xFFFFFD90];
	v56 =	vmul.f32 v36, v13;
	v59 =	vmov s9;
	v17 =	vadd.f32 v45, v17  }
0x11f: {  	v60 =	vld [tilespmem:s6+$0xFFFFFDA0];
	v18 =	vadd.f32 v46, v62;
	v28 =	vadd.f32 v51, v11;
	v11 =	vperm.xlane v12, v53  }
0x120: {  	v52 =	vld [tilespmem:s6+$0xFFFFFD60];
	v19 =	vadd.f32 v48, v19;
	v21 =	vadd.f32 v21, v24;
	v12 =	vperm.xlane v12, v59  }
0x121: {  	v50 =	vld [tilespmem:s6+$0xFFFFFD50];
	v14 =	vadd.f32 v26, v14;
	v25 =	vmul.f32 v39, v11;
	v58 =	vmul.f32 v41, v11  }
0x122: {  	v15 =	vadd.f32 v20, v15;
	v62 =	vld [tilespmem:s6+$0xFFFFFDB0];
	v61 =	vmul.f32 v44, v11;
	v63 =	vmul.f32 v47, v11  }
0x123: {  	v54 =	vld [tilespmem:s6+$0xFFFFFD70];
	v16 =	vadd.f32 v56, v16;
	v35 =	vmul.f32 v49, v11;
	v24 =	vmul.f32 v55, v12  }
0x124: {  	v36 =	vld [tilespmem:s6+$0xFFFFFDD0];
	v23 =	vmul.f32 v57, v12;
	v38 =	vmul.f32 v60, v12;
	v17 =	vadd.f32 v25, v17  }
0x125: {  	v37 =	vld [tilespmem:s6+$0xFFFFFDE0];
	v41 =	vmul.f32 v52, v11;
	v42 =	vmul.f32 v33, v12;
	v18 =	vadd.f32 v58, v18  }
0x126: {  	v39 =	vld [tilespmem:s6+$0xFFFFFDF0];
	v22 =	vmul.f32 v50, v11;
	v19 =	vadd.f32 v61, v19;
	v17 =	vadd.f32 v24, v17  }
0x127: {  	v25 =	vadd.f32 v63, v28;
	v40 =	vmul.f32 v62, v12;
	v18 =	vadd.f32 v23, v18  }
0x128: {  	s9 =	rddreg [dreg:$0x3];
	v43 =	vmul.f32 v54, v11;
	v20 =	vadd.f32 v35, v21;
	v19 =	vadd.f32 v38, v19;
	[tilespmem:s17+$0x0] =	vst.add.f32.msk $0xffff, v17  }
0x129: {  	s10 =	rddreg [dreg:$0x4];
	v44 =	vmul.f32 v36, v12;
	v14 =	vadd.f32 v22, v14;
	v22 =	vadd.f32 v40, v25;
	[tilespmem:s9+$0x0] =	vst.add.f32.msk $0xffff, v18  }
0x12a: {  	s16 =	rddreg [dreg:$0x5];
	v46 =	vmul.f32 v37, v12;
	v15 =	vadd.f32 v41, v15;
	v45 =	vadd.f32 v42, v20;
	[tilespmem:s10+$0x0] =	vst.add.f32.msk $0xffff, v19  }
0x12b: {  	v16 =	vadd.f32 v43, v16;
	v14 =	vadd.f32 v44, v14;
	v47 =	vmul.f32 v39, v12;
	s9 =	rddreg [dreg:$0x6];
	[tilespmem:s16+$0x0] =	vst.add.f32.msk $0xffff, v22  }
0x12c: {  	v15 =	vadd.f32 v46, v15;
	s10 =	rddreg [dreg:$0x7];
	[tilespmem:s9+$0x0] =	vst.add.f32.msk $0xffff, v45  }
0x12d: {  	v16 =	vadd.f32 v47, v16;
	s16 =	rddreg [dreg:$0x8];
	[tilespmem:s10+$0x0] =	vst.add.f32.msk $0xffff, v14  }
0x12e: {  	[tilespmem:s16+$0x0] =	vst.add.f32.msk $0xffff, v15  }
0x12f: {  	[tilespmem:s18+$0x0] =	vst.add.f32.msk $0xffff, v16  }
0x130: {  	v14 =	vld [tilespmem:s6+$0xFFFFFE00]  }
0x131: {  	v15 =	vld [tilespmem:s6+$0xFFFFFE10]  }
0x132: {  	v16 =	vld [tilespmem:s6+$0xFFFFFE20]  }
0x133: {  	v48 =	vld [tilespmem:s6+$0xFFFFFE30]  }
0x134: {  	v18 =	vld [tilespmem:s6+$0xFFFFFE40]  }
0x135: {  	v19 =	vld [tilespmem:s6+$0xFFFFFE50]  }
0x136: {  	v20 =	vld [tilespmem:s6+$0xFFFFFE60]  }
0x137: {  	v21 =	vld [tilespmem:s6+$0xFFFFFE70]  }
0x138: {  	v22 =	vld [tilespmem:s6+$0xFFFFFE80]  }
0x139: {  	v49 =	vld [tilespmem:s6+$0xFFFFFE90]  }
0x13a: {  	v50 =	vld [tilespmem:s6+$0xFFFFFEA0]  }
0x13b: {  	v51 =	vld [tilespmem:s6+$0xFFFFFEB0]  }
0x13c: {  	v52 =	vld [tilespmem:s6+$0xFFFFFEC0]  }
0x13d: {  	v53 =	vld [tilespmem:s6+$0xFFFFFED0]  }
0x13e: {  	v54 =	vld [tilespmem:s6+$0xFFFFFEE0]  }
0x13f: {  	v55 =	vld [tilespmem:s6+$0xFFFFFEF0]  }
0x140: {  	v56 =	vld [tilespmem:s6+$0xFFFFFF00]  }
0x141: {  	v57 =	vld [tilespmem:s6+$0xFFFFFF10]  }
0x142: {  	v58 =	vld [tilespmem:s6+$0xFFFFFF20]  }
0x143: {  	v59 =	vld [tilespmem:s6+$0xFFFFFF30]  }
0x144: {  	v60 =	vld [tilespmem:s6+$0xFFFFFF40]  }
0x145: {  	v61 =	vld [tilespmem:s6+$0xFFFFFF50]  }
0x146: {  	v62 =	vld [tilespmem:s6+$0xFFFFFF60]  }
0x147: {  	v63 =	vld [tilespmem:s6+$0xFFFFFF70]  }
0x148: {  	v38 =	vld [tilespmem:s6+$0xFFFFFF80]  }
0x149: {  	v39 =	vld [tilespmem:s6+$0xFFFFFF90];
	v14 =	vmul.f32 v14, v8;
	v15 =	vmul.f32 v15, v8  }
0x14a: {  	v40 =	vld [tilespmem:s6+$0xFFFFFFA0];
	v16 =	vmul.f32 v16, v8;
	v17 =	vmul.f32 v48, v8  }
0x14b: {  	v41 =	vld [tilespmem:s6+$0xFFFFFFB0];
	v22 =	vmul.f32 v22, v6;
	v18 =	vmul.f32 v18, v8  }
0x14c: {  	v42 =	vld [tilespmem:s6+$0xFFFFFFC0];
	v23 =	vmul.f32 v49, v6;
	v19 =	vmul.f32 v19, v8  }
0x14d: {  	v43 =	vld [tilespmem:s6+$0xFFFFFFD0];
	v48 =	vmul.f32 v50, v6;
	v20 =	vmul.f32 v20, v8  }
0x14e: {  	v44 =	vld [tilespmem:s6+$0xFFFFFFE0];
	v49 =	vmul.f32 v51, v6;
	v50 =	vmul.f32 v52, v6  }
0x14f: {  	v45 =	vld [tilespmem:s6+$0xFFFFFFF0];
	v51 =	vmul.f32 v53, v6;
	v21 =	vmul.f32 v21, v8  }
0x150: {  	v24 =	vld [tilespmem:s6+$0x0];
	v52 =	vmul.f32 v54, v6;
	v53 =	vmul.f32 v55, v6  }
0x151: {  	v25 =	vld [tilespmem:s6+$0x10];
	v54 =	vmul.f32 v56, v7;
	v55 =	vmul.f32 v57, v7  }
0x152: {  	v29 =	vld [tilespmem:s6+$0x70];
	v56 =	vmul.f32 v58, v7;
	v57 =	vmul.f32 v59, v7  }
0x153: {  	v31 =	vld [tilespmem:s6+$0x80];
	v58 =	vmul.f32 v60, v7;
	v59 =	vmul.f32 v61, v7  }
0x154: {  	v34 =	vld [tilespmem:s6+$0x90];
	v60 =	vmul.f32 v62, v7;
	v61 =	vmul.f32 v63, v7  }
0x155: {  	v27 =	vld [tilespmem:s6+$0x20];
	v62 =	vmul.f32 v38, v9;
	v63 =	vmul.f32 v39, v9  }
0x156: {  	v28 =	vld [tilespmem:s6+$0x30];
	v40 =	vmul.f32 v40, v9;
	v46 =	vmul.f32 v41, v9  }
0x157: {  	v26 =	vld [tilespmem:s6+$0x40];
	v47 =	vmul.f32 v42, v9;
	v37 =	vmul.f32 v29, v10;
	v14 =	vadd.f32 v22, v14  }
0x158: {  	v36 =	vld [tilespmem:s6+$0xA0];
	v41 =	vmul.f32 v31, v13;
	v15 =	vadd.f32 v23, v15;
	v16 =	vadd.f32 v48, v16  }
0x159: {  	v33 =	vld [tilespmem:s6+$0xB0];
	v42 =	vmul.f32 v34, v13;
	v17 =	vadd.f32 v49, v17;
	v18 =	vadd.f32 v50, v18  }
0x15a: {  	v30 =	vld [tilespmem:s6+$0x50];
	v19 =	vadd.f32 v51, v19;
	v20 =	vadd.f32 v52, v20;
	v48 =	vmul.f32 v43, v9  }
0x15b: {  	v32 =	vld [tilespmem:s6+$0x60];
	v21 =	vadd.f32 v53, v21;
	v49 =	vmul.f32 v44, v9;
	v50 =	vmul.f32 v45, v9  }
0x15c: {  	v35 =	vld [tilespmem:s6+$0xC0];
	v52 =	vmul.f32 v24, v10;
	v14 =	vadd.f32 v54, v14;
	v15 =	vadd.f32 v55, v15  }
0x15d: {  	v38 =	vld [tilespmem:s6+$0xD0];
	v44 =	vmul.f32 v36, v13;
	v16 =	vadd.f32 v56, v16;
	v17 =	vadd.f32 v57, v17  }
0x15e: {  	v39 =	vld [tilespmem:s6+$0x140];
	v45 =	vmul.f32 v33, v13;
	v18 =	vadd.f32 v58, v18;
	v19 =	vadd.f32 v59, v19  }
0x15f: {  	v51 =	vld [tilespmem:s6+$0xE0];
	v20 =	vadd.f32 v60, v20;
	v21 =	vadd.f32 v61, v21;
	v54 =	vmul.f32 v25, v10  }
0x160: {  	v53 =	vld [tilespmem:s6+$0xF0];
	v56 =	vmul.f32 v27, v10;
	v14 =	vadd.f32 v62, v14;
	v15 =	vadd.f32 v63, v15  }
0x161: {  	v43 =	vld [tilespmem:s6+$0x150];
	v57 =	vmul.f32 v28, v10;
	v16 =	vadd.f32 v40, v16;
	v17 =	vadd.f32 v46, v17  }
0x162: {  	v55 =	vld [tilespmem:s6+$0x100];
	v59 =	vmul.f32 v26, v10;
	v18 =	vadd.f32 v47, v18;
	v19 =	vadd.f32 v48, v19  }
0x163: {  	v58 =	vld [tilespmem:s6+$0x110];
	v60 =	vmul.f32 v30, v10;
	v20 =	vadd.f32 v49, v20;
	v21 =	vadd.f32 v50, v21  }
0x164: {  	v61 =	vld [tilespmem:s6+$0x120];
	v62 =	vmul.f32 v32, v10;
	v47 =	vmul.f32 v35, v13;
	v14 =	vadd.f32 v52, v14  }
0x165: {  	v63 =	vld [tilespmem:s6+$0x130];
	v49 =	vmul.f32 v38, v13;
	v15 =	vadd.f32 v54, v15;
	v16 =	vadd.f32 v56, v16  }
0x166: {  	v46 =	vld [tilespmem:s6+$0x160];
	v51 =	vmul.f32 v51, v13;
	v17 =	vadd.f32 v57, v17;
	v18 =	vadd.f32 v59, v18  }
0x167: {  	v50 =	vld [tilespmem:s6+$0x180];
	v24 =	vmul.f32 v53, v13;
	v19 =	vadd.f32 v60, v19;
	v20 =	vadd.f32 v62, v20  }
0x168: {  	v48 =	vld [tilespmem:s6+$0x170];
	v21 =	vadd.f32 v37, v21;
	v60 =	vmul.f32 v39, v11;
	v14 =	vadd.f32 v41, v14  }
0x169: {  	v52 =	vld [tilespmem:s6+$0x190];
	v53 =	vmul.f32 v55, v11;
	v15 =	vadd.f32 v42, v15;
	v16 =	vadd.f32 v44, v16  }
0x16a: {  	v54 =	vmul.f32 v58, v11;
	v55 =	vld [tilespmem:s6+$0x1A0];
	v17 =	vadd.f32 v45, v17;
	v18 =	vadd.f32 v47, v18  }
0x16b: {  	v57 =	vld [tilespmem:s6+$0x1B0];
	v56 =	vmul.f32 v61, v11;
	v19 =	vadd.f32 v49, v19;
	v20 =	vadd.f32 v51, v20  }
0x16c: {  	v59 =	vld [tilespmem:s6+$0x1C0];
	v21 =	vadd.f32 v24, v21;
	v58 =	vmul.f32 v63, v11;
	v61 =	vmul.f32 v50, v12  }
0x16d: {  	v62 =	vld [tilespmem:s6+$0x1D0];
	v63 =	vmul.f32 v43, v11;
	v39 =	vmul.f32 v46, v11;
	v14 =	vadd.f32 v53, v14  }
0x16e: {  	v35 =	vld [tilespmem:s6+$0x1E0];
	v41 =	vmul.f32 v48, v11;
	v15 =	vadd.f32 v54, v15;
	v34 =	vmul.f32 v52, v12  }
0x16f: {  	v37 =	vld [tilespmem:s6+$0x1F0];
	v16 =	vadd.f32 v56, v16;
	v14 =	vadd.f32 v61, v14;
	v36 =	vmul.f32 v55, v12  }
0x170: {  	v17 =	vadd.f32 v58, v17;
	v38 =	vmul.f32 v57, v12;
	v15 =	vadd.f32 v34, v15  }
0x171: {  	v18 =	vadd.f32 v60, v18;
	v40 =	vmul.f32 v59, v12;
	v16 =	vadd.f32 v36, v16;
	[tilespmem:s19+$0x0] =	vst.add.f32.msk $0xffff, v14  }
0x172: {  	v19 =	vadd.f32 v63, v19;
	v42 =	vmul.f32 v62, v12;
	v17 =	vadd.f32 v38, v17;
	[tilespmem:s20+$0x0] =	vst.add.f32.msk $0xffff, v15  }
0x173: {  	v44 =	vmul.f32 v35, v12;
	v43 =	vadd.f32 v39, v20;
	v18 =	vadd.f32 v40, v18;
	[tilespmem:s21+$0x0] =	vst.add.f32.msk $0xffff, v16  }
0x174: {  	v46 =	vmul.f32 v37, v12;
	v45 =	vadd.f32 v42, v19;
	v14 =	vadd.f32 v41, v21;
	[tilespmem:s22+$0x0] =	vst.add.f32.msk $0xffff, v17  }
0x175: {  	v15 =	vadd.f32 v44, v43;
	[tilespmem:s23+$0x0] =	vst.add.f32.msk $0xffff, v18  }
0x176: {  	v14 =	vadd.f32 v46, v14;
	[tilespmem:s24+$0x0] =	vst.add.f32.msk $0xffff, v45  }
0x177: {  	[tilespmem:s25+$0x0] =	vst.add.f32.msk $0xffff, v15  }
0x178: {  	[tilespmem:s26+$0x0] =	vst.add.f32.msk $0xffff, v14  }
0x179: {  	v14 =	vld [tilespmem:s6+$0x200]  }
0x17a: {  	v15 =	vld [tilespmem:s6+$0x210]  }
0x17b: {  	v16 =	vld [tilespmem:s6+$0x220]  }
0x17c: {  	v17 =	vld [tilespmem:s6+$0x230]  }
0x17d: {  	v18 =	vld [tilespmem:s6+$0x240]  }
0x17e: {  	v47 =	vld [tilespmem:s6+$0x250]  }
0x17f: {  	v20 =	vld [tilespmem:s6+$0x260]  }
0x180: {  	v21 =	vld [tilespmem:s6+$0x270]  }
0x181: {  	v22 =	vld [tilespmem:s6+$0x280]  }
0x182: {  	v63 =	vld [tilespmem:s6+$0x290]  }
0x183: {  	v24 =	vld [tilespmem:s6+$0x2A0]  }
0x184: {  	v48 =	vld [tilespmem:s6+$0x2B0]  }
0x185: {  	v49 =	vld [tilespmem:s6+$0x2C0]  }
0x186: {  	v50 =	vld [tilespmem:s6+$0x2D0]  }
0x187: {  	v51 =	vld [tilespmem:s6+$0x2E0]  }
0x188: {  	v52 =	vld [tilespmem:s6+$0x2F0]  }
0x189: {  	v53 =	vld [tilespmem:s6+$0x300]  }
0x18a: {  	v54 =	vld [tilespmem:s6+$0x310]  }
0x18b: {  	v55 =	vld [tilespmem:s6+$0x320]  }
0x18c: {  	v56 =	vld [tilespmem:s6+$0x330]  }
0x18d: {  	v57 =	vld [tilespmem:s6+$0x340]  }
0x18e: {  	v58 =	vld [tilespmem:s6+$0x350]  }
0x18f: {  	v59 =	vld [tilespmem:s6+$0x360]  }
0x190: {  	v60 =	vld [tilespmem:s6+$0x370]  }
0x191: {  	v61 =	vld [tilespmem:s6+$0x380]  }
0x192: {  	v62 =	vld [tilespmem:s6+$0x390];
	v14 =	vmul.f32 v14, v8  }
0x193: {  	v40 =	vld [tilespmem:s6+$0x3A0];
	v15 =	vmul.f32 v15, v8;
	v16 =	vmul.f32 v16, v8  }
0x194: {  	v41 =	vld [tilespmem:s6+$0x3B0];
	v17 =	vmul.f32 v17, v8;
	v18 =	vmul.f32 v18, v8  }
0x195: {  	v42 =	vld [tilespmem:s6+$0x3C0];
	v19 =	vmul.f32 v47, v8;
	v20 =	vmul.f32 v20, v8  }
0x196: {  	v43 =	vld [tilespmem:s6+$0x3D0];
	v22 =	vmul.f32 v22, v6;
	v8 =	vmul.f32 v21, v8  }
0x197: {  	v44 =	vld [tilespmem:s6+$0x3E0];
	v63 =	vmul.f32 v63, v6;
	v46 =	vmul.f32 v24, v6  }
0x198: {  	v45 =	vld [tilespmem:s6+$0x3F0];
	v47 =	vmul.f32 v48, v6;
	v48 =	vmul.f32 v49, v6  }
0x199: {  	v23 =	vld [tilespmem:s6+$0x400];
	v49 =	vmul.f32 v50, v6;
	v50 =	vmul.f32 v51, v6  }
0x19a: {  	v25 =	vld [tilespmem:s6+$0x410];
	v6 =	vmul.f32 v52, v6;
	v51 =	vmul.f32 v53, v7  }
0x19b: {  	v27 =	vld [tilespmem:s6+$0x420];
	v52 =	vmul.f32 v54, v7;
	v53 =	vmul.f32 v55, v7  }
0x19c: {  	v28 =	vld [tilespmem:s6+$0x450];
	v54 =	vmul.f32 v56, v7;
	v56 =	vmul.f32 v57, v7  }
0x19d: {  	v26 =	vld [tilespmem:s6+$0x470];
	v58 =	vmul.f32 v58, v7;
	v59 =	vmul.f32 v59, v7  }
0x19e: {  	v29 =	vld [tilespmem:s6+$0x480];
	v7 =	vmul.f32 v60, v7;
	v60 =	vmul.f32 v61, v9  }
0x19f: {  	v31 =	vld [tilespmem:s6+$0x490];
	v61 =	vmul.f32 v62, v9;
	v39 =	vmul.f32 v41, v9;
	v14 =	vadd.f32 v22, v14  }
0x1a0: {  	v34 =	vld [tilespmem:s6+$0x570];
	v41 =	vmul.f32 v42, v9;
	v15 =	vadd.f32 v63, v15;
	v16 =	vadd.f32 v46, v16  }
0x1a1: {  	v24 =	vld [tilespmem:s6+$0x430];
	v42 =	vmul.f32 v43, v9;
	v17 =	vadd.f32 v47, v17;
	v18 =	vadd.f32 v48, v18  }
0x1a2: {  	v21 =	vld [tilespmem:s6+$0x440];
	v44 =	vmul.f32 v44, v9;
	v19 =	vadd.f32 v49, v19;
	v20 =	vadd.f32 v50, v20  }
0x1a3: {  	v55 =	vld [tilespmem:s6+$0x460];
	v6 =	vadd.f32 v6, v8;
	v46 =	vmul.f32 v23, v10;
	v14 =	vadd.f32 v51, v14  }
0x1a4: {  	v62 =	vld [tilespmem:s6+$0x4A0];
	v48 =	vmul.f32 v25, v10;
	v15 =	vadd.f32 v52, v15;
	v8 =	vadd.f32 v53, v16  }
0x1a5: {  	v43 =	vld [tilespmem:s6+$0x4D0];
	v50 =	vmul.f32 v27, v10;
	v57 =	vadd.f32 v54, v17;
	v18 =	vadd.f32 v56, v18  }
0x1a6: {  	v63 =	vld [tilespmem:s6+$0x4B0];
	v6 =	vadd.f32 v7, v6;
	v7 =	vmul.f32 v40, v9;
	v9 =	vmul.f32 v45, v9  }
0x1a7: {  	v47 =	vld [tilespmem:s6+$0x4F0];
	v20 =	vadd.f32 v59, v20;
	v53 =	vmul.f32 v28, v10;
	v59 =	vmul.f32 v29, v13  }
0x1a8: {  	v49 =	vld [tilespmem:s6+$0x500];
	v17 =	vadd.f32 v58, v19;
	v24 =	vmul.f32 v24, v10;
	v52 =	vmul.f32 v21, v10  }
0x1a9: {  	v40 =	vld [tilespmem:s6+$0x4C0];
	v55 =	vmul.f32 v55, v10;
	v14 =	vadd.f32 v60, v14;
	v15 =	vadd.f32 v61, v15  }
0x1aa: {  	v45 =	vld [tilespmem:s6+$0x4E0];
	v10 =	vmul.f32 v26, v10;
	v7 =	vadd.f32 v7, v8;
	v16 =	vadd.f32 v39, v57  }
0x1ab: {  	v51 =	vld [tilespmem:s6+$0x510];
	v62 =	vmul.f32 v62, v13;
	v8 =	vadd.f32 v41, v18;
	v17 =	vadd.f32 v42, v17  }
0x1ac: {  	v54 =	vld [tilespmem:s6+$0x520];
	v38 =	vmul.f32 v43, v13;
	v19 =	vadd.f32 v44, v20;
	v6 =	vadd.f32 v9, v6  }
0x1ad: {  	v56 =	vld [tilespmem:s6+$0x530];
	v60 =	vmul.f32 v31, v13;
	v14 =	vadd.f32 v46, v14;
	v9 =	vadd.f32 v48, v15  }
0x1ae: {  	v58 =	vld [tilespmem:s6+$0x540];
	v22 =	vmul.f32 v63, v13;
	v7 =	vadd.f32 v50, v7;
	v16 =	vadd.f32 v24, v16  }
0x1af: {  	v61 =	vld [tilespmem:s6+$0x550];
	v42 =	vmul.f32 v49, v11;
	v8 =	vadd.f32 v52, v8;
	v57 =	vadd.f32 v53, v17  }
0x1b0: {  	v39 =	vld [tilespmem:s6+$0x580];
	v18 =	vadd.f32 v55, v19;
	v33 =	vmul.f32 v40, v13;
	v40 =	vmul.f32 v45, v13  }
0x1b1: {  	v41 =	vld [tilespmem:s6+$0x590];
	v6 =	vadd.f32 v10, v6;
	v13 =	vmul.f32 v47, v13;
	v43 =	vmul.f32 v51, v11  }
0x1b2: {  	v44 =	vld [tilespmem:s6+$0x5A0];
	v45 =	vmul.f32 v54, v11;
	v14 =	vadd.f32 v59, v14;
	v9 =	vadd.f32 v60, v9  }
0x1b3: {  	v63 =	vld [tilespmem:s6+$0x560];
	v47 =	vmul.f32 v56, v11;
	v7 =	vadd.f32 v62, v7;
	v37 =	vadd.f32 v22, v16  }
0x1b4: {  	v46 =	vld [tilespmem:s6+$0x5B0];
	v49 =	vmul.f32 v58, v11;
	v15 =	vadd.f32 v38, v57;
	v8 =	vadd.f32 v33, v8  }
0x1b5: {  	v48 =	vld [tilespmem:s6+$0x5C0];
	v18 =	vadd.f32 v40, v18;
	v6 =	vadd.f32 v13, v6;
	v50 =	vmul.f32 v39, v12  }
0x1b6: {  	v51 =	vld [tilespmem:s6+$0x5D0];
	v52 =	vmul.f32 v61, v11;
	v23 =	vmul.f32 v41, v12;
	v14 =	vadd.f32 v42, v14  }
0x1b7: {  	v53 =	vld [tilespmem:s6+$0x5E0];
	v55 =	vmul.f32 v44, v12;
	v9 =	vadd.f32 v43, v9;
	v7 =	vadd.f32 v45, v7  }
0x1b8: {  	v56 =	vld [tilespmem:s6+$0x5F0];
	v10 =	vadd.f32 v47, v37;
	v58 =	vmul.f32 v63, v11;
	v54 =	vadd.f32 v50, v14  }
0x1b9: {  	v11 =	vmul.f32 v34, v11;
	v57 =	vmul.f32 v46, v12;
	v9 =	vadd.f32 v23, v9  }
0x1ba: {  	v8 =	vadd.f32 v49, v8;
	v59 =	vmul.f32 v48, v12;
	v7 =	vadd.f32 v55, v7;
	[tilespmem:s28+$0x0] =	vst.add.f32.msk $0xffff, v54  }
0x1bb: {  	v15 =	vadd.f32 v52, v15;
	v60 =	vmul.f32 v51, v12;
	v10 =	vadd.f32 v57, v10;
	[tilespmem:s29+$0x0] =	vst.add.f32.msk $0xffff, v9  }
0x1bc: {  	p0 =	sne.s32 s7, $0x98;
	v62 =	vmul.f32 v53, v12;
	v61 =	vadd.f32 v58, v18;
	v8 =	vadd.f32 v59, v8;
	[tilespmem:s30+$0x0] =	vst.add.f32.msk $0xffff, v7  }
.Ltmp0:
0x1bd: {  	v6 =	vadd.f32 v11, v6;
	v63 =	vmul.f32 v56, v12;
	v7 =	vadd.f32 v60, v15;
	[tilespmem:s31+$0x0] =	vst.add.f32.msk $0xffff, v10;
	(pc) =	sbr.rel @p0 .LBB2_2-.Ltmp0, $4  }
0x1be: {  	v9 =	vadd.f32 v62, v61;
	[tilespmem:s1+$0x0] =	vst.add.f32.msk $0xffff, v8  }
0x1bf: {  	v6 =	vadd.f32 v63, v6;
	[tilespmem:s0+$0x0] =	vst.add.f32.msk $0xffff, v7  }
0x1c0: {  	[tilespmem:s12+$0x0] =	vst.add.f32.msk $0xffff, v9  }
0x1c1: {  	s7 =	sadd.s32 $0x8, s7;
	s6 =	sadd.s32 $0xC00, s6;
	[tilespmem:s15+$0x0] =	vst.add.f32.msk $0xffff, v6  }
0x1c2: {  	s6 =	rddreg [dreg:$0xc];
	s7 =	simm.s32 $0x80;
	s9 =	simm.s32 $0x400  }
0x1c3: {  	[hbm4b:s6+s7] =	stream.strided.scatter [tilespmem:s17], [sflag:$0x4], $0x180, s9, s7, $0x38;
	[tilespmem:$0xF380] =	vst v63  }
0x1c4: {  	_ =	swait.ge [sflag:s11], $0x180  }
0x1c5: {  	s5 =	sadd.s32 $0x1, s5;
	s16 =	rddreg [dreg:$0xd]  }
0x1c6: {  	p0 =	sne.s32 s5, s16  }
.Ltmp1:
0x1c7: {  	_ = 	snop;
	(pc) =	sbr.rel @p0 .LBB2_1-.Ltmp1, $3  }
0x1c8: {  	_ =	sdelay $0x1  }
0x1c9: {  	[sflag:s11] =	ssyncset.done $0x0  }
0x1ca: {  	[sflag:s11] =	ssyncadd.s32 $0xFFFFFE80  }
0x1cb: {  	_ =	sfence.sel $0x180000  }
0x1cc: {  	[bflag:$0x0] =	sbarrier.arrive $0xFFFF  }
0x1cd: {  	_ =	strace $0x90000047  }
0x1ce: {  	s0 =	stileid.u32;
	[bflag:$0x2] =	sbarrier.arrive $0xFFFF  }
0x1cf: {  	p0 =	sne.s32 s0, $0x0;
	s0 =	rddreg [dreg:$0x2]  }
0x1d0: {  	s0 =	sadd.s32 @!p0 $0x100000, s0  }
0x1d1: {  	[sflag:s0] =	ssyncadd.tile.s32 @!p0 $0x1;
	_ =	shalt  }
.Lfunc_end2:
_tile_overlayer_lowered:
.L_overlay_start_2:
0x1d2: {  	(tag) =	ssettag $0x2  }
0x1d3: {  	s0 =	rddreg [dreg:$0x0];
	s2 =	stileid.u32  }
0x1d4: {  	s1 =	rddreg [dreg:$0x1];
	p0 =	sne.s32 s2, $0x0  }
0x1d5: {  	s3 =	rddreg [dreg:$0x2];
	[bflag:$0x3] =	sbarrier.arrive $0xFFFF;
	s2 =	simm.s32 @!p0 $0x1C04  }
0x1d6: {  	[timem:s3], [sflag:s2] =	dma.local @!p0 [hbm:s0], s1  }
0x1d7: {  	s0 =	simm.s32 @!p0 $0x4  }
0x1d8: {  	_ =	swait.ge @!p0 [sflag:s0], s1  }
0x1d9: {  	s1 =	ssub.s32 @!p0 $0x0, s1;
	[sflag:s0] =	ssyncset.done @!p0 $0x0  }
0x1da: {  	[sflag:s0] =	ssyncadd.s32 @!p0 s1  }
0x1db: {  	[bflag:$0x3] =	sbarrier.arrive $0xFFFF  }
0x1dc: {  	_ =	shalt  }

</sc_bundles>
